<compile_context>
chip_gen: v7x
topology: tpu7x:2x2x1
jax: 0.10.2.dev20260603
libtpu: 0.0.44.dev20260713+nightly
codegen_flags: <defaults>
</compile_context>

<pallas_src>
import functools

import jax
import jax.numpy as jnp
from jax import lax
from jax.experimental import pallas as pl
from jax.experimental.pallas import tpu as pltpu
from jax.experimental.pallas import tpu_sc as plsc

_NC, _NS, _L = 2, 16, 16
_NEG_INF = float("-inf")


def _row_max(buf_ref, n, tmp):
    unroll = 8
    step = unroll * _L

    def body(j, accs):
        base = j * step
        accs = list(accs)
        for k in range(unroll):
            v = buf_ref[0, pl.ds(base + k * _L, _L)]
            accs[k % 4] = jnp.maximum(accs[k % 4], v)
        return tuple(accs)

    init = tuple(jnp.full((_L,), _NEG_INF, jnp.float32) for _ in range(4))
    a0, a1, a2, a3 = lax.fori_loop(0, n // step, body, init)
    u = jnp.maximum(jnp.maximum(a0, a1), jnp.maximum(a2, a3))
    for sh in (8, 4, 2, 1):
        tmp[pl.ds(0, _L)] = u
        u = jnp.maximum(u, tmp[pl.ds(sh, _L)])
    return u[0]


def _pack16(smem_ref, base):
    lanes = lax.iota(jnp.int32, _L)
    v = jnp.full((_L,), _NEG_INF, jnp.float32)
    for j in range(_L):
        v = jnp.where(lanes == j, smem_ref[base + j], v)
    return v


def _sc_body(C, D, N, NS, xyz_hbm, pts_hbm, out_xyz, out_pts,
             b0, b1, b2, b3, x0, x1, x2, res_pts, res_xyz, tmp,
             sm_pts, sm_xyz, s0, s1, s2, s3, sx):
    wid = lax.axis_index("s") * _NC + lax.axis_index("c")

    bufs = (b0, b1, b2, b3)
    xbufs = (x0, x1, x2)
    sems = (s0, s1, s2, s3)
    nbuf = 4

    tmp[pl.ds(_L, _L)] = jnp.full((_L,), _NEG_INF, jnp.float32)

    for c in range(C):
        pltpu.async_copy(xyz_hbm.at[wid, pl.ds(c, 1), :], xbufs[c], sx)

    for k in range(nbuf):
        pltpu.async_copy(pts_hbm.at[wid, pl.ds(k, 1), pl.ds(0, NS)],
                         bufs[k], sems[k])

    def chunk_loop(g, _):
        for k in range(nbuf):
            row = g * nbuf + k
            pltpu.make_async_copy(pts_hbm.at[0, pl.ds(0, 1), pl.ds(0, NS)],
                                  bufs[k], sems[k]).wait()
            sm_pts[row] = _row_max(bufs[k], NS, tmp)

            @pl.when(row + nbuf < D)
            def _():
                pltpu.async_copy(
                    pts_hbm.at[wid, pl.ds(row + nbuf, 1), pl.ds(0, NS)],
                    bufs[k], sems[k])
        return 0

    lax.fori_loop(0, D // nbuf, chunk_loop, 0)

    for c in range(C):
        pltpu.make_async_copy(xyz_hbm.at[0, pl.ds(0, 1), :], xbufs[c],
                              sx).wait()
    for c in range(C):
        sm_xyz[c] = _row_max(xbufs[c], N, tmp)
    for c in range(C, _L):
        sm_xyz[c] = 0.0

    for i in range(D // _L):
        res_pts[pl.ds(i * _L, _L)] = _pack16(sm_pts, i * _L)
    res_xyz[...] = _pack16(sm_xyz, 0)

    pltpu.sync_copy(res_pts, out_pts.at[pl.ds(wid * D, D)])
    pltpu.sync_copy(res_xyz, out_xyz.at[pl.ds(wid * _L, _L)])


def _sc_channel_max(xyz, points, ns):
    B, C, N = xyz.shape
    D = points.shape[1]
    mesh = plsc.VectorSubcoreMesh(core_axis_name="c", subcore_axis_name="s")
    f = pl.kernel(
        functools.partial(_sc_body, C, D, N, ns),
        out_type=[
            jax.ShapeDtypeStruct((B * _L,), jnp.float32),
            jax.ShapeDtypeStruct((B * D,), jnp.float32),
        ],
        mesh=mesh,
        scratch_types=[
            pltpu.VMEM((1, ns), jnp.float32),
            pltpu.VMEM((1, ns), jnp.float32),
            pltpu.VMEM((1, ns), jnp.float32),
            pltpu.VMEM((1, ns), jnp.float32),
            pltpu.VMEM((1, N), jnp.float32),
            pltpu.VMEM((1, N), jnp.float32),
            pltpu.VMEM((1, N), jnp.float32),
            pltpu.VMEM((D,), jnp.float32),
            pltpu.VMEM((_L,), jnp.float32),
            pltpu.VMEM((2 * _L,), jnp.float32),
            pltpu.SMEM((D,), jnp.float32),
            pltpu.SMEM((_L,), jnp.float32),
            pltpu.SemaphoreType.DMA,
            pltpu.SemaphoreType.DMA,
            pltpu.SemaphoreType.DMA,
            pltpu.SemaphoreType.DMA,
            pltpu.SemaphoreType.DMA,
        ],
        compiler_params=pltpu.CompilerParams(use_tc_tiling_on_sc=True),
    )
    return f(xyz, points)


def _combine_body(C, ox_ref, osc_ref, otc_ref, out_ref):
    m = jnp.maximum(osc_ref[...], otc_ref[...])
    out_ref[...] = jnp.concatenate([ox_ref[:, :C], m], axis=1)


def _tc_combine(ox, op_sc, op_tc, C):
    B, D = op_sc.shape
    return pl.pallas_call(
        functools.partial(_combine_body, C),
        out_shape=jax.ShapeDtypeStruct((B, C + D), op_sc.dtype),
    )(ox, op_sc, op_tc)


_SPLIT = 8192


def kernel(xyz, points):
    B, C, N = xyz.shape
    D = points.shape[1]
    op_tc = jnp.max(points[:, :, _SPLIT:], axis=-1)
    ox, op = _sc_channel_max(xyz, points, _SPLIT)
    new_points = _tc_combine(ox.reshape(B, _L), op.reshape(B, D), op_tc, C)
    new_points = new_points[:, :, None]
    new_xyz = jnp.zeros((B, C, 1), dtype=xyz.dtype)
    return (new_xyz, new_points)

# --- scband reference (transcript-rebuilt; emitter-appended) ---
"""Pipeline reference for scband-point-net-set-abstraction-68650757259520 (READ-ONLY COPY).

The authoritative reference and input builder live on the scoring server;
editing this copy changes nothing except your own understanding.
"""

import jax, jax.numpy as jnp
import numpy as np


def setup_inputs(seed: int = 0) -> dict:
    key = jax.random.key(seed)
    k1, k2 = jax.random.split(key)
    xyz = jax.random.normal(k1, (32, 3, 16384), dtype=jnp.float32)
    points = jax.random.normal(k2, (32, 128, 16384), dtype=jnp.float32)
    return {"xyz": xyz, "points": points}


def reference(xyz, points):
    # group_all=True path of PointNetSetAbstraction.forward
    # xyz: [B, C, N], points: [B, D, N]
    B, C, N = xyz.shape
    xyz_t = jnp.transpose(xyz, (0, 2, 1))        # [B, N, C]
    pts_t = jnp.transpose(points, (0, 2, 1))     # [B, N, D]
    # sample_and_group_all
    new_xyz = jnp.zeros((B, 1, C), dtype=xyz.dtype)            # [B, 1, C]
    grouped_xyz = xyz_t.reshape(B, 1, N, C)                    # [B, 1, N, C]
    new_points = jnp.concatenate([grouped_xyz, pts_t.reshape(B, 1, N, -1)], axis=-1)  # [B,1,N,C+D]
    # forward tail
    new_points = jnp.transpose(new_points, (0, 3, 2, 1))       # [B, C+D, N, 1]
    new_points = jnp.max(new_points, axis=2)                   # [B, C+D, 1]
    new_xyz = jnp.transpose(new_xyz, (0, 2, 1))                # [B, C, 1]
    return (new_xyz, new_points)

if __name__ == "__main__":
    import jax
    _d = setup_inputs()
    print(jax.jit(kernel)(*tuple(_d.values())))

</pallas_src>

<mosaic_0001>
#map = affine_map<(d0, d1) -> (0, 0, 0)>
#map1 = affine_map<(d0, d1) -> (0)>
module attributes {stable_mosaic.version = 14 : i64} {
  func.func @_sc_body(%arg0: i32, %arg1: i32, %arg2: memref<32x3x16384xf32, #tpu.memory_space<hbm>>, %arg3: memref<32x128x16384xf32, #tpu.memory_space<hbm>>, %arg4: memref<512xf32, #tpu.memory_space<hbm>>, %arg5: memref<4096xf32, #tpu.memory_space<hbm>>, %arg6: memref<1x8192xf32, #tpu.memory_space<vmem>>, %arg7: memref<1x8192xf32, #tpu.memory_space<vmem>>, %arg8: memref<1x8192xf32, #tpu.memory_space<vmem>>, %arg9: memref<1x8192xf32, #tpu.memory_space<vmem>>, %arg10: memref<1x16384xf32, #tpu.memory_space<vmem>>, %arg11: memref<1x16384xf32, #tpu.memory_space<vmem>>, %arg12: memref<1x16384xf32, #tpu.memory_space<vmem>>, %arg13: memref<128xf32, #tpu.memory_space<vmem>>, %arg14: memref<16xf32, #tpu.memory_space<vmem>>, %arg15: memref<32xf32, #tpu.memory_space<vmem>>, %arg16: memref<128xf32, #tpu.memory_space<smem>>, %arg17: memref<16xf32, #tpu.memory_space<smem>>, %arg18: memref<!tpu.dma_semaphore, #tpu.memory_space<semaphore_mem>>, %arg19: memref<!tpu.dma_semaphore, #tpu.memory_space<semaphore_mem>>, %arg20: memref<!tpu.dma_semaphore, #tpu.memory_space<semaphore_mem>>, %arg21: memref<!tpu.dma_semaphore, #tpu.memory_space<semaphore_mem>>, %arg22: memref<!tpu.dma_semaphore, #tpu.memory_space<semaphore_mem>>) attributes {dimension_semantics = [#tpu.dimension_semantics<core_parallel>, #tpu.dimension_semantics<subcore_parallel>], iteration_bounds = array<i64: 2, 16>, scalar_prefetch = 0 : i64, scratch_operands = 17 : i64, tpu.core_type = #tpu.core_type<sc_vector_subcore>, window_params = [{transform_indices = #map}, {transform_indices = #map}, {transform_indices = #map1}, {transform_indices = #map1}]} {
    %mul3A = arith.constant 2 : i32
    %mul3A_0 = arith.muli %arg1, %mul3A : i32
    %add3A = arith.addi %mul3A_0, %arg0 : i32
    %broadcast_in_dim3A = arith.constant 0xFF800000 : f32
    %broadcast_in_dim3A_1 = vector.broadcast %broadcast_in_dim3A : f32 to vector<16xf32>
    %swap3A = arith.constant 16 : index
    %swap3A_2 = tpu.vector_load %arg15[%swap3A] {strides = array<i32>} : memref<32xf32, #tpu.memory_space<vmem>>, vector<16xf32>,
    %swap3A_3 = vector.shape_cast %swap3A_2 : vector<16xf32> to vector<16xf32>
    %swap3A_4 = vector.shape_cast %broadcast_in_dim3A_1 : vector<16xf32> to vector<16xf32>
    tpu.vector_store %arg15[%swap3A], %swap3A_4 {strides = array<i32>} : memref<32xf32, #tpu.memory_space<vmem>>, vector<16xf32>,
    %dma_start3A = arith.constant 0 : i32
    %dma_start3A_5 = arith.constant 0 : i32
    %dma_start3A_6 = tpu.memref_slice %arg2[%add3A, %dma_start3A, %dma_start3A_5] : memref<32x3x16384xf32, #tpu.memory_space<hbm>> -> memref<1x1x16384xf32, #tpu.memory_space<hbm>>
    %dma_start3A_7 = tpu.memref_squeeze %dma_start3A_6 : memref<1x1x16384xf32, #tpu.memory_space<hbm>> -> memref<1x16384xf32, #tpu.memory_space<hbm>>
    %dma_start3A_8 = arith.constant 0 : i32
    %dma_start3A_9 = arith.constant 0 : i32
    %dma_start3A_10 = tpu.memref_slice %arg2[%add3A, %dma_start3A_8, %dma_start3A_9] : memref<32x3x16384xf32, #tpu.memory_space<hbm>> -> memref<1x1x16384xf32, #tpu.memory_space<hbm>>
    %dma_start3A_11 = tpu.memref_squeeze %dma_start3A_10 : memref<1x1x16384xf32, #tpu.memory_space<hbm>> -> memref<1x16384xf32, #tpu.memory_space<hbm>>
    tpu.enqueue_dma source(%dma_start3A_11 : memref<1x16384xf32, #tpu.memory_space<hbm>>) target(%arg10 : memref<1x16384xf32, #tpu.memory_space<vmem>>) target_semaphore(%arg22 : memref<!tpu.dma_semaphore, #tpu.memory_space<semaphore_mem>>)
    %dma_start3A_12 = arith.constant 1 : i32
    %dma_start3A_13 = arith.constant 0 : i32
    %dma_start3A_14 = tpu.memref_slice %arg2[%add3A, %dma_start3A_12, %dma_start3A_13] : memref<32x3x16384xf32, #tpu.memory_space<hbm>> -> memref<1x1x16384xf32, #tpu.memory_space<hbm>>
    %dma_start3A_15 = tpu.memref_squeeze %dma_start3A_14 : memref<1x1x16384xf32, #tpu.memory_space<hbm>> -> memref<1x16384xf32, #tpu.memory_space<hbm>>
    %dma_start3A_16 = arith.constant 1 : i32
    %dma_start3A_17 = arith.constant 0 : i32
    %dma_start3A_18 = tpu.memref_slice %arg2[%add3A, %dma_start3A_16, %dma_start3A_17] : memref<32x3x16384xf32, #tpu.memory_space<hbm>> -> memref<1x1x16384xf32, #tpu.memory_space<hbm>>
    %dma_start3A_19 = tpu.memref_squeeze %dma_start3A_18 : memref<1x1x16384xf32, #tpu.memory_space<hbm>> -> memref<1x16384xf32, #tpu.memory_space<hbm>>
    tpu.enqueue_dma source(%dma_start3A_19 : memref<1x16384xf32, #tpu.memory_space<hbm>>) target(%arg11 : memref<1x16384xf32, #tpu.memory_space<vmem>>) target_semaphore(%arg22 : memref<!tpu.dma_semaphore, #tpu.memory_space<semaphore_mem>>)
    %dma_start3A_20 = arith.constant 2 : i32
    %dma_start3A_21 = arith.constant 0 : i32
    %dma_start3A_22 = tpu.memref_slice %arg2[%add3A, %dma_start3A_20, %dma_start3A_21] : memref<32x3x16384xf32, #tpu.memory_space<hbm>> -> memref<1x1x16384xf32, #tpu.memory_space<hbm>>
    %dma_start3A_23 = tpu.memref_squeeze %dma_start3A_22 : memref<1x1x16384xf32, #tpu.memory_space<hbm>> -> memref<1x16384xf32, #tpu.memory_space<hbm>>
    %dma_start3A_24 = arith.constant 2 : i32
    %dma_start3A_25 = arith.constant 0 : i32
    %dma_start3A_26 = tpu.memref_slice %arg2[%add3A, %dma_start3A_24, %dma_start3A_25] : memref<32x3x16384xf32, #tpu.memory_space<hbm>> -> memref<1x1x16384xf32, #tpu.memory_space<hbm>>
    %dma_start3A_27 = tpu.memref_squeeze %dma_start3A_26 : memref<1x1x16384xf32, #tpu.memory_space<hbm>> -> memref<1x16384xf32, #tpu.memory_space<hbm>>
    tpu.enqueue_dma source(%dma_start3A_27 : memref<1x16384xf32, #tpu.memory_space<hbm>>) target(%arg12 : memref<1x16384xf32, #tpu.memory_space<vmem>>) target_semaphore(%arg22 : memref<!tpu.dma_semaphore, #tpu.memory_space<semaphore_mem>>)
    %dma_start3A_28 = arith.constant 0 : i32
    %dma_start3A_29 = arith.constant 0 : i32
    %dma_start3A_30 = tpu.memref_slice %arg3[%add3A, %dma_start3A_28, %dma_start3A_29] : memref<32x128x16384xf32, #tpu.memory_space<hbm>> -> memref<1x1x8192xf32, #tpu.memory_space<hbm>>
    %dma_start3A_31 = tpu.memref_squeeze %dma_start3A_30 : memref<1x1x8192xf32, #tpu.memory_space<hbm>> -> memref<1x8192xf32, #tpu.memory_space<hbm>>
    %dma_start3A_32 = arith.constant 0 : i32
    %dma_start3A_33 = arith.constant 0 : i32
    %dma_start3A_34 = tpu.memref_slice %arg3[%add3A, %dma_start3A_32, %dma_start3A_33] : memref<32x128x16384xf32, #tpu.memory_space<hbm>> -> memref<1x1x8192xf32, #tpu.memory_space<hbm>>
    %dma_start3A_35 = tpu.memref_squeeze %dma_start3A_34 : memref<1x1x8192xf32, #tpu.memory_space<hbm>> -> memref<1x8192xf32, #tpu.memory_space<hbm>>
    tpu.enqueue_dma source(%dma_start3A_35 : memref<1x8192xf32, #tpu.memory_space<hbm>>) target(%arg6 : memref<1x8192xf32, #tpu.memory_space<vmem>>) target_semaphore(%arg18 : memref<!tpu.dma_semaphore, #tpu.memory_space<semaphore_mem>>)
    %dma_start3A_36 = arith.constant 1 : i32
    %dma_start3A_37 = arith.constant 0 : i32
    %dma_start3A_38 = tpu.memref_slice %arg3[%add3A, %dma_start3A_36, %dma_start3A_37] : memref<32x128x16384xf32, #tpu.memory_space<hbm>> -> memref<1x1x8192xf32, #tpu.memory_space<hbm>>
    %dma_start3A_39 = tpu.memref_squeeze %dma_start3A_38 : memref<1x1x8192xf32, #tpu.memory_space<hbm>> -> memref<1x8192xf32, #tpu.memory_space<hbm>>
    %dma_start3A_40 = arith.constant 1 : i32
    %dma_start3A_41 = arith.constant 0 : i32
    %dma_start3A_42 = tpu.memref_slice %arg3[%add3A, %dma_start3A_40, %dma_start3A_41] : memref<32x128x16384xf32, #tpu.memory_space<hbm>> -> memref<1x1x8192xf32, #tpu.memory_space<hbm>>
    %dma_start3A_43 = tpu.memref_squeeze %dma_start3A_42 : memref<1x1x8192xf32, #tpu.memory_space<hbm>> -> memref<1x8192xf32, #tpu.memory_space<hbm>>
    tpu.enqueue_dma source(%dma_start3A_43 : memref<1x8192xf32, #tpu.memory_space<hbm>>) target(%arg7 : memref<1x8192xf32, #tpu.memory_space<vmem>>) target_semaphore(%arg19 : memref<!tpu.dma_semaphore, #tpu.memory_space<semaphore_mem>>)
    %dma_start3A_44 = arith.constant 2 : i32
    %dma_start3A_45 = arith.constant 0 : i32
    %dma_start3A_46 = tpu.memref_slice %arg3[%add3A, %dma_start3A_44, %dma_start3A_45] : memref<32x128x16384xf32, #tpu.memory_space<hbm>> -> memref<1x1x8192xf32, #tpu.memory_space<hbm>>
    %dma_start3A_47 = tpu.memref_squeeze %dma_start3A_46 : memref<1x1x8192xf32, #tpu.memory_space<hbm>> -> memref<1x8192xf32, #tpu.memory_space<hbm>>
    %dma_start3A_48 = arith.constant 2 : i32
    %dma_start3A_49 = arith.constant 0 : i32
    %dma_start3A_50 = tpu.memref_slice %arg3[%add3A, %dma_start3A_48, %dma_start3A_49] : memref<32x128x16384xf32, #tpu.memory_space<hbm>> -> memref<1x1x8192xf32, #tpu.memory_space<hbm>>
    %dma_start3A_51 = tpu.memref_squeeze %dma_start3A_50 : memref<1x1x8192xf32, #tpu.memory_space<hbm>> -> memref<1x8192xf32, #tpu.memory_space<hbm>>
    tpu.enqueue_dma source(%dma_start3A_51 : memref<1x8192xf32, #tpu.memory_space<hbm>>) target(%arg8 : memref<1x8192xf32, #tpu.memory_space<vmem>>) target_semaphore(%arg20 : memref<!tpu.dma_semaphore, #tpu.memory_space<semaphore_mem>>)
    %dma_start3A_52 = arith.constant 3 : i32
    %dma_start3A_53 = arith.constant 0 : i32
    %dma_start3A_54 = tpu.memref_slice %arg3[%add3A, %dma_start3A_52, %dma_start3A_53] : memref<32x128x16384xf32, #tpu.memory_space<hbm>> -> memref<1x1x8192xf32, #tpu.memory_space<hbm>>
    %dma_start3A_55 = tpu.memref_squeeze %dma_start3A_54 : memref<1x1x8192xf32, #tpu.memory_space<hbm>> -> memref<1x8192xf32, #tpu.memory_space<hbm>>
    %dma_start3A_56 = arith.constant 3 : i32
    %dma_start3A_57 = arith.constant 0 : i32
    %dma_start3A_58 = tpu.memref_slice %arg3[%add3A, %dma_start3A_56, %dma_start3A_57] : memref<32x128x16384xf32, #tpu.memory_space<hbm>> -> memref<1x1x8192xf32, #tpu.memory_space<hbm>>
    %dma_start3A_59 = tpu.memref_squeeze %dma_start3A_58 : memref<1x1x8192xf32, #tpu.memory_space<hbm>> -> memref<1x8192xf32, #tpu.memory_space<hbm>>
    tpu.enqueue_dma source(%dma_start3A_59 : memref<1x8192xf32, #tpu.memory_space<hbm>>) target(%arg9 : memref<1x8192xf32, #tpu.memory_space<vmem>>) target_semaphore(%arg21 : memref<!tpu.dma_semaphore, #tpu.memory_space<semaphore_mem>>)
    %scan3A = arith.constant 0 : i32
    %scan3A_60 = arith.constant 0 : i32
    %scan3A_61 = arith.constant 32 : i32
    %scan3A_62 = arith.addi %scan3A_60, %scan3A_61 : i32
    %scan3A_63 = arith.constant 1 : i32
    %scan3A_64 = scf.for %scan3A_1518 = %scan3A_60 to %scan3A_62 step %scan3A_63 iter_args(%scan3A_1519 = %scan3A) -> (i32)  : i32 {
      %mul3A_1520 = arith.constant 4 : i32
      %mul3A_1521 = arith.muli %scan3A_1518, %mul3A_1520 : i32
      %add3A_1522 = arith.constant 0 : i32
      %add3A_1523 = arith.addi %mul3A_1521, %add3A_1522 : i32
      %dma_wait3A_1524 = arith.constant 0 : i32
      %dma_wait3A_1525 = arith.constant 0 : i32
      %dma_wait3A_1526 = arith.constant 0 : i32
      %dma_wait3A_1527 = tpu.memref_slice %arg3[%dma_wait3A_1524, %dma_wait3A_1525, %dma_wait3A_1526] : memref<32x128x16384xf32, #tpu.memory_space<hbm>> -> memref<1x1x8192xf32, #tpu.memory_space<hbm>>
      %dma_wait3A_1528 = tpu.memref_squeeze %dma_wait3A_1527 : memref<1x1x8192xf32, #tpu.memory_space<hbm>> -> memref<1x8192xf32, #tpu.memory_space<hbm>>
      %dma_wait3A_1529 = arith.constant 0 : i32
      %dma_wait3A_1530 = arith.constant 0 : i32
      %dma_wait3A_1531 = tpu.memref_slice %arg3[%dma_wait3A_1524, %dma_wait3A_1529, %dma_wait3A_1530] : memref<32x128x16384xf32, #tpu.memory_space<hbm>> -> memref<1x1x8192xf32, #tpu.memory_space<hbm>>
      %dma_wait3A_1532 = tpu.memref_squeeze %dma_wait3A_1531 : memref<1x1x8192xf32, #tpu.memory_space<hbm>> -> memref<1x8192xf32, #tpu.memory_space<hbm>>
      tpu.wait_dma2 semaphore(%arg18 : memref<!tpu.dma_semaphore, #tpu.memory_space<semaphore_mem>>) src(%dma_wait3A_1532 : memref<1x8192xf32, #tpu.memory_space<hbm>>) dst(%arg6 : memref<1x8192xf32, #tpu.memory_space<vmem>>)
      %broadcast_in_dim3A_1533 = arith.constant 0xFF800000 : f32
      %broadcast_in_dim3A_1534 = vector.broadcast %broadcast_in_dim3A_1533 : f32 to vector<16xf32>
      %broadcast_in_dim3A_1535 = arith.constant 0xFF800000 : f32
      %broadcast_in_dim3A_1536 = vector.broadcast %broadcast_in_dim3A_1535 : f32 to vector<16xf32>
      %broadcast_in_dim3A_1537 = arith.constant 0xFF800000 : f32
      %broadcast_in_dim3A_1538 = vector.broadcast %broadcast_in_dim3A_1537 : f32 to vector<16xf32>
      %broadcast_in_dim3A_1539 = arith.constant 0xFF800000 : f32
      %broadcast_in_dim3A_1540 = vector.broadcast %broadcast_in_dim3A_1539 : f32 to vector<16xf32>
      %scan3A_1541 = arith.constant 0 : i32
      %scan3A_1542 = arith.constant 64 : i32
      %scan3A_1543 = arith.addi %scan3A_1541, %scan3A_1542 : i32
      %scan3A_1544 = arith.constant 1 : i32
      %scan3A_1545:4 = scf.for %scan3A_1810 = %scan3A_1541 to %scan3A_1543 step %scan3A_1544 iter_args(%scan3A_1811 = %broadcast_in_dim3A_1534, %scan3A_1812 = %broadcast_in_dim3A_1536, %scan3A_1813 = %broadcast_in_dim3A_1538, %scan3A_1814 = %broadcast_in_dim3A_1540) -> (vector<16xf32>, vector<16xf32>, vector<16xf32>, vector<16xf32>)  : i32 {
        %mul3A_1815 = arith.constant 128 : i32
        %mul3A_1816 = arith.muli %scan3A_1810, %mul3A_1815 : i32
        %add3A_1817 = arith.constant 0 : i32
        %add3A_1818 = arith.addi %mul3A_1816, %add3A_1817 : i32
        %get3A_1819 = arith.constant 0 : i32
        %get3A_1820 = arith.index_cast %get3A_1819 : i32 to index
        %get3A_1821 = arith.index_cast %add3A_1818 : i32 to index
        %get3A_1822 = tpu.vector_load %arg6[%get3A_1820, %get3A_1821] {strides = array<i32>} : memref<1x8192xf32, #tpu.memory_space<vmem>>, vector<1x16xf32>,
        %get3A_1823 = vector.shape_cast %get3A_1822 : vector<1x16xf32> to vector<16xf32>
        %max3A_1824 = arith.maximumf %scan3A_1811, %get3A_1823 : vector<16xf32>
        %add3A_1825 = arith.constant 16 : i32
        %add3A_1826 = arith.addi %mul3A_1816, %add3A_1825 : i32
        %get3A_1827 = arith.constant 0 : i32
        %get3A_1828 = arith.index_cast %get3A_1827 : i32 to index
        %get3A_1829 = arith.index_cast %add3A_1826 : i32 to index
        %get3A_1830 = tpu.vector_load %arg6[%get3A_1828, %get3A_1829] {strides = array<i32>} : memref<1x8192xf32, #tpu.memory_space<vmem>>, vector<1x16xf32>,
        %get3A_1831 = vector.shape_cast %get3A_1830 : vector<1x16xf32> to vector<16xf32>
        %max3A_1832 = arith.maximumf %scan3A_1812, %get3A_1831 : vector<16xf32>
        %add3A_1833 = arith.constant 32 : i32
        %add3A_1834 = arith.addi %mul3A_1816, %add3A_1833 : i32
        %get3A_1835 = arith.constant 0 : i32
        %get3A_1836 = arith.index_cast %get3A_1835 : i32 to index
        %get3A_1837 = arith.index_cast %add3A_1834 : i32 to index
        %get3A_1838 = tpu.vector_load %arg6[%get3A_1836, %get3A_1837] {strides = array<i32>} : memref<1x8192xf32, #tpu.memory_space<vmem>>, vector<1x16xf32>,
        %get3A_1839 = vector.shape_cast %get3A_1838 : vector<1x16xf32> to vector<16xf32>
        %max3A_1840 = arith.maximumf %scan3A_1813, %get3A_1839 : vector<16xf32>
        %add3A_1841 = arith.constant 48 : i32
        %add3A_1842 = arith.addi %mul3A_1816, %add3A_1841 : i32
        %get3A_1843 = arith.constant 0 : i32
        %get3A_1844 = arith.index_cast %get3A_1843 : i32 to index
        %get3A_1845 = arith.index_cast %add3A_1842 : i32 to index
        %get3A_1846 = tpu.vector_load %arg6[%get3A_1844, %get3A_1845] {strides = array<i32>} : memref<1x8192xf32, #tpu.memory_space<vmem>>, vector<1x16xf32>,
        %get3A_1847 = vector.shape_cast %get3A_1846 : vector<1x16xf32> to vector<16xf32>
        %max3A_1848 = arith.maximumf %scan3A_1814, %get3A_1847 : vector<16xf32>
        %add3A_1849 = arith.constant 64 : i32
        %add3A_1850 = arith.addi %mul3A_1816, %add3A_1849 : i32
        %get3A_1851 = arith.constant 0 : i32
        %get3A_1852 = arith.index_cast %get3A_1851 : i32 to index
        %get3A_1853 = arith.index_cast %add3A_1850 : i32 to index
        %get3A_1854 = tpu.vector_load %arg6[%get3A_1852, %get3A_1853] {strides = array<i32>} : memref<1x8192xf32, #tpu.memory_space<vmem>>, vector<1x16xf32>,
        %get3A_1855 = vector.shape_cast %get3A_1854 : vector<1x16xf32> to vector<16xf32>
        %max3A_1856 = arith.maximumf %max3A_1824, %get3A_1855 : vector<16xf32>
        %add3A_1857 = arith.constant 80 : i32
        %add3A_1858 = arith.addi %mul3A_1816, %add3A_1857 : i32
        %get3A_1859 = arith.constant 0 : i32
        %get3A_1860 = arith.index_cast %get3A_1859 : i32 to index
        %get3A_1861 = arith.index_cast %add3A_1858 : i32 to index
        %get3A_1862 = tpu.vector_load %arg6[%get3A_1860, %get3A_1861] {strides = array<i32>} : memref<1x8192xf32, #tpu.memory_space<vmem>>, vector<1x16xf32>,
        %get3A_1863 = vector.shape_cast %get3A_1862 : vector<1x16xf32> to vector<16xf32>
        %max3A_1864 = arith.maximumf %max3A_1832, %get3A_1863 : vector<16xf32>
        %add3A_1865 = arith.constant 96 : i32
        %add3A_1866 = arith.addi %mul3A_1816, %add3A_1865 : i32
        %get3A_1867 = arith.constant 0 : i32
        %get3A_1868 = arith.index_cast %get3A_1867 : i32 to index
        %get3A_1869 = arith.index_cast %add3A_1866 : i32 to index
        %get3A_1870 = tpu.vector_load %arg6[%get3A_1868, %get3A_1869] {strides = array<i32>} : memref<1x8192xf32, #tpu.memory_space<vmem>>, vector<1x16xf32>,
        %get3A_1871 = vector.shape_cast %get3A_1870 : vector<1x16xf32> to vector<16xf32>
        %max3A_1872 = arith.maximumf %max3A_1840, %get3A_1871 : vector<16xf32>
        %add3A_1873 = arith.constant 112 : i32
        %add3A_1874 = arith.addi %mul3A_1816, %add3A_1873 : i32
        %get3A_1875 = arith.constant 0 : i32
        %get3A_1876 = arith.index_cast %get3A_1875 : i32 to index
        %get3A_1877 = arith.index_cast %add3A_1874 : i32 to index
        %get3A_1878 = tpu.vector_load %arg6[%get3A_1876, %get3A_1877] {strides = array<i32>} : memref<1x8192xf32, #tpu.memory_space<vmem>>, vector<1x16xf32>,
        %get3A_1879 = vector.shape_cast %get3A_1878 : vector<1x16xf32> to vector<16xf32>
        %max3A_1880 = arith.maximumf %max3A_1848, %get3A_1879 : vector<16xf32>
        scf.yield %max3A_1856, %max3A_1864, %max3A_1872, %max3A_1880 : vector<16xf32>, vector<16xf32>, vector<16xf32>, vector<16xf32>
      }
      %scan3A_1546 = arith.constant 64 : i32
      %max3A_1547 = arith.maximumf %scan3A_1545#0, %scan3A_1545#1 : vector<16xf32>
      %max3A_1548 = arith.maximumf %scan3A_1545#2, %scan3A_1545#3 : vector<16xf32>
      %max3A_1549 = arith.maximumf %max3A_1547, %max3A_1548 : vector<16xf32>
      %swap3A_1550 = arith.constant 0 : index
      %swap3A_1551 = tpu.vector_load %arg15[%swap3A_1550] {strides = array<i32>} : memref<32xf32, #tpu.memory_space<vmem>>, vector<16xf32>,
      %swap3A_1552 = vector.shape_cast %swap3A_1551 : vector<16xf32> to vector<16xf32>
      %swap3A_1553 = vector.shape_cast %max3A_1549 : vector<16xf32> to vector<16xf32>
      tpu.vector_store %arg15[%swap3A_1550], %swap3A_1553 {strides = array<i32>} : memref<32xf32, #tpu.memory_space<vmem>>, vector<16xf32>,
      %get3A_1554 = arith.constant 8 : index
      %get3A_1555 = tpu.vector_load %arg15[%get3A_1554] {strides = array<i32>} : memref<32xf32, #tpu.memory_space<vmem>>, vector<16xf32>,
      %get3A_1556 = vector.shape_cast %get3A_1555 : vector<16xf32> to vector<16xf32>
      %max3A_1557 = arith.maximumf %max3A_1549, %get3A_1556 : vector<16xf32>
      %swap3A_1558 = arith.constant 0 : index
      %swap3A_1559 = tpu.vector_load %arg15[%swap3A_1558] {strides = array<i32>} : memref<32xf32, #tpu.memory_space<vmem>>, vector<16xf32>,
      %swap3A_1560 = vector.shape_cast %swap3A_1559 : vector<16xf32> to vector<16xf32>
      %swap3A_1561 = vector.shape_cast %max3A_1557 : vector<16xf32> to vector<16xf32>
      tpu.vector_store %arg15[%swap3A_1558], %swap3A_1561 {strides = array<i32>} : memref<32xf32, #tpu.memory_space<vmem>>, vector<16xf32>,
      %get3A_1562 = arith.constant 4 : index
      %get3A_1563 = tpu.vector_load %arg15[%get3A_1562] {strides = array<i32>} : memref<32xf32, #tpu.memory_space<vmem>>, vector<16xf32>,
      %get3A_1564 = vector.shape_cast %get3A_1563 : vector<16xf32> to vector<16xf32>
      %max3A_1565 = arith.maximumf %max3A_1557, %get3A_1564 : vector<16xf32>
      %swap3A_1566 = arith.constant 0 : index
      %swap3A_1567 = tpu.vector_load %arg15[%swap3A_1566] {strides = array<i32>} : memref<32xf32, #tpu.memory_space<vmem>>, vector<16xf32>,
      %swap3A_1568 = vector.shape_cast %swap3A_1567 : vector<16xf32> to vector<16xf32>
      %swap3A_1569 = vector.shape_cast %max3A_1565 : vector<16xf32> to vector<16xf32>
      tpu.vector_store %arg15[%swap3A_1566], %swap3A_1569 {strides = array<i32>} : memref<32xf32, #tpu.memory_space<vmem>>, vector<16xf32>,
      %get3A_1570 = arith.constant 2 : index
      %get3A_1571 = tpu.vector_load %arg15[%get3A_1570] {strides = array<i32>} : memref<32xf32, #tpu.memory_space<vmem>>, vector<16xf32>,
      %get3A_1572 = vector.shape_cast %get3A_1571 : vector<16xf32> to vector<16xf32>
      %max3A_1573 = arith.maximumf %max3A_1565, %get3A_1572 : vector<16xf32>
      %swap3A_1574 = arith.constant 0 : index
      %swap3A_1575 = tpu.vector_load %arg15[%swap3A_1574] {strides = array<i32>} : memref<32xf32, #tpu.memory_space<vmem>>, vector<16xf32>,
      %swap3A_1576 = vector.shape_cast %swap3A_1575 : vector<16xf32> to vector<16xf32>
      %swap3A_1577 = vector.shape_cast %max3A_1573 : vector<16xf32> to vector<16xf32>
      tpu.vector_store %arg15[%swap3A_1574], %swap3A_1577 {strides = array<i32>} : memref<32xf32, #tpu.memory_space<vmem>>, vector<16xf32>,
      %get3A_1578 = arith.constant 1 : index
      %get3A_1579 = tpu.vector_load %arg15[%get3A_1578] {strides = array<i32>} : memref<32xf32, #tpu.memory_space<vmem>>, vector<16xf32>,
      %get3A_1580 = vector.shape_cast %get3A_1579 : vector<16xf32> to vector<16xf32>
      %max3A_1581 = arith.maximumf %max3A_1573, %get3A_1580 : vector<16xf32>
      %slice3A_1582 = vector.extract_strided_slice %max3A_1581 {offsets = [0], sizes = [1], strides = [1]} : vector<16xf32> to vector<1xf32>
      %squeeze3A_1583 = vector.extract %slice3A_1582[0] : f32 from vector<1xf32>
      %swap3A_1584 = arith.index_cast %add3A_1523 : i32 to index
      %swap3A_1585 = memref.load %arg16[%swap3A_1584] : memref<128xf32, #tpu.memory_space<smem>>
      memref.store %squeeze3A_1583, %arg16[%swap3A_1584] : memref<128xf32, #tpu.memory_space<smem>>
      %add3A_1586 = arith.constant 4 : i32
      %add3A_1587 = arith.addi %add3A_1523, %add3A_1586 : i32
      %lt3A = arith.constant 128 : i32
      %lt3A_1588 = arith.cmpi slt, %add3A_1587, %lt3A : i32
      %convert_element_type3A = arith.extui %lt3A_1588 : i1 to i32
      %cond3A = arith.constant 0 : i32
      %cond3A_1589 = arith.cmpi ne, %convert_element_type3A, %cond3A : i32
      scf.if %cond3A_1589 {
        %add3A_1810 = arith.constant 4 : i32
        %add3A_1811 = arith.addi %add3A_1523, %add3A_1810 : i32
        %dma_start3A_1812 = arith.constant 0 : i32
        %dma_start3A_1813 = tpu.memref_slice %arg3[%add3A, %add3A_1811, %dma_start3A_1812] : memref<32x128x16384xf32, #tpu.memory_space<hbm>> -> memref<1x1x8192xf32, #tpu.memory_space<hbm>>
        %dma_start3A_1814 = tpu.memref_squeeze %dma_start3A_1813 : memref<1x1x8192xf32, #tpu.memory_space<hbm>> -> memref<1x8192xf32, #tpu.memory_space<hbm>>
        %dma_start3A_1815 = arith.constant 0 : i32
        %dma_start3A_1816 = tpu.memref_slice %arg3[%add3A, %add3A_1811, %dma_start3A_1815] : memref<32x128x16384xf32, #tpu.memory_space<hbm>> -> memref<1x1x8192xf32, #tpu.memory_space<hbm>>
        %dma_start3A_1817 = tpu.memref_squeeze %dma_start3A_1816 : memref<1x1x8192xf32, #tpu.memory_space<hbm>> -> memref<1x8192xf32, #tpu.memory_space<hbm>>
        tpu.enqueue_dma source(%dma_start3A_1817 : memref<1x8192xf32, #tpu.memory_space<hbm>>) target(%arg6 : memref<1x8192xf32, #tpu.memory_space<vmem>>) target_semaphore(%arg18 : memref<!tpu.dma_semaphore, #tpu.memory_space<semaphore_mem>>)
      } else {
      }
      %mul3A_1590 = arith.constant 4 : i32
      %mul3A_1591 = arith.muli %scan3A_1518, %mul3A_1590 : i32
      %add3A_1592 = arith.constant 1 : i32
      %add3A_1593 = arith.addi %mul3A_1591, %add3A_1592 : i32
      %dma_wait3A_1594 = arith.constant 0 : i32
      %dma_wait3A_1595 = arith.constant 0 : i32
      %dma_wait3A_1596 = arith.constant 0 : i32
      %dma_wait3A_1597 = tpu.memref_slice %arg3[%dma_wait3A_1594, %dma_wait3A_1595, %dma_wait3A_1596] : memref<32x128x16384xf32, #tpu.memory_space<hbm>> -> memref<1x1x8192xf32, #tpu.memory_space<hbm>>
      %dma_wait3A_1598 = tpu.memref_squeeze %dma_wait3A_1597 : memref<1x1x8192xf32, #tpu.memory_space<hbm>> -> memref<1x8192xf32, #tpu.memory_space<hbm>>
      %dma_wait3A_1599 = arith.constant 0 : i32
      %dma_wait3A_1600 = arith.constant 0 : i32
      %dma_wait3A_1601 = tpu.memref_slice %arg3[%dma_wait3A_1594, %dma_wait3A_1599, %dma_wait3A_1600] : memref<32x128x16384xf32, #tpu.memory_space<hbm>> -> memref<1x1x8192xf32, #tpu.memory_space<hbm>>
      %dma_wait3A_1602 = tpu.memref_squeeze %dma_wait3A_1601 : memref<1x1x8192xf32, #tpu.memory_space<hbm>> -> memref<1x8192xf32, #tpu.memory_space<hbm>>
      tpu.wait_dma2 semaphore(%arg19 : memref<!tpu.dma_semaphore, #tpu.memory_space<semaphore_mem>>) src(%dma_wait3A_1602 : memref<1x8192xf32, #tpu.memory_space<hbm>>) dst(%arg7 : memref<1x8192xf32, #tpu.memory_space<vmem>>)
      %broadcast_in_dim3A_1603 = arith.constant 0xFF800000 : f32
      %broadcast_in_dim3A_1604 = vector.broadcast %broadcast_in_dim3A_1603 : f32 to vector<16xf32>
      %broadcast_in_dim3A_1605 = arith.constant 0xFF800000 : f32
      %broadcast_in_dim3A_1606 = vector.broadcast %broadcast_in_dim3A_1605 : f32 to vector<16xf32>
      %broadcast_in_dim3A_1607 = arith.constant 0xFF800000 : f32
      %broadcast_in_dim3A_1608 = vector.broadcast %broadcast_in_dim3A_1607 : f32 to vector<16xf32>
      %broadcast_in_dim3A_1609 = arith.constant 0xFF800000 : f32
      %broadcast_in_dim3A_1610 = vector.broadcast %broadcast_in_dim3A_1609 : f32 to vector<16xf32>
      %scan3A_1611 = arith.constant 0 : i32
      %scan3A_1612 = arith.constant 64 : i32
      %scan3A_1613 = arith.addi %scan3A_1611, %scan3A_1612 : i32
      %scan3A_1614 = arith.constant 1 : i32
      %scan3A_1615:4 = scf.for %scan3A_1810 = %scan3A_1611 to %scan3A_1613 step %scan3A_1614 iter_args(%scan3A_1811 = %broadcast_in_dim3A_1604, %scan3A_1812 = %broadcast_in_dim3A_1606, %scan3A_1813 = %broadcast_in_dim3A_1608, %scan3A_1814 = %broadcast_in_dim3A_1610) -> (vector<16xf32>, vector<16xf32>, vector<16xf32>, vector<16xf32>)  : i32 {
        %mul3A_1815 = arith.constant 128 : i32
        %mul3A_1816 = arith.muli %scan3A_1810, %mul3A_1815 : i32
        %add3A_1817 = arith.constant 0 : i32
        %add3A_1818 = arith.addi %mul3A_1816, %add3A_1817 : i32
        %get3A_1819 = arith.constant 0 : i32
        %get3A_1820 = arith.index_cast %get3A_1819 : i32 to index
        %get3A_1821 = arith.index_cast %add3A_1818 : i32 to index
        %get3A_1822 = tpu.vector_load %arg7[%get3A_1820, %get3A_1821] {strides = array<i32>} : memref<1x8192xf32, #tpu.memory_space<vmem>>, vector<1x16xf32>,
        %get3A_1823 = vector.shape_cast %get3A_1822 : vector<1x16xf32> to vector<16xf32>
        %max3A_1824 = arith.maximumf %scan3A_1811, %get3A_1823 : vector<16xf32>
        %add3A_1825 = arith.constant 16 : i32
        %add3A_1826 = arith.addi %mul3A_1816, %add3A_1825 : i32
        %get3A_1827 = arith.constant 0 : i32
        %get3A_1828 = arith.index_cast %get3A_1827 : i32 to index
        %get3A_1829 = arith.index_cast %add3A_1826 : i32 to index
        %get3A_1830 = tpu.vector_load %arg7[%get3A_1828, %get3A_1829] {strides = array<i32>} : memref<1x8192xf32, #tpu.memory_space<vmem>>, vector<1x16xf32>,
        %get3A_1831 = vector.shape_cast %get3A_1830 : vector<1x16xf32> to vector<16xf32>
        %max3A_1832 = arith.maximumf %scan3A_1812, %get3A_1831 : vector<16xf32>
        %add3A_1833 = arith.constant 32 : i32
        %add3A_1834 = arith.addi %mul3A_1816, %add3A_1833 : i32
        %get3A_1835 = arith.constant 0 : i32
        %get3A_1836 = arith.index_cast %get3A_1835 : i32 to index
        %get3A_1837 = arith.index_cast %add3A_1834 : i32 to index
        %get3A_1838 = tpu.vector_load %arg7[%get3A_1836, %get3A_1837] {strides = array<i32>} : memref<1x8192xf32, #tpu.memory_space<vmem>>, vector<1x16xf32>,
        %get3A_1839 = vector.shape_cast %get3A_1838 : vector<1x16xf32> to vector<16xf32>
        %max3A_1840 = arith.maximumf %scan3A_1813, %get3A_1839 : vector<16xf32>
        %add3A_1841 = arith.constant 48 : i32
        %add3A_1842 = arith.addi %mul3A_1816, %add3A_1841 : i32
        %get3A_1843 = arith.constant 0 : i32
        %get3A_1844 = arith.index_cast %get3A_1843 : i32 to index
        %get3A_1845 = arith.index_cast %add3A_1842 : i32 to index
        %get3A_1846 = tpu.vector_load %arg7[%get3A_1844, %get3A_1845] {strides = array<i32>} : memref<1x8192xf32, #tpu.memory_space<vmem>>, vector<1x16xf32>,
        %get3A_1847 = vector.shape_cast %get3A_1846 : vector<1x16xf32> to vector<16xf32>
        %max3A_1848 = arith.maximumf %scan3A_1814, %get3A_1847 : vector<16xf32>
        %add3A_1849 = arith.constant 64 : i32
        %add3A_1850 = arith.addi %mul3A_1816, %add3A_1849 : i32
        %get3A_1851 = arith.constant 0 : i32
        %get3A_1852 = arith.index_cast %get3A_1851 : i32 to index
        %get3A_1853 = arith.index_cast %add3A_1850 : i32 to index
        %get3A_1854 = tpu.vector_load %arg7[%get3A_1852, %get3A_1853] {strides = array<i32>} : memref<1x8192xf32, #tpu.memory_space<vmem>>, vector<1x16xf32>,
        %get3A_1855 = vector.shape_cast %get3A_1854 : vector<1x16xf32> to vector<16xf32>
        %max3A_1856 = arith.maximumf %max3A_1824, %get3A_1855 : vector<16xf32>
        %add3A_1857 = arith.constant 80 : i32
        %add3A_1858 = arith.addi %mul3A_1816, %add3A_1857 : i32
        %get3A_1859 = arith.constant 0 : i32
        %get3A_1860 = arith.index_cast %get3A_1859 : i32 to index
        %get3A_1861 = arith.index_cast %add3A_1858 : i32 to index
        %get3A_1862 = tpu.vector_load %arg7[%get3A_1860, %get3A_1861] {strides = array<i32>} : memref<1x8192xf32, #tpu.memory_space<vmem>>, vector<1x16xf32>,
        %get3A_1863 = vector.shape_cast %get3A_1862 : vector<1x16xf32> to vector<16xf32>
        %max3A_1864 = arith.maximumf %max3A_1832, %get3A_1863 : vector<16xf32>
        %add3A_1865 = arith.constant 96 : i32
        %add3A_1866 = arith.addi %mul3A_1816, %add3A_1865 : i32
        %get3A_1867 = arith.constant 0 : i32
        %get3A_1868 = arith.index_cast %get3A_1867 : i32 to index
        %get3A_1869 = arith.index_cast %add3A_1866 : i32 to index
        %get3A_1870 = tpu.vector_load %arg7[%get3A_1868, %get3A_1869] {strides = array<i32>} : memref<1x8192xf32, #tpu.memory_space<vmem>>, vector<1x16xf32>,
        %get3A_1871 = vector.shape_cast %get3A_1870 : vector<1x16xf32> to vector<16xf32>
        %max3A_1872 = arith.maximumf %max3A_1840, %get3A_1871 : vector<16xf32>
        %add3A_1873 = arith.constant 112 : i32
        %add3A_1874 = arith.addi %mul3A_1816, %add3A_1873 : i32
        %get3A_1875 = arith.constant 0 : i32
        %get3A_1876 = arith.index_cast %get3A_1875 : i32 to index
        %get3A_1877 = arith.index_cast %add3A_1874 : i32 to index
        %get3A_1878 = tpu.vector_load %arg7[%get3A_1876, %get3A_1877] {strides = array<i32>} : memref<1x8192xf32, #tpu.memory_space<vmem>>, vector<1x16xf32>,
        %get3A_1879 = vector.shape_cast %get3A_1878 : vector<1x16xf32> to vector<16xf32>
        %max3A_1880 = arith.maximumf %max3A_1848, %get3A_1879 : vector<16xf32>
        scf.yield %max3A_1856, %max3A_1864, %max3A_1872, %max3A_1880 : vector<16xf32>, vector<16xf32>, vector<16xf32>, vector<16xf32>
      }
      %scan3A_1616 = arith.constant 64 : i32
      %max3A_1617 = arith.maximumf %scan3A_1615#0, %scan3A_1615#1 : vector<16xf32>
      %max3A_1618 = arith.maximumf %scan3A_1615#2, %scan3A_1615#3 : vector<16xf32>
      %max3A_1619 = arith.maximumf %max3A_1617, %max3A_1618 : vector<16xf32>
      %swap3A_1620 = arith.constant 0 : index
      %swap3A_1621 = tpu.vector_load %arg15[%swap3A_1620] {strides = array<i32>} : memref<32xf32, #tpu.memory_space<vmem>>, vector<16xf32>,
      %swap3A_1622 = vector.shape_cast %swap3A_1621 : vector<16xf32> to vector<16xf32>
      %swap3A_1623 = vector.shape_cast %max3A_1619 : vector<16xf32> to vector<16xf32>
      tpu.vector_store %arg15[%swap3A_1620], %swap3A_1623 {strides = array<i32>} : memref<32xf32, #tpu.memory_space<vmem>>, vector<16xf32>,
      %get3A_1624 = arith.constant 8 : index
      %get3A_1625 = tpu.vector_load %arg15[%get3A_1624] {strides = array<i32>} : memref<32xf32, #tpu.memory_space<vmem>>, vector<16xf32>,
      %get3A_1626 = vector.shape_cast %get3A_1625 : vector<16xf32> to vector<16xf32>
      %max3A_1627 = arith.maximumf %max3A_1619, %get3A_1626 : vector<16xf32>
      %swap3A_1628 = arith.constant 0 : index
      %swap3A_1629 = tpu.vector_load %arg15[%swap3A_1628] {strides = array<i32>} : memref<32xf32, #tpu.memory_space<vmem>>, vector<16xf32>,
      %swap3A_1630 = vector.shape_cast %swap3A_1629 : vector<16xf32> to vector<16xf32>
      %swap3A_1631 = vector.shape_cast %max3A_1627 : vector<16xf32> to vector<16xf32>
      tpu.vector_store %arg15[%swap3A_1628], %swap3A_1631 {strides = array<i32>} : memref<32xf32, #tpu.memory_space<vmem>>, vector<16xf32>,
      %get3A_1632 = arith.constant 4 : index
      %get3A_1633 = tpu.vector_load %arg15[%get3A_1632] {strides = array<i32>} : memref<32xf32, #tpu.memory_space<vmem>>, vector<16xf32>,
      %get3A_1634 = vector.shape_cast %get3A_1633 : vector<16xf32> to vector<16xf32>
      %max3A_1635 = arith.maximumf %max3A_1627, %get3A_1634 : vector<16xf32>
      %swap3A_1636 = arith.constant 0 : index
      %swap3A_1637 = tpu.vector_load %arg15[%swap3A_1636] {strides = array<i32>} : memref<32xf32, #tpu.memory_space<vmem>>, vector<16xf32>,
      %swap3A_1638 = vector.shape_cast %swap3A_1637 : vector<16xf32> to vector<16xf32>
      %swap3A_1639 = vector.shape_cast %max3A_1635 : vector<16xf32> to vector<16xf32>
      tpu.vector_store %arg15[%swap3A_1636], %swap3A_1639 {strides = array<i32>} : memref<32xf32, #tpu.memory_space<vmem>>, vector<16xf32>,
      %get3A_1640 = arith.constant 2 : index
      %get3A_1641 = tpu.vector_load %arg15[%get3A_1640] {strides = array<i32>} : memref<32xf32, #tpu.memory_space<vmem>>, vector<16xf32>,
      %get3A_1642 = vector.shape_cast %get3A_1641 : vector<16xf32> to vector<16xf32>
      %max3A_1643 = arith.maximumf %max3A_1635, %get3A_1642 : vector<16xf32>
      %swap3A_1644 = arith.constant 0 : index
      %swap3A_1645 = tpu.vector_load %arg15[%swap3A_1644] {strides = array<i32>} : memref<32xf32, #tpu.memory_space<vmem>>, vector<16xf32>,
      %swap3A_1646 = vector.shape_cast %swap3A_1645 : vector<16xf32> to vector<16xf32>
      %swap3A_1647 = vector.shape_cast %max3A_1643 : vector<16xf32> to vector<16xf32>
      tpu.vector_store %arg15[%swap3A_1644], %swap3A_1647 {strides = array<i32>} : memref<32xf32, #tpu.memory_space<vmem>>, vector<16xf32>,
      %get3A_1648 = arith.constant 1 : index
      %get3A_1649 = tpu.vector_load %arg15[%get3A_1648] {strides = array<i32>} : memref<32xf32, #tpu.memory_space<vmem>>, vector<16xf32>,
      %get3A_1650 = vector.shape_cast %get3A_1649 : vector<16xf32> to vector<16xf32>
      %max3A_1651 = arith.maximumf %max3A_1643, %get3A_1650 : vector<16xf32>
      %slice3A_1652 = vector.extract_strided_slice %max3A_1651 {offsets = [0], sizes = [1], strides = [1]} : vector<16xf32> to vector<1xf32>
      %squeeze3A_1653 = vector.extract %slice3A_1652[0] : f32 from vector<1xf32>
      %swap3A_1654 = arith.index_cast %add3A_1593 : i32 to index
      %swap3A_1655 = memref.load %arg16[%swap3A_1654] : memref<128xf32, #tpu.memory_space<smem>>
      memref.store %squeeze3A_1653, %arg16[%swap3A_1654] : memref<128xf32, #tpu.memory_space<smem>>
      %add3A_1656 = arith.constant 4 : i32
      %add3A_1657 = arith.addi %add3A_1593, %add3A_1656 : i32
      %lt3A_1658 = arith.constant 128 : i32
      %lt3A_1659 = arith.cmpi slt, %add3A_1657, %lt3A_1658 : i32
      %convert_element_type3A_1660 = arith.extui %lt3A_1659 : i1 to i32
      %cond3A_1661 = arith.constant 0 : i32
      %cond3A_1662 = arith.cmpi ne, %convert_element_type3A_1660, %cond3A_1661 : i32
      scf.if %cond3A_1662 {
        %add3A_1810 = arith.constant 4 : i32
        %add3A_1811 = arith.addi %add3A_1593, %add3A_1810 : i32
        %dma_start3A_1812 = arith.constant 0 : i32
        %dma_start3A_1813 = tpu.memref_slice %arg3[%add3A, %add3A_1811, %dma_start3A_1812] : memref<32x128x16384xf32, #tpu.memory_space<hbm>> -> memref<1x1x8192xf32, #tpu.memory_space<hbm>>
        %dma_start3A_1814 = tpu.memref_squeeze %dma_start3A_1813 : memref<1x1x8192xf32, #tpu.memory_space<hbm>> -> memref<1x8192xf32, #tpu.memory_space<hbm>>
        %dma_start3A_1815 = arith.constant 0 : i32
        %dma_start3A_1816 = tpu.memref_slice %arg3[%add3A, %add3A_1811, %dma_start3A_1815] : memref<32x128x16384xf32, #tpu.memory_space<hbm>> -> memref<1x1x8192xf32, #tpu.memory_space<hbm>>
        %dma_start3A_1817 = tpu.memref_squeeze %dma_start3A_1816 : memref<1x1x8192xf32, #tpu.memory_space<hbm>> -> memref<1x8192xf32, #tpu.memory_space<hbm>>
        tpu.enqueue_dma source(%dma_start3A_1817 : memref<1x8192xf32, #tpu.memory_space<hbm>>) target(%arg7 : memref<1x8192xf32, #tpu.memory_space<vmem>>) target_semaphore(%arg19 : memref<!tpu.dma_semaphore, #tpu.memory_space<semaphore_mem>>)
      } else {
      }
      %mul3A_1663 = arith.constant 4 : i32
      %mul3A_1664 = arith.muli %scan3A_1518, %mul3A_1663 : i32
      %add3A_1665 = arith.constant 2 : i32
      %add3A_1666 = arith.addi %mul3A_1664, %add3A_1665 : i32
      %dma_wait3A_1667 = arith.constant 0 : i32
      %dma_wait3A_1668 = arith.constant 0 : i32
      %dma_wait3A_1669 = arith.constant 0 : i32
      %dma_wait3A_1670 = tpu.memref_slice %arg3[%dma_wait3A_1667, %dma_wait3A_1668, %dma_wait3A_1669] : memref<32x128x16384xf32, #tpu.memory_space<hbm>> -> memref<1x1x8192xf32, #tpu.memory_space<hbm>>
      %dma_wait3A_1671 = tpu.memref_squeeze %dma_wait3A_1670 : memref<1x1x8192xf32, #tpu.memory_space<hbm>> -> memref<1x8192xf32, #tpu.memory_space<hbm>>
      %dma_wait3A_1672 = arith.constant 0 : i32
      %dma_wait3A_1673 = arith.constant 0 : i32
      %dma_wait3A_1674 = tpu.memref_slice %arg3[%dma_wait3A_1667, %dma_wait3A_1672, %dma_wait3A_1673] : memref<32x128x16384xf32, #tpu.memory_space<hbm>> -> memref<1x1x8192xf32, #tpu.memory_space<hbm>>
      %dma_wait3A_1675 = tpu.memref_squeeze %dma_wait3A_1674 : memref<1x1x8192xf32, #tpu.memory_space<hbm>> -> memref<1x8192xf32, #tpu.memory_space<hbm>>
      tpu.wait_dma2 semaphore(%arg20 : memref<!tpu.dma_semaphore, #tpu.memory_space<semaphore_mem>>) src(%dma_wait3A_1675 : memref<1x8192xf32, #tpu.memory_space<hbm>>) dst(%arg8 : memref<1x8192xf32, #tpu.memory_space<vmem>>)
      %broadcast_in_dim3A_1676 = arith.constant 0xFF800000 : f32
      %broadcast_in_dim3A_1677 = vector.broadcast %broadcast_in_dim3A_1676 : f32 to vector<16xf32>
      %broadcast_in_dim3A_1678 = arith.constant 0xFF800000 : f32
      %broadcast_in_dim3A_1679 = vector.broadcast %broadcast_in_dim3A_1678 : f32 to vector<16xf32>
      %broadcast_in_dim3A_1680 = arith.constant 0xFF800000 : f32
      %broadcast_in_dim3A_1681 = vector.broadcast %broadcast_in_dim3A_1680 : f32 to vector<16xf32>
      %broadcast_in_dim3A_1682 = arith.constant 0xFF800000 : f32
      %broadcast_in_dim3A_1683 = vector.broadcast %broadcast_in_dim3A_1682 : f32 to vector<16xf32>
      %scan3A_1684 = arith.constant 0 : i32
      %scan3A_1685 = arith.constant 64 : i32
      %scan3A_1686 = arith.addi %scan3A_1684, %scan3A_1685 : i32
      %scan3A_1687 = arith.constant 1 : i32
      %scan3A_1688:4 = scf.for %scan3A_1810 = %scan3A_1684 to %scan3A_1686 step %scan3A_1687 iter_args(%scan3A_1811 = %broadcast_in_dim3A_1677, %scan3A_1812 = %broadcast_in_dim3A_1679, %scan3A_1813 = %broadcast_in_dim3A_1681, %scan3A_1814 = %broadcast_in_dim3A_1683) -> (vector<16xf32>, vector<16xf32>, vector<16xf32>, vector<16xf32>)  : i32 {
        %mul3A_1815 = arith.constant 128 : i32
        %mul3A_1816 = arith.muli %scan3A_1810, %mul3A_1815 : i32
        %add3A_1817 = arith.constant 0 : i32
        %add3A_1818 = arith.addi %mul3A_1816, %add3A_1817 : i32
        %get3A_1819 = arith.constant 0 : i32
        %get3A_1820 = arith.index_cast %get3A_1819 : i32 to index
        %get3A_1821 = arith.index_cast %add3A_1818 : i32 to index
        %get3A_1822 = tpu.vector_load %arg8[%get3A_1820, %get3A_1821] {strides = array<i32>} : memref<1x8192xf32, #tpu.memory_space<vmem>>, vector<1x16xf32>,
        %get3A_1823 = vector.shape_cast %get3A_1822 : vector<1x16xf32> to vector<16xf32>
        %max3A_1824 = arith.maximumf %scan3A_1811, %get3A_1823 : vector<16xf32>
        %add3A_1825 = arith.constant 16 : i32
        %add3A_1826 = arith.addi %mul3A_1816, %add3A_1825 : i32
        %get3A_1827 = arith.constant 0 : i32
        %get3A_1828 = arith.index_cast %get3A_1827 : i32 to index
        %get3A_1829 = arith.index_cast %add3A_1826 : i32 to index
        %get3A_1830 = tpu.vector_load %arg8[%get3A_1828, %get3A_1829] {strides = array<i32>} : memref<1x8192xf32, #tpu.memory_space<vmem>>, vector<1x16xf32>,
        %get3A_1831 = vector.shape_cast %get3A_1830 : vector<1x16xf32> to vector<16xf32>
        %max3A_1832 = arith.maximumf %scan3A_1812, %get3A_1831 : vector<16xf32>
        %add3A_1833 = arith.constant 32 : i32
        %add3A_1834 = arith.addi %mul3A_1816, %add3A_1833 : i32
        %get3A_1835 = arith.constant 0 : i32
        %get3A_1836 = arith.index_cast %get3A_1835 : i32 to index
        %get3A_1837 = arith.index_cast %add3A_1834 : i32 to index
        %get3A_1838 = tpu.vector_load %arg8[%get3A_1836, %get3A_1837] {strides = array<i32>} : memref<1x8192xf32, #tpu.memory_space<vmem>>, vector<1x16xf32>,
        %get3A_1839 = vector.shape_cast %get3A_1838 : vector<1x16xf32> to vector<16xf32>
        %max3A_1840 = arith.maximumf %scan3A_1813, %get3A_1839 : vector<16xf32>
        %add3A_1841 = arith.constant 48 : i32
        %add3A_1842 = arith.addi %mul3A_1816, %add3A_1841 : i32
        %get3A_1843 = arith.constant 0 : i32
        %get3A_1844 = arith.index_cast %get3A_1843 : i32 to index
        %get3A_1845 = arith.index_cast %add3A_1842 : i32 to index
        %get3A_1846 = tpu.vector_load %arg8[%get3A_1844, %get3A_1845] {strides = array<i32>} : memref<1x8192xf32, #tpu.memory_space<vmem>>, vector<1x16xf32>,
        %get3A_1847 = vector.shape_cast %get3A_1846 : vector<1x16xf32> to vector<16xf32>
        %max3A_1848 = arith.maximumf %scan3A_1814, %get3A_1847 : vector<16xf32>
        %add3A_1849 = arith.constant 64 : i32
        %add3A_1850 = arith.addi %mul3A_1816, %add3A_1849 : i32
        %get3A_1851 = arith.constant 0 : i32
        %get3A_1852 = arith.index_cast %get3A_1851 : i32 to index
        %get3A_1853 = arith.index_cast %add3A_1850 : i32 to index
        %get3A_1854 = tpu.vector_load %arg8[%get3A_1852, %get3A_1853] {strides = array<i32>} : memref<1x8192xf32, #tpu.memory_space<vmem>>, vector<1x16xf32>,
        %get3A_1855 = vector.shape_cast %get3A_1854 : vector<1x16xf32> to vector<16xf32>
        %max3A_1856 = arith.maximumf %max3A_1824, %get3A_1855 : vector<16xf32>
        %add3A_1857 = arith.constant 80 : i32
        %add3A_1858 = arith.addi %mul3A_1816, %add3A_1857 : i32
        %get3A_1859 = arith.constant 0 : i32
        %get3A_1860 = arith.index_cast %get3A_1859 : i32 to index
        %get3A_1861 = arith.index_cast %add3A_1858 : i32 to index
        %get3A_1862 = tpu.vector_load %arg8[%get3A_1860, %get3A_1861] {strides = array<i32>} : memref<1x8192xf32, #tpu.memory_space<vmem>>, vector<1x16xf32>,
        %get3A_1863 = vector.shape_cast %get3A_1862 : vector<1x16xf32> to vector<16xf32>
        %max3A_1864 = arith.maximumf %max3A_1832, %get3A_1863 : vector<16xf32>
        %add3A_1865 = arith.constant 96 : i32
        %add3A_1866 = arith.addi %mul3A_1816, %add3A_1865 : i32
        %get3A_1867 = arith.constant 0 : i32
        %get3A_1868 = arith.index_cast %get3A_1867 : i32 to index
        %get3A_1869 = arith.index_cast %add3A_1866 : i32 to index
        %get3A_1870 = tpu.vector_load %arg8[%get3A_1868, %get3A_1869] {strides = array<i32>} : memref<1x8192xf32, #tpu.memory_space<vmem>>, vector<1x16xf32>,
        %get3A_1871 = vector.shape_cast %get3A_1870 : vector<1x16xf32> to vector<16xf32>
        %max3A_1872 = arith.maximumf %max3A_1840, %get3A_1871 : vector<16xf32>
        %add3A_1873 = arith.constant 112 : i32
        %add3A_1874 = arith.addi %mul3A_1816, %add3A_1873 : i32
        %get3A_1875 = arith.constant 0 : i32
        %get3A_1876 = arith.index_cast %get3A_1875 : i32 to index
        %get3A_1877 = arith.index_cast %add3A_1874 : i32 to index
        %get3A_1878 = tpu.vector_load %arg8[%get3A_1876, %get3A_1877] {strides = array<i32>} : memref<1x8192xf32, #tpu.memory_space<vmem>>, vector<1x16xf32>,
        %get3A_1879 = vector.shape_cast %get3A_1878 : vector<1x16xf32> to vector<16xf32>
        %max3A_1880 = arith.maximumf %max3A_1848, %get3A_1879 : vector<16xf32>
        scf.yield %max3A_1856, %max3A_1864, %max3A_1872, %max3A_1880 : vector<16xf32>, vector<16xf32>, vector<16xf32>, vector<16xf32>
      }
      %scan3A_1689 = arith.constant 64 : i32
      %max3A_1690 = arith.maximumf %scan3A_1688#0, %scan3A_1688#1 : vector<16xf32>
      %max3A_1691 = arith.maximumf %scan3A_1688#2, %scan3A_1688#3 : vector<16xf32>
      %max3A_1692 = arith.maximumf %max3A_1690, %max3A_1691 : vector<16xf32>
      %swap3A_1693 = arith.constant 0 : index
      %swap3A_1694 = tpu.vector_load %arg15[%swap3A_1693] {strides = array<i32>} : memref<32xf32, #tpu.memory_space<vmem>>, vector<16xf32>,
      %swap3A_1695 = vector.shape_cast %swap3A_1694 : vector<16xf32> to vector<16xf32>
      %swap3A_1696 = vector.shape_cast %max3A_1692 : vector<16xf32> to vector<16xf32>
      tpu.vector_store %arg15[%swap3A_1693], %swap3A_1696 {strides = array<i32>} : memref<32xf32, #tpu.memory_space<vmem>>, vector<16xf32>,
      %get3A_1697 = arith.constant 8 : index
      %get3A_1698 = tpu.vector_load %arg15[%get3A_1697] {strides = array<i32>} : memref<32xf32, #tpu.memory_space<vmem>>, vector<16xf32>,
      %get3A_1699 = vector.shape_cast %get3A_1698 : vector<16xf32> to vector<16xf32>
      %max3A_1700 = arith.maximumf %max3A_1692, %get3A_1699 : vector<16xf32>
      %swap3A_1701 = arith.constant 0 : index
      %swap3A_1702 = tpu.vector_load %arg15[%swap3A_1701] {strides = array<i32>} : memref<32xf32, #tpu.memory_space<vmem>>, vector<16xf32>,
      %swap3A_1703 = vector.shape_cast %swap3A_1702 : vector<16xf32> to vector<16xf32>
      %swap3A_1704 = vector.shape_cast %max3A_1700 : vector<16xf32> to vector<16xf32>
      tpu.vector_store %arg15[%swap3A_1701], %swap3A_1704 {strides = array<i32>} : memref<32xf32, #tpu.memory_space<vmem>>, vector<16xf32>,
      %get3A_1705 = arith.constant 4 : index
      %get3A_1706 = tpu.vector_load %arg15[%get3A_1705] {strides = array<i32>} : memref<32xf32, #tpu.memory_space<vmem>>, vector<16xf32>,
      %get3A_1707 = vector.shape_cast %get3A_1706 : vector<16xf32> to vector<16xf32>
      %max3A_1708 = arith.maximumf %max3A_1700, %get3A_1707 : vector<16xf32>
      %swap3A_1709 = arith.constant 0 : index
      %swap3A_1710 = tpu.vector_load %arg15[%swap3A_1709] {strides = array<i32>} : memref<32xf32, #tpu.memory_space<vmem>>, vector<16xf32>,
      %swap3A_1711 = vector.shape_cast %swap3A_1710 : vector<16xf32> to vector<16xf32>
      %swap3A_1712 = vector.shape_cast %max3A_1708 : vector<16xf32> to vector<16xf32>
      tpu.vector_store %arg15[%swap3A_1709], %swap3A_1712 {strides = array<i32>} : memref<32xf32, #tpu.memory_space<vmem>>, vector<16xf32>,
      %get3A_1713 = arith.constant 2 : index
      %get3A_1714 = tpu.vector_load %arg15[%get3A_1713] {strides = array<i32>} : memref<32xf32, #tpu.memory_space<vmem>>, vector<16xf32>,
      %get3A_1715 = vector.shape_cast %get3A_1714 : vector<16xf32> to vector<16xf32>
      %max3A_1716 = arith.maximumf %max3A_1708, %get3A_1715 : vector<16xf32>
      %swap3A_1717 = arith.constant 0 : index
      %swap3A_1718 = tpu.vector_load %arg15[%swap3A_1717] {strides = array<i32>} : memref<32xf32, #tpu.memory_space<vmem>>, vector<16xf32>,
      %swap3A_1719 = vector.shape_cast %swap3A_1718 : vector<16xf32> to vector<16xf32>
      %swap3A_1720 = vector.shape_cast %max3A_1716 : vector<16xf32> to vector<16xf32>
      tpu.vector_store %arg15[%swap3A_1717], %swap3A_1720 {strides = array<i32>} : memref<32xf32, #tpu.memory_space<vmem>>, vector<16xf32>,
      %get3A_1721 = arith.constant 1 : index
      %get3A_1722 = tpu.vector_load %arg15[%get3A_1721] {strides = array<i32>} : memref<32xf32, #tpu.memory_space<vmem>>, vector<16xf32>,
      %get3A_1723 = vector.shape_cast %get3A_1722 : vector<16xf32> to vector<16xf32>
      %max3A_1724 = arith.maximumf %max3A_1716, %get3A_1723 : vector<16xf32>
      %slice3A_1725 = vector.extract_strided_slice %max3A_1724 {offsets = [0], sizes = [1], strides = [1]} : vector<16xf32> to vector<1xf32>
      %squeeze3A_1726 = vector.extract %slice3A_1725[0] : f32 from vector<1xf32>
      %swap3A_1727 = arith.index_cast %add3A_1666 : i32 to index
      %swap3A_1728 = memref.load %arg16[%swap3A_1727] : memref<128xf32, #tpu.memory_space<smem>>
      memref.store %squeeze3A_1726, %arg16[%swap3A_1727] : memref<128xf32, #tpu.memory_space<smem>>
      %add3A_1729 = arith.constant 4 : i32
      %add3A_1730 = arith.addi %add3A_1666, %add3A_1729 : i32
      %lt3A_1731 = arith.constant 128 : i32
      %lt3A_1732 = arith.cmpi slt, %add3A_1730, %lt3A_1731 : i32
      %convert_element_type3A_1733 = arith.extui %lt3A_1732 : i1 to i32
      %cond3A_1734 = arith.constant 0 : i32
      %cond3A_1735 = arith.cmpi ne, %convert_element_type3A_1733, %cond3A_1734 : i32
      scf.if %cond3A_1735 {
        %add3A_1810 = arith.constant 4 : i32
        %add3A_1811 = arith.addi %add3A_1666, %add3A_1810 : i32
        %dma_start3A_1812 = arith.constant 0 : i32
        %dma_start3A_1813 = tpu.memref_slice %arg3[%add3A, %add3A_1811, %dma_start3A_1812] : memref<32x128x16384xf32, #tpu.memory_space<hbm>> -> memref<1x1x8192xf32, #tpu.memory_space<hbm>>
        %dma_start3A_1814 = tpu.memref_squeeze %dma_start3A_1813 : memref<1x1x8192xf32, #tpu.memory_space<hbm>> -> memref<1x8192xf32, #tpu.memory_space<hbm>>
        %dma_start3A_1815 = arith.constant 0 : i32
        %dma_start3A_1816 = tpu.memref_slice %arg3[%add3A, %add3A_1811, %dma_start3A_1815] : memref<32x128x16384xf32, #tpu.memory_space<hbm>> -> memref<1x1x8192xf32, #tpu.memory_space<hbm>>
        %dma_start3A_1817 = tpu.memref_squeeze %dma_start3A_1816 : memref<1x1x8192xf32, #tpu.memory_space<hbm>> -> memref<1x8192xf32, #tpu.memory_space<hbm>>
        tpu.enqueue_dma source(%dma_start3A_1817 : memref<1x8192xf32, #tpu.memory_space<hbm>>) target(%arg8 : memref<1x8192xf32, #tpu.memory_space<vmem>>) target_semaphore(%arg20 : memref<!tpu.dma_semaphore, #tpu.memory_space<semaphore_mem>>)
      } else {
      }
      %mul3A_1736 = arith.constant 4 : i32
      %mul3A_1737 = arith.muli %scan3A_1518, %mul3A_1736 : i32
      %add3A_1738 = arith.constant 3 : i32
      %add3A_1739 = arith.addi %mul3A_1737, %add3A_1738 : i32
      %dma_wait3A_1740 = arith.constant 0 : i32
      %dma_wait3A_1741 = arith.constant 0 : i32
      %dma_wait3A_1742 = arith.constant 0 : i32
      %dma_wait3A_1743 = tpu.memref_slice %arg3[%dma_wait3A_1740, %dma_wait3A_1741, %dma_wait3A_1742] : memref<32x128x16384xf32, #tpu.memory_space<hbm>> -> memref<1x1x8192xf32, #tpu.memory_space<hbm>>
      %dma_wait3A_1744 = tpu.memref_squeeze %dma_wait3A_1743 : memref<1x1x8192xf32, #tpu.memory_space<hbm>> -> memref<1x8192xf32, #tpu.memory_space<hbm>>
      %dma_wait3A_1745 = arith.constant 0 : i32
      %dma_wait3A_1746 = arith.constant 0 : i32
      %dma_wait3A_1747 = tpu.memref_slice %arg3[%dma_wait3A_1740, %dma_wait3A_1745, %dma_wait3A_1746] : memref<32x128x16384xf32, #tpu.memory_space<hbm>> -> memref<1x1x8192xf32, #tpu.memory_space<hbm>>
      %dma_wait3A_1748 = tpu.memref_squeeze %dma_wait3A_1747 : memref<1x1x8192xf32, #tpu.memory_space<hbm>> -> memref<1x8192xf32, #tpu.memory_space<hbm>>
      tpu.wait_dma2 semaphore(%arg21 : memref<!tpu.dma_semaphore, #tpu.memory_space<semaphore_mem>>) src(%dma_wait3A_1748 : memref<1x8192xf32, #tpu.memory_space<hbm>>) dst(%arg9 : memref<1x8192xf32, #tpu.memory_space<vmem>>)
      %broadcast_in_dim3A_1749 = arith.constant 0xFF800000 : f32
      %broadcast_in_dim3A_1750 = vector.broadcast %broadcast_in_dim3A_1749 : f32 to vector<16xf32>
      %broadcast_in_dim3A_1751 = arith.constant 0xFF800000 : f32
      %broadcast_in_dim3A_1752 = vector.broadcast %broadcast_in_dim3A_1751 : f32 to vector<16xf32>
      %broadcast_in_dim3A_1753 = arith.constant 0xFF800000 : f32
      %broadcast_in_dim3A_1754 = vector.broadcast %broadcast_in_dim3A_1753 : f32 to vector<16xf32>
      %broadcast_in_dim3A_1755 = arith.constant 0xFF800000 : f32
      %broadcast_in_dim3A_1756 = vector.broadcast %broadcast_in_dim3A_1755 : f32 to vector<16xf32>
      %scan3A_1757 = arith.constant 0 : i32
      %scan3A_1758 = arith.constant 64 : i32
      %scan3A_1759 = arith.addi %scan3A_1757, %scan3A_1758 : i32
      %scan3A_1760 = arith.constant 1 : i32
      %scan3A_1761:4 = scf.for %scan3A_1810 = %scan3A_1757 to %scan3A_1759 step %scan3A_1760 iter_args(%scan3A_1811 = %broadcast_in_dim3A_1750, %scan3A_1812 = %broadcast_in_dim3A_1752, %scan3A_1813 = %broadcast_in_dim3A_1754, %scan3A_1814 = %broadcast_in_dim3A_1756) -> (vector<16xf32>, vector<16xf32>, vector<16xf32>, vector<16xf32>)  : i32 {
        %mul3A_1815 = arith.constant 128 : i32
        %mul3A_1816 = arith.muli %scan3A_1810, %mul3A_1815 : i32
        %add3A_1817 = arith.constant 0 : i32
        %add3A_1818 = arith.addi %mul3A_1816, %add3A_1817 : i32
        %get3A_1819 = arith.constant 0 : i32
        %get3A_1820 = arith.index_cast %get3A_1819 : i32 to index
        %get3A_1821 = arith.index_cast %add3A_1818 : i32 to index
        %get3A_1822 = tpu.vector_load %arg9[%get3A_1820, %get3A_1821] {strides = array<i32>} : memref<1x8192xf32, #tpu.memory_space<vmem>>, vector<1x16xf32>,
        %get3A_1823 = vector.shape_cast %get3A_1822 : vector<1x16xf32> to vector<16xf32>
        %max3A_1824 = arith.maximumf %scan3A_1811, %get3A_1823 : vector<16xf32>
        %add3A_1825 = arith.constant 16 : i32
        %add3A_1826 = arith.addi %mul3A_1816, %add3A_1825 : i32
        %get3A_1827 = arith.constant 0 : i32
        %get3A_1828 = arith.index_cast %get3A_1827 : i32 to index
        %get3A_1829 = arith.index_cast %add3A_1826 : i32 to index
        %get3A_1830 = tpu.vector_load %arg9[%get3A_1828, %get3A_1829] {strides = array<i32>} : memref<1x8192xf32, #tpu.memory_space<vmem>>, vector<1x16xf32>,
        %get3A_1831 = vector.shape_cast %get3A_1830 : vector<1x16xf32> to vector<16xf32>
        %max3A_1832 = arith.maximumf %scan3A_1812, %get3A_1831 : vector<16xf32>
        %add3A_1833 = arith.constant 32 : i32
        %add3A_1834 = arith.addi %mul3A_1816, %add3A_1833 : i32
        %get3A_1835 = arith.constant 0 : i32
        %get3A_1836 = arith.index_cast %get3A_1835 : i32 to index
        %get3A_1837 = arith.index_cast %add3A_1834 : i32 to index
        %get3A_1838 = tpu.vector_load %arg9[%get3A_1836, %get3A_1837] {strides = array<i32>} : memref<1x8192xf32, #tpu.memory_space<vmem>>, vector<1x16xf32>,
        %get3A_1839 = vector.shape_cast %get3A_1838 : vector<1x16xf32> to vector<16xf32>
        %max3A_1840 = arith.maximumf %scan3A_1813, %get3A_1839 : vector<16xf32>
        %add3A_1841 = arith.constant 48 : i32
        %add3A_1842 = arith.addi %mul3A_1816, %add3A_1841 : i32
        %get3A_1843 = arith.constant 0 : i32
        %get3A_1844 = arith.index_cast %get3A_1843 : i32 to index
        %get3A_1845 = arith.index_cast %add3A_1842 : i32 to index
        %get3A_1846 = tpu.vector_load %arg9[%get3A_1844, %get3A_1845] {strides = array<i32>} : memref<1x8192xf32, #tpu.memory_space<vmem>>, vector<1x16xf32>,
        %get3A_1847 = vector.shape_cast %get3A_1846 : vector<1x16xf32> to vector<16xf32>
        %max3A_1848 = arith.maximumf %scan3A_1814, %get3A_1847 : vector<16xf32>
        %add3A_1849 = arith.constant 64 : i32
        %add3A_1850 = arith.addi %mul3A_1816, %add3A_1849 : i32
        %get3A_1851 = arith.constant 0 : i32
        %get3A_1852 = arith.index_cast %get3A_1851 : i32 to index
        %get3A_1853 = arith.index_cast %add3A_1850 : i32 to index
        %get3A_1854 = tpu.vector_load %arg9[%get3A_1852, %get3A_1853] {strides = array<i32>} : memref<1x8192xf32, #tpu.memory_space<vmem>>, vector<1x16xf32>,
        %get3A_1855 = vector.shape_cast %get3A_1854 : vector<1x16xf32> to vector<16xf32>
        %max3A_1856 = arith.maximumf %max3A_1824, %get3A_1855 : vector<16xf32>
        %add3A_1857 = arith.constant 80 : i32
        %add3A_1858 = arith.addi %mul3A_1816, %add3A_1857 : i32
        %get3A_1859 = arith.constant 0 : i32
        %get3A_1860 = arith.index_cast %get3A_1859 : i32 to index
        %get3A_1861 = arith.index_cast %add3A_1858 : i32 to index
        %get3A_1862 = tpu.vector_load %arg9[%get3A_1860, %get3A_1861] {strides = array<i32>} : memref<1x8192xf32, #tpu.memory_space<vmem>>, vector<1x16xf32>,
        %get3A_1863 = vector.shape_cast %get3A_1862 : vector<1x16xf32> to vector<16xf32>
        %max3A_1864 = arith.maximumf %max3A_1832, %get3A_1863 : vector<16xf32>
        %add3A_1865 = arith.constant 96 : i32
        %add3A_1866 = arith.addi %mul3A_1816, %add3A_1865 : i32
        %get3A_1867 = arith.constant 0 : i32
        %get3A_1868 = arith.index_cast %get3A_1867 : i32 to index
        %get3A_1869 = arith.index_cast %add3A_1866 : i32 to index
        %get3A_1870 = tpu.vector_load %arg9[%get3A_1868, %get3A_1869] {strides = array<i32>} : memref<1x8192xf32, #tpu.memory_space<vmem>>, vector<1x16xf32>,
        %get3A_1871 = vector.shape_cast %get3A_1870 : vector<1x16xf32> to vector<16xf32>
        %max3A_1872 = arith.maximumf %max3A_1840, %get3A_1871 : vector<16xf32>
        %add3A_1873 = arith.constant 112 : i32
        %add3A_1874 = arith.addi %mul3A_1816, %add3A_1873 : i32
        %get3A_1875 = arith.constant 0 : i32
        %get3A_1876 = arith.index_cast %get3A_1875 : i32 to index
        %get3A_1877 = arith.index_cast %add3A_1874 : i32 to index
        %get3A_1878 = tpu.vector_load %arg9[%get3A_1876, %get3A_1877] {strides = array<i32>} : memref<1x8192xf32, #tpu.memory_space<vmem>>, vector<1x16xf32>,
        %get3A_1879 = vector.shape_cast %get3A_1878 : vector<1x16xf32> to vector<16xf32>
        %max3A_1880 = arith.maximumf %max3A_1848, %get3A_1879 : vector<16xf32>
        scf.yield %max3A_1856, %max3A_1864, %max3A_1872, %max3A_1880 : vector<16xf32>, vector<16xf32>, vector<16xf32>, vector<16xf32>
      }
      %scan3A_1762 = arith.constant 64 : i32
      %max3A_1763 = arith.maximumf %scan3A_1761#0, %scan3A_1761#1 : vector<16xf32>
      %max3A_1764 = arith.maximumf %scan3A_1761#2, %scan3A_1761#3 : vector<16xf32>
      %max3A_1765 = arith.maximumf %max3A_1763, %max3A_1764 : vector<16xf32>
      %swap3A_1766 = arith.constant 0 : index
      %swap3A_1767 = tpu.vector_load %arg15[%swap3A_1766] {strides = array<i32>} : memref<32xf32, #tpu.memory_space<vmem>>, vector<16xf32>,
      %swap3A_1768 = vector.shape_cast %swap3A_1767 : vector<16xf32> to vector<16xf32>
      %swap3A_1769 = vector.shape_cast %max3A_1765 : vector<16xf32> to vector<16xf32>
      tpu.vector_store %arg15[%swap3A_1766], %swap3A_1769 {strides = array<i32>} : memref<32xf32, #tpu.memory_space<vmem>>, vector<16xf32>,
      %get3A_1770 = arith.constant 8 : index
      %get3A_1771 = tpu.vector_load %arg15[%get3A_1770] {strides = array<i32>} : memref<32xf32, #tpu.memory_space<vmem>>, vector<16xf32>,
      %get3A_1772 = vector.shape_cast %get3A_1771 : vector<16xf32> to vector<16xf32>
      %max3A_1773 = arith.maximumf %max3A_1765, %get3A_1772 : vector<16xf32>
      %swap3A_1774 = arith.constant 0 : index
      %swap3A_1775 = tpu.vector_load %arg15[%swap3A_1774] {strides = array<i32>} : memref<32xf32, #tpu.memory_space<vmem>>, vector<16xf32>,
      %swap3A_1776 = vector.shape_cast %swap3A_1775 : vector<16xf32> to vector<16xf32>
      %swap3A_1777 = vector.shape_cast %max3A_1773 : vector<16xf32> to vector<16xf32>
      tpu.vector_store %arg15[%swap3A_1774], %swap3A_1777 {strides = array<i32>} : memref<32xf32, #tpu.memory_space<vmem>>, vector<16xf32>,
      %get3A_1778 = arith.constant 4 : index
      %get3A_1779 = tpu.vector_load %arg15[%get3A_1778] {strides = array<i32>} : memref<32xf32, #tpu.memory_space<vmem>>, vector<16xf32>,
      %get3A_1780 = vector.shape_cast %get3A_1779 : vector<16xf32> to vector<16xf32>
      %max3A_1781 = arith.maximumf %max3A_1773, %get3A_1780 : vector<16xf32>
      %swap3A_1782 = arith.constant 0 : index
      %swap3A_1783 = tpu.vector_load %arg15[%swap3A_1782] {strides = array<i32>} : memref<32xf32, #tpu.memory_space<vmem>>, vector<16xf32>,
      %swap3A_1784 = vector.shape_cast %swap3A_1783 : vector<16xf32> to vector<16xf32>
      %swap3A_1785 = vector.shape_cast %max3A_1781 : vector<16xf32> to vector<16xf32>
      tpu.vector_store %arg15[%swap3A_1782], %swap3A_1785 {strides = array<i32>} : memref<32xf32, #tpu.memory_space<vmem>>, vector<16xf32>,
      %get3A_1786 = arith.constant 2 : index
      %get3A_1787 = tpu.vector_load %arg15[%get3A_1786] {strides = array<i32>} : memref<32xf32, #tpu.memory_space<vmem>>, vector<16xf32>,
      %get3A_1788 = vector.shape_cast %get3A_1787 : vector<16xf32> to vector<16xf32>
      %max3A_1789 = arith.maximumf %max3A_1781, %get3A_1788 : vector<16xf32>
      %swap3A_1790 = arith.constant 0 : index
      %swap3A_1791 = tpu.vector_load %arg15[%swap3A_1790] {strides = array<i32>} : memref<32xf32, #tpu.memory_space<vmem>>, vector<16xf32>,
      %swap3A_1792 = vector.shape_cast %swap3A_1791 : vector<16xf32> to vector<16xf32>
      %swap3A_1793 = vector.shape_cast %max3A_1789 : vector<16xf32> to vector<16xf32>
      tpu.vector_store %arg15[%swap3A_1790], %swap3A_1793 {strides = array<i32>} : memref<32xf32, #tpu.memory_space<vmem>>, vector<16xf32>,
      %get3A_1794 = arith.constant 1 : index
      %get3A_1795 = tpu.vector_load %arg15[%get3A_1794] {strides = array<i32>} : memref<32xf32, #tpu.memory_space<vmem>>, vector<16xf32>,
      %get3A_1796 = vector.shape_cast %get3A_1795 : vector<16xf32> to vector<16xf32>
      %max3A_1797 = arith.maximumf %max3A_1789, %get3A_1796 : vector<16xf32>
      %slice3A_1798 = vector.extract_strided_slice %max3A_1797 {offsets = [0], sizes = [1], strides = [1]} : vector<16xf32> to vector<1xf32>
      %squeeze3A_1799 = vector.extract %slice3A_1798[0] : f32 from vector<1xf32>
      %swap3A_1800 = arith.index_cast %add3A_1739 : i32 to index
      %swap3A_1801 = memref.load %arg16[%swap3A_1800] : memref<128xf32, #tpu.memory_space<smem>>
      memref.store %squeeze3A_1799, %arg16[%swap3A_1800] : memref<128xf32, #tpu.memory_space<smem>>
      %add3A_1802 = arith.constant 4 : i32
      %add3A_1803 = arith.addi %add3A_1739, %add3A_1802 : i32
      %lt3A_1804 = arith.constant 128 : i32
      %lt3A_1805 = arith.cmpi slt, %add3A_1803, %lt3A_1804 : i32
      %convert_element_type3A_1806 = arith.extui %lt3A_1805 : i1 to i32
      %cond3A_1807 = arith.constant 0 : i32
      %cond3A_1808 = arith.cmpi ne, %convert_element_type3A_1806, %cond3A_1807 : i32
      scf.if %cond3A_1808 {
        %add3A_1810 = arith.constant 4 : i32
        %add3A_1811 = arith.addi %add3A_1739, %add3A_1810 : i32
        %dma_start3A_1812 = arith.constant 0 : i32
        %dma_start3A_1813 = tpu.memref_slice %arg3[%add3A, %add3A_1811, %dma_start3A_1812] : memref<32x128x16384xf32, #tpu.memory_space<hbm>> -> memref<1x1x8192xf32, #tpu.memory_space<hbm>>
        %dma_start3A_1814 = tpu.memref_squeeze %dma_start3A_1813 : memref<1x1x8192xf32, #tpu.memory_space<hbm>> -> memref<1x8192xf32, #tpu.memory_space<hbm>>
        %dma_start3A_1815 = arith.constant 0 : i32
        %dma_start3A_1816 = tpu.memref_slice %arg3[%add3A, %add3A_1811, %dma_start3A_1815] : memref<32x128x16384xf32, #tpu.memory_space<hbm>> -> memref<1x1x8192xf32, #tpu.memory_space<hbm>>
        %dma_start3A_1817 = tpu.memref_squeeze %dma_start3A_1816 : memref<1x1x8192xf32, #tpu.memory_space<hbm>> -> memref<1x8192xf32, #tpu.memory_space<hbm>>
        tpu.enqueue_dma source(%dma_start3A_1817 : memref<1x8192xf32, #tpu.memory_space<hbm>>) target(%arg9 : memref<1x8192xf32, #tpu.memory_space<vmem>>) target_semaphore(%arg21 : memref<!tpu.dma_semaphore, #tpu.memory_space<semaphore_mem>>)
      } else {
      }
      %scan3A_1809 = arith.constant 0 : i32
      scf.yield %scan3A_1809 : i32
    }
    %scan3A_65 = arith.constant 32 : i32
    %dma_wait3A = arith.constant 0 : i32
    %dma_wait3A_66 = arith.constant 0 : i32
    %dma_wait3A_67 = arith.constant 0 : i32
    %dma_wait3A_68 = tpu.memref_slice %arg2[%dma_wait3A, %dma_wait3A_66, %dma_wait3A_67] : memref<32x3x16384xf32, #tpu.memory_space<hbm>> -> memref<1x1x16384xf32, #tpu.memory_space<hbm>>
    %dma_wait3A_69 = tpu.memref_squeeze %dma_wait3A_68 : memref<1x1x16384xf32, #tpu.memory_space<hbm>> -> memref<1x16384xf32, #tpu.memory_space<hbm>>
    %dma_wait3A_70 = arith.constant 0 : i32
    %dma_wait3A_71 = arith.constant 0 : i32
    %dma_wait3A_72 = tpu.memref_slice %arg2[%dma_wait3A, %dma_wait3A_70, %dma_wait3A_71] : memref<32x3x16384xf32, #tpu.memory_space<hbm>> -> memref<1x1x16384xf32, #tpu.memory_space<hbm>>
    %dma_wait3A_73 = tpu.memref_squeeze %dma_wait3A_72 : memref<1x1x16384xf32, #tpu.memory_space<hbm>> -> memref<1x16384xf32, #tpu.memory_space<hbm>>
    tpu.wait_dma2 semaphore(%arg22 : memref<!tpu.dma_semaphore, #tpu.memory_space<semaphore_mem>>) src(%dma_wait3A_73 : memref<1x16384xf32, #tpu.memory_space<hbm>>) dst(%arg10 : memref<1x16384xf32, #tpu.memory_space<vmem>>)
    %dma_wait3A_74 = arith.constant 0 : i32
    %dma_wait3A_75 = arith.constant 0 : i32
    %dma_wait3A_76 = arith.constant 0 : i32
    %dma_wait3A_77 = tpu.memref_slice %arg2[%dma_wait3A_74, %dma_wait3A_75, %dma_wait3A_76] : memref<32x3x16384xf32, #tpu.memory_space<hbm>> -> memref<1x1x16384xf32, #tpu.memory_space<hbm>>
    %dma_wait3A_78 = tpu.memref_squeeze %dma_wait3A_77 : memref<1x1x16384xf32, #tpu.memory_space<hbm>> -> memref<1x16384xf32, #tpu.memory_space<hbm>>
    %dma_wait3A_79 = arith.constant 0 : i32
    %dma_wait3A_80 = arith.constant 0 : i32
    %dma_wait3A_81 = tpu.memref_slice %arg2[%dma_wait3A_74, %dma_wait3A_79, %dma_wait3A_80] : memref<32x3x16384xf32, #tpu.memory_space<hbm>> -> memref<1x1x16384xf32, #tpu.memory_space<hbm>>
    %dma_wait3A_82 = tpu.memref_squeeze %dma_wait3A_81 : memref<1x1x16384xf32, #tpu.memory_space<hbm>> -> memref<1x16384xf32, #tpu.memory_space<hbm>>
    tpu.wait_dma2 semaphore(%arg22 : memref<!tpu.dma_semaphore, #tpu.memory_space<semaphore_mem>>) src(%dma_wait3A_82 : memref<1x16384xf32, #tpu.memory_space<hbm>>) dst(%arg11 : memref<1x16384xf32, #tpu.memory_space<vmem>>)
    %dma_wait3A_83 = arith.constant 0 : i32
    %dma_wait3A_84 = arith.constant 0 : i32
    %dma_wait3A_85 = arith.constant 0 : i32
    %dma_wait3A_86 = tpu.memref_slice %arg2[%dma_wait3A_83, %dma_wait3A_84, %dma_wait3A_85] : memref<32x3x16384xf32, #tpu.memory_space<hbm>> -> memref<1x1x16384xf32, #tpu.memory_space<hbm>>
    %dma_wait3A_87 = tpu.memref_squeeze %dma_wait3A_86 : memref<1x1x16384xf32, #tpu.memory_space<hbm>> -> memref<1x16384xf32, #tpu.memory_space<hbm>>
    %dma_wait3A_88 = arith.constant 0 : i32
    %dma_wait3A_89 = arith.constant 0 : i32
    %dma_wait3A_90 = tpu.memref_slice %arg2[%dma_wait3A_83, %dma_wait3A_88, %dma_wait3A_89] : memref<32x3x16384xf32, #tpu.memory_space<hbm>> -> memref<1x1x16384xf32, #tpu.memory_space<hbm>>
    %dma_wait3A_91 = tpu.memref_squeeze %dma_wait3A_90 : memref<1x1x16384xf32, #tpu.memory_space<hbm>> -> memref<1x16384xf32, #tpu.memory_space<hbm>>
    tpu.wait_dma2 semaphore(%arg22 : memref<!tpu.dma_semaphore, #tpu.memory_space<semaphore_mem>>) src(%dma_wait3A_91 : memref<1x16384xf32, #tpu.memory_space<hbm>>) dst(%arg12 : memref<1x16384xf32, #tpu.memory_space<vmem>>)
    %broadcast_in_dim3A_92 = arith.constant 0xFF800000 : f32
    %broadcast_in_dim3A_93 = vector.broadcast %broadcast_in_dim3A_92 : f32 to vector<16xf32>
    %broadcast_in_dim3A_94 = arith.constant 0xFF800000 : f32
    %broadcast_in_dim3A_95 = vector.broadcast %broadcast_in_dim3A_94 : f32 to vector<16xf32>
    %broadcast_in_dim3A_96 = arith.constant 0xFF800000 : f32
    %broadcast_in_dim3A_97 = vector.broadcast %broadcast_in_dim3A_96 : f32 to vector<16xf32>
    %broadcast_in_dim3A_98 = arith.constant 0xFF800000 : f32
    %broadcast_in_dim3A_99 = vector.broadcast %broadcast_in_dim3A_98 : f32 to vector<16xf32>
    %scan3A_100 = arith.constant 0 : i32
    %scan3A_101 = arith.constant 128 : i32
    %scan3A_102 = arith.addi %scan3A_100, %scan3A_101 : i32
    %scan3A_103 = arith.constant 1 : i32
    %scan3A_104:4 = scf.for %scan3A_1518 = %scan3A_100 to %scan3A_102 step %scan3A_103 iter_args(%scan3A_1519 = %broadcast_in_dim3A_93, %scan3A_1520 = %broadcast_in_dim3A_95, %scan3A_1521 = %broadcast_in_dim3A_97, %scan3A_1522 = %broadcast_in_dim3A_99) -> (vector<16xf32>, vector<16xf32>, vector<16xf32>, vector<16xf32>)  : i32 {
      %mul3A_1523 = arith.constant 128 : i32
      %mul3A_1524 = arith.muli %scan3A_1518, %mul3A_1523 : i32
      %add3A_1525 = arith.constant 0 : i32
      %add3A_1526 = arith.addi %mul3A_1524, %add3A_1525 : i32
      %get3A_1527 = arith.constant 0 : i32
      %get3A_1528 = arith.index_cast %get3A_1527 : i32 to index
      %get3A_1529 = arith.index_cast %add3A_1526 : i32 to index
      %get3A_1530 = tpu.vector_load %arg10[%get3A_1528, %get3A_1529] {strides = array<i32>} : memref<1x16384xf32, #tpu.memory_space<vmem>>, vector<1x16xf32>,
      %get3A_1531 = vector.shape_cast %get3A_1530 : vector<1x16xf32> to vector<16xf32>
      %max3A_1532 = arith.maximumf %scan3A_1519, %get3A_1531 : vector<16xf32>
      %add3A_1533 = arith.constant 16 : i32
      %add3A_1534 = arith.addi %mul3A_1524, %add3A_1533 : i32
      %get3A_1535 = arith.constant 0 : i32
      %get3A_1536 = arith.index_cast %get3A_1535 : i32 to index
      %get3A_1537 = arith.index_cast %add3A_1534 : i32 to index
      %get3A_1538 = tpu.vector_load %arg10[%get3A_1536, %get3A_1537] {strides = array<i32>} : memref<1x16384xf32, #tpu.memory_space<vmem>>, vector<1x16xf32>,
      %get3A_1539 = vector.shape_cast %get3A_1538 : vector<1x16xf32> to vector<16xf32>
      %max3A_1540 = arith.maximumf %scan3A_1520, %get3A_1539 : vector<16xf32>
      %add3A_1541 = arith.constant 32 : i32
      %add3A_1542 = arith.addi %mul3A_1524, %add3A_1541 : i32
      %get3A_1543 = arith.constant 0 : i32
      %get3A_1544 = arith.index_cast %get3A_1543 : i32 to index
      %get3A_1545 = arith.index_cast %add3A_1542 : i32 to index
      %get3A_1546 = tpu.vector_load %arg10[%get3A_1544, %get3A_1545] {strides = array<i32>} : memref<1x16384xf32, #tpu.memory_space<vmem>>, vector<1x16xf32>,
      %get3A_1547 = vector.shape_cast %get3A_1546 : vector<1x16xf32> to vector<16xf32>
      %max3A_1548 = arith.maximumf %scan3A_1521, %get3A_1547 : vector<16xf32>
      %add3A_1549 = arith.constant 48 : i32
      %add3A_1550 = arith.addi %mul3A_1524, %add3A_1549 : i32
      %get3A_1551 = arith.constant 0 : i32
      %get3A_1552 = arith.index_cast %get3A_1551 : i32 to index
      %get3A_1553 = arith.index_cast %add3A_1550 : i32 to index
      %get3A_1554 = tpu.vector_load %arg10[%get3A_1552, %get3A_1553] {strides = array<i32>} : memref<1x16384xf32, #tpu.memory_space<vmem>>, vector<1x16xf32>,
      %get3A_1555 = vector.shape_cast %get3A_1554 : vector<1x16xf32> to vector<16xf32>
      %max3A_1556 = arith.maximumf %scan3A_1522, %get3A_1555 : vector<16xf32>
      %add3A_1557 = arith.constant 64 : i32
      %add3A_1558 = arith.addi %mul3A_1524, %add3A_1557 : i32
      %get3A_1559 = arith.constant 0 : i32
      %get3A_1560 = arith.index_cast %get3A_1559 : i32 to index
      %get3A_1561 = arith.index_cast %add3A_1558 : i32 to index
      %get3A_1562 = tpu.vector_load %arg10[%get3A_1560, %get3A_1561] {strides = array<i32>} : memref<1x16384xf32, #tpu.memory_space<vmem>>, vector<1x16xf32>,
      %get3A_1563 = vector.shape_cast %get3A_1562 : vector<1x16xf32> to vector<16xf32>
      %max3A_1564 = arith.maximumf %max3A_1532, %get3A_1563 : vector<16xf32>
      %add3A_1565 = arith.constant 80 : i32
      %add3A_1566 = arith.addi %mul3A_1524, %add3A_1565 : i32
      %get3A_1567 = arith.constant 0 : i32
      %get3A_1568 = arith.index_cast %get3A_1567 : i32 to index
      %get3A_1569 = arith.index_cast %add3A_1566 : i32 to index
      %get3A_1570 = tpu.vector_load %arg10[%get3A_1568, %get3A_1569] {strides = array<i32>} : memref<1x16384xf32, #tpu.memory_space<vmem>>, vector<1x16xf32>,
      %get3A_1571 = vector.shape_cast %get3A_1570 : vector<1x16xf32> to vector<16xf32>
      %max3A_1572 = arith.maximumf %max3A_1540, %get3A_1571 : vector<16xf32>
      %add3A_1573 = arith.constant 96 : i32
      %add3A_1574 = arith.addi %mul3A_1524, %add3A_1573 : i32
      %get3A_1575 = arith.constant 0 : i32
      %get3A_1576 = arith.index_cast %get3A_1575 : i32 to index
      %get3A_1577 = arith.index_cast %add3A_1574 : i32 to index
      %get3A_1578 = tpu.vector_load %arg10[%get3A_1576, %get3A_1577] {strides = array<i32>} : memref<1x16384xf32, #tpu.memory_space<vmem>>, vector<1x16xf32>,
      %get3A_1579 = vector.shape_cast %get3A_1578 : vector<1x16xf32> to vector<16xf32>
      %max3A_1580 = arith.maximumf %max3A_1548, %get3A_1579 : vector<16xf32>
      %add3A_1581 = arith.constant 112 : i32
      %add3A_1582 = arith.addi %mul3A_1524, %add3A_1581 : i32
      %get3A_1583 = arith.constant 0 : i32
      %get3A_1584 = arith.index_cast %get3A_1583 : i32 to index
      %get3A_1585 = arith.index_cast %add3A_1582 : i32 to index
      %get3A_1586 = tpu.vector_load %arg10[%get3A_1584, %get3A_1585] {strides = array<i32>} : memref<1x16384xf32, #tpu.memory_space<vmem>>, vector<1x16xf32>,
      %get3A_1587 = vector.shape_cast %get3A_1586 : vector<1x16xf32> to vector<16xf32>
      %max3A_1588 = arith.maximumf %max3A_1556, %get3A_1587 : vector<16xf32>
      scf.yield %max3A_1564, %max3A_1572, %max3A_1580, %max3A_1588 : vector<16xf32>, vector<16xf32>, vector<16xf32>, vector<16xf32>
    }
    %scan3A_105 = arith.constant 128 : i32
    %max3A = arith.maximumf %scan3A_104#0, %scan3A_104#1 : vector<16xf32>
    %max3A_106 = arith.maximumf %scan3A_104#2, %scan3A_104#3 : vector<16xf32>
    %max3A_107 = arith.maximumf %max3A, %max3A_106 : vector<16xf32>
    %swap3A_108 = arith.constant 0 : index
    %swap3A_109 = tpu.vector_load %arg15[%swap3A_108] {strides = array<i32>} : memref<32xf32, #tpu.memory_space<vmem>>, vector<16xf32>,
    %swap3A_110 = vector.shape_cast %swap3A_109 : vector<16xf32> to vector<16xf32>
    %swap3A_111 = vector.shape_cast %max3A_107 : vector<16xf32> to vector<16xf32>
    tpu.vector_store %arg15[%swap3A_108], %swap3A_111 {strides = array<i32>} : memref<32xf32, #tpu.memory_space<vmem>>, vector<16xf32>,
    %get3A = arith.constant 8 : index
    %get3A_112 = tpu.vector_load %arg15[%get3A] {strides = array<i32>} : memref<32xf32, #tpu.memory_space<vmem>>, vector<16xf32>,
    %get3A_113 = vector.shape_cast %get3A_112 : vector<16xf32> to vector<16xf32>
    %max3A_114 = arith.maximumf %max3A_107, %get3A_113 : vector<16xf32>
    %swap3A_115 = arith.constant 0 : index
    %swap3A_116 = tpu.vector_load %arg15[%swap3A_115] {strides = array<i32>} : memref<32xf32, #tpu.memory_space<vmem>>, vector<16xf32>,
    %swap3A_117 = vector.shape_cast %swap3A_116 : vector<16xf32> to vector<16xf32>
    %swap3A_118 = vector.shape_cast %max3A_114 : vector<16xf32> to vector<16xf32>
    tpu.vector_store %arg15[%swap3A_115], %swap3A_118 {strides = array<i32>} : memref<32xf32, #tpu.memory_space<vmem>>, vector<16xf32>,
    %get3A_119 = arith.constant 4 : index
    %get3A_120 = tpu.vector_load %arg15[%get3A_119] {strides = array<i32>} : memref<32xf32, #tpu.memory_space<vmem>>, vector<16xf32>,
    %get3A_121 = vector.shape_cast %get3A_120 : vector<16xf32> to vector<16xf32>
    %max3A_122 = arith.maximumf %max3A_114, %get3A_121 : vector<16xf32>
    %swap3A_123 = arith.constant 0 : index
    %swap3A_124 = tpu.vector_load %arg15[%swap3A_123] {strides = array<i32>} : memref<32xf32, #tpu.memory_space<vmem>>, vector<16xf32>,
    %swap3A_125 = vector.shape_cast %swap3A_124 : vector<16xf32> to vector<16xf32>
    %swap3A_126 = vector.shape_cast %max3A_122 : vector<16xf32> to vector<16xf32>
    tpu.vector_store %arg15[%swap3A_123], %swap3A_126 {strides = array<i32>} : memref<32xf32, #tpu.memory_space<vmem>>, vector<16xf32>,
    %get3A_127 = arith.constant 2 : index
    %get3A_128 = tpu.vector_load %arg15[%get3A_127] {strides = array<i32>} : memref<32xf32, #tpu.memory_space<vmem>>, vector<16xf32>,
    %get3A_129 = vector.shape_cast %get3A_128 : vector<16xf32> to vector<16xf32>
    %max3A_130 = arith.maximumf %max3A_122, %get3A_129 : vector<16xf32>
    %swap3A_131 = arith.constant 0 : index
    %swap3A_132 = tpu.vector_load %arg15[%swap3A_131] {strides = array<i32>} : memref<32xf32, #tpu.memory_space<vmem>>, vector<16xf32>,
    %swap3A_133 = vector.shape_cast %swap3A_132 : vector<16xf32> to vector<16xf32>
    %swap3A_134 = vector.shape_cast %max3A_130 : vector<16xf32> to vector<16xf32>
    tpu.vector_store %arg15[%swap3A_131], %swap3A_134 {strides = array<i32>} : memref<32xf32, #tpu.memory_space<vmem>>, vector<16xf32>,
    %get3A_135 = arith.constant 1 : index
    %get3A_136 = tpu.vector_load %arg15[%get3A_135] {strides = array<i32>} : memref<32xf32, #tpu.memory_space<vmem>>, vector<16xf32>,
    %get3A_137 = vector.shape_cast %get3A_136 : vector<16xf32> to vector<16xf32>
    %max3A_138 = arith.maximumf %max3A_130, %get3A_137 : vector<16xf32>
    %slice3A = vector.extract_strided_slice %max3A_138 {offsets = [0], sizes = [1], strides = [1]} : vector<16xf32> to vector<1xf32>
    %squeeze3A = vector.extract %slice3A[0] : f32 from vector<1xf32>
    %swap3A_139 = arith.constant 0 : i32
    %swap3A_140 = arith.index_cast %swap3A_139 : i32 to index
    %swap3A_141 = memref.load %arg17[%swap3A_140] : memref<16xf32, #tpu.memory_space<smem>>
    memref.store %squeeze3A, %arg17[%swap3A_140] : memref<16xf32, #tpu.memory_space<smem>>
    %broadcast_in_dim3A_142 = arith.constant 0xFF800000 : f32
    %broadcast_in_dim3A_143 = vector.broadcast %broadcast_in_dim3A_142 : f32 to vector<16xf32>
    %broadcast_in_dim3A_144 = arith.constant 0xFF800000 : f32
    %broadcast_in_dim3A_145 = vector.broadcast %broadcast_in_dim3A_144 : f32 to vector<16xf32>
    %broadcast_in_dim3A_146 = arith.constant 0xFF800000 : f32
    %broadcast_in_dim3A_147 = vector.broadcast %broadcast_in_dim3A_146 : f32 to vector<16xf32>
    %broadcast_in_dim3A_148 = arith.constant 0xFF800000 : f32
    %broadcast_in_dim3A_149 = vector.broadcast %broadcast_in_dim3A_148 : f32 to vector<16xf32>
    %scan3A_150 = arith.constant 0 : i32
    %scan3A_151 = arith.constant 128 : i32
    %scan3A_152 = arith.addi %scan3A_150, %scan3A_151 : i32
    %scan3A_153 = arith.constant 1 : i32
    %scan3A_154:4 = scf.for %scan3A_1518 = %scan3A_150 to %scan3A_152 step %scan3A_153 iter_args(%scan3A_1519 = %broadcast_in_dim3A_143, %scan3A_1520 = %broadcast_in_dim3A_145, %scan3A_1521 = %broadcast_in_dim3A_147, %scan3A_1522 = %broadcast_in_dim3A_149) -> (vector<16xf32>, vector<16xf32>, vector<16xf32>, vector<16xf32>)  : i32 {
      %mul3A_1523 = arith.constant 128 : i32
      %mul3A_1524 = arith.muli %scan3A_1518, %mul3A_1523 : i32
      %add3A_1525 = arith.constant 0 : i32
      %add3A_1526 = arith.addi %mul3A_1524, %add3A_1525 : i32
      %get3A_1527 = arith.constant 0 : i32
      %get3A_1528 = arith.index_cast %get3A_1527 : i32 to index
      %get3A_1529 = arith.index_cast %add3A_1526 : i32 to index
      %get3A_1530 = tpu.vector_load %arg11[%get3A_1528, %get3A_1529] {strides = array<i32>} : memref<1x16384xf32, #tpu.memory_space<vmem>>, vector<1x16xf32>,
      %get3A_1531 = vector.shape_cast %get3A_1530 : vector<1x16xf32> to vector<16xf32>
      %max3A_1532 = arith.maximumf %scan3A_1519, %get3A_1531 : vector<16xf32>
      %add3A_1533 = arith.constant 16 : i32
      %add3A_1534 = arith.addi %mul3A_1524, %add3A_1533 : i32
      %get3A_1535 = arith.constant 0 : i32
      %get3A_1536 = arith.index_cast %get3A_1535 : i32 to index
      %get3A_1537 = arith.index_cast %add3A_1534 : i32 to index
      %get3A_1538 = tpu.vector_load %arg11[%get3A_1536, %get3A_1537] {strides = array<i32>} : memref<1x16384xf32, #tpu.memory_space<vmem>>, vector<1x16xf32>,
      %get3A_1539 = vector.shape_cast %get3A_1538 : vector<1x16xf32> to vector<16xf32>
      %max3A_1540 = arith.maximumf %scan3A_1520, %get3A_1539 : vector<16xf32>
      %add3A_1541 = arith.constant 32 : i32
      %add3A_1542 = arith.addi %mul3A_1524, %add3A_1541 : i32
      %get3A_1543 = arith.constant 0 : i32
      %get3A_1544 = arith.index_cast %get3A_1543 : i32 to index
      %get3A_1545 = arith.index_cast %add3A_1542 : i32 to index
      %get3A_1546 = tpu.vector_load %arg11[%get3A_1544, %get3A_1545] {strides = array<i32>} : memref<1x16384xf32, #tpu.memory_space<vmem>>, vector<1x16xf32>,
      %get3A_1547 = vector.shape_cast %get3A_1546 : vector<1x16xf32> to vector<16xf32>
      %max3A_1548 = arith.maximumf %scan3A_1521, %get3A_1547 : vector<16xf32>
      %add3A_1549 = arith.constant 48 : i32
      %add3A_1550 = arith.addi %mul3A_1524, %add3A_1549 : i32
      %get3A_1551 = arith.constant 0 : i32
      %get3A_1552 = arith.index_cast %get3A_1551 : i32 to index
      %get3A_1553 = arith.index_cast %add3A_1550 : i32 to index
      %get3A_1554 = tpu.vector_load %arg11[%get3A_1552, %get3A_1553] {strides = array<i32>} : memref<1x16384xf32, #tpu.memory_space<vmem>>, vector<1x16xf32>,
      %get3A_1555 = vector.shape_cast %get3A_1554 : vector<1x16xf32> to vector<16xf32>
      %max3A_1556 = arith.maximumf %scan3A_1522, %get3A_1555 : vector<16xf32>
      %add3A_1557 = arith.constant 64 : i32
      %add3A_1558 = arith.addi %mul3A_1524, %add3A_1557 : i32
      %get3A_1559 = arith.constant 0 : i32
      %get3A_1560 = arith.index_cast %get3A_1559 : i32 to index
      %get3A_1561 = arith.index_cast %add3A_1558 : i32 to index
      %get3A_1562 = tpu.vector_load %arg11[%get3A_1560, %get3A_1561] {strides = array<i32>} : memref<1x16384xf32, #tpu.memory_space<vmem>>, vector<1x16xf32>,
      %get3A_1563 = vector.shape_cast %get3A_1562 : vector<1x16xf32> to vector<16xf32>
      %max3A_1564 = arith.maximumf %max3A_1532, %get3A_1563 : vector<16xf32>
      %add3A_1565 = arith.constant 80 : i32
      %add3A_1566 = arith.addi %mul3A_1524, %add3A_1565 : i32
      %get3A_1567 = arith.constant 0 : i32
      %get3A_1568 = arith.index_cast %get3A_1567 : i32 to index
      %get3A_1569 = arith.index_cast %add3A_1566 : i32 to index
      %get3A_1570 = tpu.vector_load %arg11[%get3A_1568, %get3A_1569] {strides = array<i32>} : memref<1x16384xf32, #tpu.memory_space<vmem>>, vector<1x16xf32>,
      %get3A_1571 = vector.shape_cast %get3A_1570 : vector<1x16xf32> to vector<16xf32>
      %max3A_1572 = arith.maximumf %max3A_1540, %get3A_1571 : vector<16xf32>
      %add3A_1573 = arith.constant 96 : i32
      %add3A_1574 = arith.addi %mul3A_1524, %add3A_1573 : i32
      %get3A_1575 = arith.constant 0 : i32
      %get3A_1576 = arith.index_cast %get3A_1575 : i32 to index
      %get3A_1577 = arith.index_cast %add3A_1574 : i32 to index
      %get3A_1578 = tpu.vector_load %arg11[%get3A_1576, %get3A_1577] {strides = array<i32>} : memref<1x16384xf32, #tpu.memory_space<vmem>>, vector<1x16xf32>,
      %get3A_1579 = vector.shape_cast %get3A_1578 : vector<1x16xf32> to vector<16xf32>
      %max3A_1580 = arith.maximumf %max3A_1548, %get3A_1579 : vector<16xf32>
      %add3A_1581 = arith.constant 112 : i32
      %add3A_1582 = arith.addi %mul3A_1524, %add3A_1581 : i32
      %get3A_1583 = arith.constant 0 : i32
      %get3A_1584 = arith.index_cast %get3A_1583 : i32 to index
      %get3A_1585 = arith.index_cast %add3A_1582 : i32 to index
      %get3A_1586 = tpu.vector_load %arg11[%get3A_1584, %get3A_1585] {strides = array<i32>} : memref<1x16384xf32, #tpu.memory_space<vmem>>, vector<1x16xf32>,
      %get3A_1587 = vector.shape_cast %get3A_1586 : vector<1x16xf32> to vector<16xf32>
      %max3A_1588 = arith.maximumf %max3A_1556, %get3A_1587 : vector<16xf32>
      scf.yield %max3A_1564, %max3A_1572, %max3A_1580, %max3A_1588 : vector<16xf32>, vector<16xf32>, vector<16xf32>, vector<16xf32>
    }
    %scan3A_155 = arith.constant 128 : i32
    %max3A_156 = arith.maximumf %scan3A_154#0, %scan3A_154#1 : vector<16xf32>
    %max3A_157 = arith.maximumf %scan3A_154#2, %scan3A_154#3 : vector<16xf32>
    %max3A_158 = arith.maximumf %max3A_156, %max3A_157 : vector<16xf32>
    %swap3A_159 = arith.constant 0 : index
    %swap3A_160 = tpu.vector_load %arg15[%swap3A_159] {strides = array<i32>} : memref<32xf32, #tpu.memory_space<vmem>>, vector<16xf32>,
    %swap3A_161 = vector.shape_cast %swap3A_160 : vector<16xf32> to vector<16xf32>
    %swap3A_162 = vector.shape_cast %max3A_158 : vector<16xf32> to vector<16xf32>
    tpu.vector_store %arg15[%swap3A_159], %swap3A_162 {strides = array<i32>} : memref<32xf32, #tpu.memory_space<vmem>>, vector<16xf32>,
    %get3A_163 = arith.constant 8 : index
    %get3A_164 = tpu.vector_load %arg15[%get3A_163] {strides = array<i32>} : memref<32xf32, #tpu.memory_space<vmem>>, vector<16xf32>,
    %get3A_165 = vector.shape_cast %get3A_164 : vector<16xf32> to vector<16xf32>
    %max3A_166 = arith.maximumf %max3A_158, %get3A_165 : vector<16xf32>
    %swap3A_167 = arith.constant 0 : index
    %swap3A_168 = tpu.vector_load %arg15[%swap3A_167] {strides = array<i32>} : memref<32xf32, #tpu.memory_space<vmem>>, vector<16xf32>,
    %swap3A_169 = vector.shape_cast %swap3A_168 : vector<16xf32> to vector<16xf32>
    %swap3A_170 = vector.shape_cast %max3A_166 : vector<16xf32> to vector<16xf32>
    tpu.vector_store %arg15[%swap3A_167], %swap3A_170 {strides = array<i32>} : memref<32xf32, #tpu.memory_space<vmem>>, vector<16xf32>,
    %get3A_171 = arith.constant 4 : index
    %get3A_172 = tpu.vector_load %arg15[%get3A_171] {strides = array<i32>} : memref<32xf32, #tpu.memory_space<vmem>>, vector<16xf32>,
    %get3A_173 = vector.shape_cast %get3A_172 : vector<16xf32> to vector<16xf32>
    %max3A_174 = arith.maximumf %max3A_166, %get3A_173 : vector<16xf32>
    %swap3A_175 = arith.constant 0 : index
    %swap3A_176 = tpu.vector_load %arg15[%swap3A_175] {strides = array<i32>} : memref<32xf32, #tpu.memory_space<vmem>>, vector<16xf32>,
    %swap3A_177 = vector.shape_cast %swap3A_176 : vector<16xf32> to vector<16xf32>
    %swap3A_178 = vector.shape_cast %max3A_174 : vector<16xf32> to vector<16xf32>
    tpu.vector_store %arg15[%swap3A_175], %swap3A_178 {strides = array<i32>} : memref<32xf32, #tpu.memory_space<vmem>>, vector<16xf32>,
    %get3A_179 = arith.constant 2 : index
    %get3A_180 = tpu.vector_load %arg15[%get3A_179] {strides = array<i32>} : memref<32xf32, #tpu.memory_space<vmem>>, vector<16xf32>,
    %get3A_181 = vector.shape_cast %get3A_180 : vector<16xf32> to vector<16xf32>
    %max3A_182 = arith.maximumf %max3A_174, %get3A_181 : vector<16xf32>
    %swap3A_183 = arith.constant 0 : index
    %swap3A_184 = tpu.vector_load %arg15[%swap3A_183] {strides = array<i32>} : memref<32xf32, #tpu.memory_space<vmem>>, vector<16xf32>,
    %swap3A_185 = vector.shape_cast %swap3A_184 : vector<16xf32> to vector<16xf32>
    %swap3A_186 = vector.shape_cast %max3A_182 : vector<16xf32> to vector<16xf32>
    tpu.vector_store %arg15[%swap3A_183], %swap3A_186 {strides = array<i32>} : memref<32xf32, #tpu.memory_space<vmem>>, vector<16xf32>,
    %get3A_187 = arith.constant 1 : index
    %get3A_188 = tpu.vector_load %arg15[%get3A_187] {strides = array<i32>} : memref<32xf32, #tpu.memory_space<vmem>>, vector<16xf32>,
    %get3A_189 = vector.shape_cast %get3A_188 : vector<16xf32> to vector<16xf32>
    %max3A_190 = arith.maximumf %max3A_182, %get3A_189 : vector<16xf32>
    %slice3A_191 = vector.extract_strided_slice %max3A_190 {offsets = [0], sizes = [1], strides = [1]} : vector<16xf32> to vector<1xf32>
    %squeeze3A_192 = vector.extract %slice3A_191[0] : f32 from vector<1xf32>
    %swap3A_193 = arith.constant 1 : i32
    %swap3A_194 = arith.index_cast %swap3A_193 : i32 to index
    %swap3A_195 = memref.load %arg17[%swap3A_194] : memref<16xf32, #tpu.memory_space<smem>>
    memref.store %squeeze3A_192, %arg17[%swap3A_194] : memref<16xf32, #tpu.memory_space<smem>>
    %broadcast_in_dim3A_196 = arith.constant 0xFF800000 : f32
    %broadcast_in_dim3A_197 = vector.broadcast %broadcast_in_dim3A_196 : f32 to vector<16xf32>
    %broadcast_in_dim3A_198 = arith.constant 0xFF800000 : f32
    %broadcast_in_dim3A_199 = vector.broadcast %broadcast_in_dim3A_198 : f32 to vector<16xf32>
    %broadcast_in_dim3A_200 = arith.constant 0xFF800000 : f32
    %broadcast_in_dim3A_201 = vector.broadcast %broadcast_in_dim3A_200 : f32 to vector<16xf32>
    %broadcast_in_dim3A_202 = arith.constant 0xFF800000 : f32
    %broadcast_in_dim3A_203 = vector.broadcast %broadcast_in_dim3A_202 : f32 to vector<16xf32>
    %scan3A_204 = arith.constant 0 : i32
    %scan3A_205 = arith.constant 128 : i32
    %scan3A_206 = arith.addi %scan3A_204, %scan3A_205 : i32
    %scan3A_207 = arith.constant 1 : i32
    %scan3A_208:4 = scf.for %scan3A_1518 = %scan3A_204 to %scan3A_206 step %scan3A_207 iter_args(%scan3A_1519 = %broadcast_in_dim3A_197, %scan3A_1520 = %broadcast_in_dim3A_199, %scan3A_1521 = %broadcast_in_dim3A_201, %scan3A_1522 = %broadcast_in_dim3A_203) -> (vector<16xf32>, vector<16xf32>, vector<16xf32>, vector<16xf32>)  : i32 {
      %mul3A_1523 = arith.constant 128 : i32
      %mul3A_1524 = arith.muli %scan3A_1518, %mul3A_1523 : i32
      %add3A_1525 = arith.constant 0 : i32
      %add3A_1526 = arith.addi %mul3A_1524, %add3A_1525 : i32
      %get3A_1527 = arith.constant 0 : i32
      %get3A_1528 = arith.index_cast %get3A_1527 : i32 to index
      %get3A_1529 = arith.index_cast %add3A_1526 : i32 to index
      %get3A_1530 = tpu.vector_load %arg12[%get3A_1528, %get3A_1529] {strides = array<i32>} : memref<1x16384xf32, #tpu.memory_space<vmem>>, vector<1x16xf32>,
      %get3A_1531 = vector.shape_cast %get3A_1530 : vector<1x16xf32> to vector<16xf32>
      %max3A_1532 = arith.maximumf %scan3A_1519, %get3A_1531 : vector<16xf32>
      %add3A_1533 = arith.constant 16 : i32
      %add3A_1534 = arith.addi %mul3A_1524, %add3A_1533 : i32
      %get3A_1535 = arith.constant 0 : i32
      %get3A_1536 = arith.index_cast %get3A_1535 : i32 to index
      %get3A_1537 = arith.index_cast %add3A_1534 : i32 to index
      %get3A_1538 = tpu.vector_load %arg12[%get3A_1536, %get3A_1537] {strides = array<i32>} : memref<1x16384xf32, #tpu.memory_space<vmem>>, vector<1x16xf32>,
      %get3A_1539 = vector.shape_cast %get3A_1538 : vector<1x16xf32> to vector<16xf32>
      %max3A_1540 = arith.maximumf %scan3A_1520, %get3A_1539 : vector<16xf32>
      %add3A_1541 = arith.constant 32 : i32
      %add3A_1542 = arith.addi %mul3A_1524, %add3A_1541 : i32
      %get3A_1543 = arith.constant 0 : i32
      %get3A_1544 = arith.index_cast %get3A_1543 : i32 to index
      %get3A_1545 = arith.index_cast %add3A_1542 : i32 to index
      %get3A_1546 = tpu.vector_load %arg12[%get3A_1544, %get3A_1545] {strides = array<i32>} : memref<1x16384xf32, #tpu.memory_space<vmem>>, vector<1x16xf32>,
      %get3A_1547 = vector.shape_cast %get3A_1546 : vector<1x16xf32> to vector<16xf32>
      %max3A_1548 = arith.maximumf %scan3A_1521, %get3A_1547 : vector<16xf32>
      %add3A_1549 = arith.constant 48 : i32
      %add3A_1550 = arith.addi %mul3A_1524, %add3A_1549 : i32
      %get3A_1551 = arith.constant 0 : i32
      %get3A_1552 = arith.index_cast %get3A_1551 : i32 to index
      %get3A_1553 = arith.index_cast %add3A_1550 : i32 to index
      %get3A_1554 = tpu.vector_load %arg12[%get3A_1552, %get3A_1553] {strides = array<i32>} : memref<1x16384xf32, #tpu.memory_space<vmem>>, vector<1x16xf32>,
      %get3A_1555 = vector.shape_cast %get3A_1554 : vector<1x16xf32> to vector<16xf32>
      %max3A_1556 = arith.maximumf %scan3A_1522, %get3A_1555 : vector<16xf32>
      %add3A_1557 = arith.constant 64 : i32
      %add3A_1558 = arith.addi %mul3A_1524, %add3A_1557 : i32
      %get3A_1559 = arith.constant 0 : i32
      %get3A_1560 = arith.index_cast %get3A_1559 : i32 to index
      %get3A_1561 = arith.index_cast %add3A_1558 : i32 to index
      %get3A_1562 = tpu.vector_load %arg12[%get3A_1560, %get3A_1561] {strides = array<i32>} : memref<1x16384xf32, #tpu.memory_space<vmem>>, vector<1x16xf32>,
      %get3A_1563 = vector.shape_cast %get3A_1562 : vector<1x16xf32> to vector<16xf32>
      %max3A_1564 = arith.maximumf %max3A_1532, %get3A_1563 : vector<16xf32>
      %add3A_1565 = arith.constant 80 : i32
      %add3A_1566 = arith.addi %mul3A_1524, %add3A_1565 : i32
      %get3A_1567 = arith.constant 0 : i32
      %get3A_1568 = arith.index_cast %get3A_1567 : i32 to index
      %get3A_1569 = arith.index_cast %add3A_1566 : i32 to index
      %get3A_1570 = tpu.vector_load %arg12[%get3A_1568, %get3A_1569] {strides = array<i32>} : memref<1x16384xf32, #tpu.memory_space<vmem>>, vector<1x16xf32>,
      %get3A_1571 = vector.shape_cast %get3A_1570 : vector<1x16xf32> to vector<16xf32>
      %max3A_1572 = arith.maximumf %max3A_1540, %get3A_1571 : vector<16xf32>
      %add3A_1573 = arith.constant 96 : i32
      %add3A_1574 = arith.addi %mul3A_1524, %add3A_1573 : i32
      %get3A_1575 = arith.constant 0 : i32
      %get3A_1576 = arith.index_cast %get3A_1575 : i32 to index
      %get3A_1577 = arith.index_cast %add3A_1574 : i32 to index
      %get3A_1578 = tpu.vector_load %arg12[%get3A_1576, %get3A_1577] {strides = array<i32>} : memref<1x16384xf32, #tpu.memory_space<vmem>>, vector<1x16xf32>,
      %get3A_1579 = vector.shape_cast %get3A_1578 : vector<1x16xf32> to vector<16xf32>
      %max3A_1580 = arith.maximumf %max3A_1548, %get3A_1579 : vector<16xf32>
      %add3A_1581 = arith.constant 112 : i32
      %add3A_1582 = arith.addi %mul3A_1524, %add3A_1581 : i32
      %get3A_1583 = arith.constant 0 : i32
      %get3A_1584 = arith.index_cast %get3A_1583 : i32 to index
      %get3A_1585 = arith.index_cast %add3A_1582 : i32 to index
      %get3A_1586 = tpu.vector_load %arg12[%get3A_1584, %get3A_1585] {strides = array<i32>} : memref<1x16384xf32, #tpu.memory_space<vmem>>, vector<1x16xf32>,
      %get3A_1587 = vector.shape_cast %get3A_1586 : vector<1x16xf32> to vector<16xf32>
      %max3A_1588 = arith.maximumf %max3A_1556, %get3A_1587 : vector<16xf32>
      scf.yield %max3A_1564, %max3A_1572, %max3A_1580, %max3A_1588 : vector<16xf32>, vector<16xf32>, vector<16xf32>, vector<16xf32>
    }
    %scan3A_209 = arith.constant 128 : i32
    %max3A_210 = arith.maximumf %scan3A_208#0, %scan3A_208#1 : vector<16xf32>
    %max3A_211 = arith.maximumf %scan3A_208#2, %scan3A_208#3 : vector<16xf32>
    %max3A_212 = arith.maximumf %max3A_210, %max3A_211 : vector<16xf32>
    %swap3A_213 = arith.constant 0 : index
    %swap3A_214 = tpu.vector_load %arg15[%swap3A_213] {strides = array<i32>} : memref<32xf32, #tpu.memory_space<vmem>>, vector<16xf32>,
    %swap3A_215 = vector.shape_cast %swap3A_214 : vector<16xf32> to vector<16xf32>
    %swap3A_216 = vector.shape_cast %max3A_212 : vector<16xf32> to vector<16xf32>
    tpu.vector_store %arg15[%swap3A_213], %swap3A_216 {strides = array<i32>} : memref<32xf32, #tpu.memory_space<vmem>>, vector<16xf32>,
    %get3A_217 = arith.constant 8 : index
    %get3A_218 = tpu.vector_load %arg15[%get3A_217] {strides = array<i32>} : memref<32xf32, #tpu.memory_space<vmem>>, vector<16xf32>,
    %get3A_219 = vector.shape_cast %get3A_218 : vector<16xf32> to vector<16xf32>
    %max3A_220 = arith.maximumf %max3A_212, %get3A_219 : vector<16xf32>
    %swap3A_221 = arith.constant 0 : index
    %swap3A_222 = tpu.vector_load %arg15[%swap3A_221] {strides = array<i32>} : memref<32xf32, #tpu.memory_space<vmem>>, vector<16xf32>,
    %swap3A_223 = vector.shape_cast %swap3A_222 : vector<16xf32> to vector<16xf32>
    %swap3A_224 = vector.shape_cast %max3A_220 : vector<16xf32> to vector<16xf32>
    tpu.vector_store %arg15[%swap3A_221], %swap3A_224 {strides = array<i32>} : memref<32xf32, #tpu.memory_space<vmem>>, vector<16xf32>,
    %get3A_225 = arith.constant 4 : index
    %get3A_226 = tpu.vector_load %arg15[%get3A_225] {strides = array<i32>} : memref<32xf32, #tpu.memory_space<vmem>>, vector<16xf32>,
    %get3A_227 = vector.shape_cast %get3A_226 : vector<16xf32> to vector<16xf32>
    %max3A_228 = arith.maximumf %max3A_220, %get3A_227 : vector<16xf32>
    %swap3A_229 = arith.constant 0 : index
    %swap3A_230 = tpu.vector_load %arg15[%swap3A_229] {strides = array<i32>} : memref<32xf32, #tpu.memory_space<vmem>>, vector<16xf32>,
    %swap3A_231 = vector.shape_cast %swap3A_230 : vector<16xf32> to vector<16xf32>
    %swap3A_232 = vector.shape_cast %max3A_228 : vector<16xf32> to vector<16xf32>
    tpu.vector_store %arg15[%swap3A_229], %swap3A_232 {strides = array<i32>} : memref<32xf32, #tpu.memory_space<vmem>>, vector<16xf32>,
    %get3A_233 = arith.constant 2 : index
    %get3A_234 = tpu.vector_load %arg15[%get3A_233] {strides = array<i32>} : memref<32xf32, #tpu.memory_space<vmem>>, vector<16xf32>,
    %get3A_235 = vector.shape_cast %get3A_234 : vector<16xf32> to vector<16xf32>
    %max3A_236 = arith.maximumf %max3A_228, %get3A_235 : vector<16xf32>
    %swap3A_237 = arith.constant 0 : index
    %swap3A_238 = tpu.vector_load %arg15[%swap3A_237] {strides = array<i32>} : memref<32xf32, #tpu.memory_space<vmem>>, vector<16xf32>,
    %swap3A_239 = vector.shape_cast %swap3A_238 : vector<16xf32> to vector<16xf32>
    %swap3A_240 = vector.shape_cast %max3A_236 : vector<16xf32> to vector<16xf32>
    tpu.vector_store %arg15[%swap3A_237], %swap3A_240 {strides = array<i32>} : memref<32xf32, #tpu.memory_space<vmem>>, vector<16xf32>,
    %get3A_241 = arith.constant 1 : index
    %get3A_242 = tpu.vector_load %arg15[%get3A_241] {strides = array<i32>} : memref<32xf32, #tpu.memory_space<vmem>>, vector<16xf32>,
    %get3A_243 = vector.shape_cast %get3A_242 : vector<16xf32> to vector<16xf32>
    %max3A_244 = arith.maximumf %max3A_236, %get3A_243 : vector<16xf32>
    %slice3A_245 = vector.extract_strided_slice %max3A_244 {offsets = [0], sizes = [1], strides = [1]} : vector<16xf32> to vector<1xf32>
    %squeeze3A_246 = vector.extract %slice3A_245[0] : f32 from vector<1xf32>
    %swap3A_247 = arith.constant 2 : i32
    %swap3A_248 = arith.index_cast %swap3A_247 : i32 to index
    %swap3A_249 = memref.load %arg17[%swap3A_248] : memref<16xf32, #tpu.memory_space<smem>>
    memref.store %squeeze3A_246, %arg17[%swap3A_248] : memref<16xf32, #tpu.memory_space<smem>>
    %swap3A_250 = arith.constant 0.000000e+00 : f32
    %swap3A_251 = arith.constant 3 : i32
    %swap3A_252 = arith.index_cast %swap3A_251 : i32 to index
    %swap3A_253 = memref.load %arg17[%swap3A_252] : memref<16xf32, #tpu.memory_space<smem>>
    memref.store %swap3A_250, %arg17[%swap3A_252] : memref<16xf32, #tpu.memory_space<smem>>
    %swap3A_254 = arith.constant 0.000000e+00 : f32
    %swap3A_255 = arith.constant 4 : i32
    %swap3A_256 = arith.index_cast %swap3A_255 : i32 to index
    %swap3A_257 = memref.load %arg17[%swap3A_256] : memref<16xf32, #tpu.memory_space<smem>>
    memref.store %swap3A_254, %arg17[%swap3A_256] : memref<16xf32, #tpu.memory_space<smem>>
    %swap3A_258 = arith.constant 0.000000e+00 : f32
    %swap3A_259 = arith.constant 5 : i32
    %swap3A_260 = arith.index_cast %swap3A_259 : i32 to index
    %swap3A_261 = memref.load %arg17[%swap3A_260] : memref<16xf32, #tpu.memory_space<smem>>
    memref.store %swap3A_258, %arg17[%swap3A_260] : memref<16xf32, #tpu.memory_space<smem>>
    %swap3A_262 = arith.constant 0.000000e+00 : f32
    %swap3A_263 = arith.constant 6 : i32
    %swap3A_264 = arith.index_cast %swap3A_263 : i32 to index
    %swap3A_265 = memref.load %arg17[%swap3A_264] : memref<16xf32, #tpu.memory_space<smem>>
    memref.store %swap3A_262, %arg17[%swap3A_264] : memref<16xf32, #tpu.memory_space<smem>>
    %swap3A_266 = arith.constant 0.000000e+00 : f32
    %swap3A_267 = arith.constant 7 : i32
    %swap3A_268 = arith.index_cast %swap3A_267 : i32 to index
    %swap3A_269 = memref.load %arg17[%swap3A_268] : memref<16xf32, #tpu.memory_space<smem>>
    memref.store %swap3A_266, %arg17[%swap3A_268] : memref<16xf32, #tpu.memory_space<smem>>
    %swap3A_270 = arith.constant 0.000000e+00 : f32
    %swap3A_271 = arith.constant 8 : i32
    %swap3A_272 = arith.index_cast %swap3A_271 : i32 to index
    %swap3A_273 = memref.load %arg17[%swap3A_272] : memref<16xf32, #tpu.memory_space<smem>>
    memref.store %swap3A_270, %arg17[%swap3A_272] : memref<16xf32, #tpu.memory_space<smem>>
    %swap3A_274 = arith.constant 0.000000e+00 : f32
    %swap3A_275 = arith.constant 9 : i32
    %swap3A_276 = arith.index_cast %swap3A_275 : i32 to index
    %swap3A_277 = memref.load %arg17[%swap3A_276] : memref<16xf32, #tpu.memory_space<smem>>
    memref.store %swap3A_274, %arg17[%swap3A_276] : memref<16xf32, #tpu.memory_space<smem>>
    %swap3A_278 = arith.constant 0.000000e+00 : f32
    %swap3A_279 = arith.constant 10 : i32
    %swap3A_280 = arith.index_cast %swap3A_279 : i32 to index
    %swap3A_281 = memref.load %arg17[%swap3A_280] : memref<16xf32, #tpu.memory_space<smem>>
    memref.store %swap3A_278, %arg17[%swap3A_280] : memref<16xf32, #tpu.memory_space<smem>>
    %swap3A_282 = arith.constant 0.000000e+00 : f32
    %swap3A_283 = arith.constant 11 : i32
    %swap3A_284 = arith.index_cast %swap3A_283 : i32 to index
    %swap3A_285 = memref.load %arg17[%swap3A_284] : memref<16xf32, #tpu.memory_space<smem>>
    memref.store %swap3A_282, %arg17[%swap3A_284] : memref<16xf32, #tpu.memory_space<smem>>
    %swap3A_286 = arith.constant 0.000000e+00 : f32
    %swap3A_287 = arith.constant 12 : i32
    %swap3A_288 = arith.index_cast %swap3A_287 : i32 to index
    %swap3A_289 = memref.load %arg17[%swap3A_288] : memref<16xf32, #tpu.memory_space<smem>>
    memref.store %swap3A_286, %arg17[%swap3A_288] : memref<16xf32, #tpu.memory_space<smem>>
    %swap3A_290 = arith.constant 0.000000e+00 : f32
    %swap3A_291 = arith.constant 13 : i32
    %swap3A_292 = arith.index_cast %swap3A_291 : i32 to index
    %swap3A_293 = memref.load %arg17[%swap3A_292] : memref<16xf32, #tpu.memory_space<smem>>
    memref.store %swap3A_290, %arg17[%swap3A_292] : memref<16xf32, #tpu.memory_space<smem>>
    %swap3A_294 = arith.constant 0.000000e+00 : f32
    %swap3A_295 = arith.constant 14 : i32
    %swap3A_296 = arith.index_cast %swap3A_295 : i32 to index
    %swap3A_297 = memref.load %arg17[%swap3A_296] : memref<16xf32, #tpu.memory_space<smem>>
    memref.store %swap3A_294, %arg17[%swap3A_296] : memref<16xf32, #tpu.memory_space<smem>>
    %swap3A_298 = arith.constant 0.000000e+00 : f32
    %swap3A_299 = arith.constant 15 : i32
    %swap3A_300 = arith.index_cast %swap3A_299 : i32 to index
    %swap3A_301 = memref.load %arg17[%swap3A_300] : memref<16xf32, #tpu.memory_space<smem>>
    memref.store %swap3A_298, %arg17[%swap3A_300] : memref<16xf32, #tpu.memory_space<smem>>
    %iota3A = tpu.iota {dimensions = array<i32: 0>} : vector<16xi32>
    %broadcast_in_dim3A_302 = arith.constant 0xFF800000 : f32
    %broadcast_in_dim3A_303 = vector.broadcast %broadcast_in_dim3A_302 : f32 to vector<16xf32>
    %eq3A = arith.constant 0 : i32
    %eq3A_304 = vector.broadcast %eq3A : i32 to vector<16xi32>
    %eq3A_305 = arith.cmpi eq, %iota3A, %eq3A_304 : vector<16xi32>
    %get3A_306 = arith.constant 0 : i32
    %get3A_307 = arith.index_cast %get3A_306 : i32 to index
    %get3A_308 = memref.load %arg16[%get3A_307] : memref<128xf32, #tpu.memory_space<smem>>
    %broadcast_in_dim3A_309 = vector.broadcast %get3A_308 : f32 to vector<16xf32>
    %select_n3A = arith.select %eq3A_305, %broadcast_in_dim3A_309, %broadcast_in_dim3A_303 : vector<16xi1>, vector<16xf32>
    %eq3A_310 = arith.constant 1 : i32
    %eq3A_311 = vector.broadcast %eq3A_310 : i32 to vector<16xi32>
    %eq3A_312 = arith.cmpi eq, %iota3A, %eq3A_311 : vector<16xi32>
    %get3A_313 = arith.constant 1 : i32
    %get3A_314 = arith.index_cast %get3A_313 : i32 to index
    %get3A_315 = memref.load %arg16[%get3A_314] : memref<128xf32, #tpu.memory_space<smem>>
    %broadcast_in_dim3A_316 = vector.broadcast %get3A_315 : f32 to vector<16xf32>
    %select_n3A_317 = arith.select %eq3A_312, %broadcast_in_dim3A_316, %select_n3A : vector<16xi1>, vector<16xf32>
    %eq3A_318 = arith.constant 2 : i32
    %eq3A_319 = vector.broadcast %eq3A_318 : i32 to vector<16xi32>
    %eq3A_320 = arith.cmpi eq, %iota3A, %eq3A_319 : vector<16xi32>
    %get3A_321 = arith.constant 2 : i32
    %get3A_322 = arith.index_cast %get3A_321 : i32 to index
    %get3A_323 = memref.load %arg16[%get3A_322] : memref<128xf32, #tpu.memory_space<smem>>
    %broadcast_in_dim3A_324 = vector.broadcast %get3A_323 : f32 to vector<16xf32>
    %select_n3A_325 = arith.select %eq3A_320, %broadcast_in_dim3A_324, %select_n3A_317 : vector<16xi1>, vector<16xf32>
    %eq3A_326 = arith.constant 3 : i32
    %eq3A_327 = vector.broadcast %eq3A_326 : i32 to vector<16xi32>
    %eq3A_328 = arith.cmpi eq, %iota3A, %eq3A_327 : vector<16xi32>
    %get3A_329 = arith.constant 3 : i32
    %get3A_330 = arith.index_cast %get3A_329 : i32 to index
    %get3A_331 = memref.load %arg16[%get3A_330] : memref<128xf32, #tpu.memory_space<smem>>
    %broadcast_in_dim3A_332 = vector.broadcast %get3A_331 : f32 to vector<16xf32>
    %select_n3A_333 = arith.select %eq3A_328, %broadcast_in_dim3A_332, %select_n3A_325 : vector<16xi1>, vector<16xf32>
    %eq3A_334 = arith.constant 4 : i32
    %eq3A_335 = vector.broadcast %eq3A_334 : i32 to vector<16xi32>
    %eq3A_336 = arith.cmpi eq, %iota3A, %eq3A_335 : vector<16xi32>
    %get3A_337 = arith.constant 4 : i32
    %get3A_338 = arith.index_cast %get3A_337 : i32 to index
    %get3A_339 = memref.load %arg16[%get3A_338] : memref<128xf32, #tpu.memory_space<smem>>
    %broadcast_in_dim3A_340 = vector.broadcast %get3A_339 : f32 to vector<16xf32>
    %select_n3A_341 = arith.select %eq3A_336, %broadcast_in_dim3A_340, %select_n3A_333 : vector<16xi1>, vector<16xf32>
    %eq3A_342 = arith.constant 5 : i32
    %eq3A_343 = vector.broadcast %eq3A_342 : i32 to vector<16xi32>
    %eq3A_344 = arith.cmpi eq, %iota3A, %eq3A_343 : vector<16xi32>
    %get3A_345 = arith.constant 5 : i32
    %get3A_346 = arith.index_cast %get3A_345 : i32 to index
    %get3A_347 = memref.load %arg16[%get3A_346] : memref<128xf32, #tpu.memory_space<smem>>
    %broadcast_in_dim3A_348 = vector.broadcast %get3A_347 : f32 to vector<16xf32>
    %select_n3A_349 = arith.select %eq3A_344, %broadcast_in_dim3A_348, %select_n3A_341 : vector<16xi1>, vector<16xf32>
    %eq3A_350 = arith.constant 6 : i32
    %eq3A_351 = vector.broadcast %eq3A_350 : i32 to vector<16xi32>
    %eq3A_352 = arith.cmpi eq, %iota3A, %eq3A_351 : vector<16xi32>
    %get3A_353 = arith.constant 6 : i32
    %get3A_354 = arith.index_cast %get3A_353 : i32 to index
    %get3A_355 = memref.load %arg16[%get3A_354] : memref<128xf32, #tpu.memory_space<smem>>
    %broadcast_in_dim3A_356 = vector.broadcast %get3A_355 : f32 to vector<16xf32>
    %select_n3A_357 = arith.select %eq3A_352, %broadcast_in_dim3A_356, %select_n3A_349 : vector<16xi1>, vector<16xf32>
    %eq3A_358 = arith.constant 7 : i32
    %eq3A_359 = vector.broadcast %eq3A_358 : i32 to vector<16xi32>
    %eq3A_360 = arith.cmpi eq, %iota3A, %eq3A_359 : vector<16xi32>
    %get3A_361 = arith.constant 7 : i32
    %get3A_362 = arith.index_cast %get3A_361 : i32 to index
    %get3A_363 = memref.load %arg16[%get3A_362] : memref<128xf32, #tpu.memory_space<smem>>
    %broadcast_in_dim3A_364 = vector.broadcast %get3A_363 : f32 to vector<16xf32>
    %select_n3A_365 = arith.select %eq3A_360, %broadcast_in_dim3A_364, %select_n3A_357 : vector<16xi1>, vector<16xf32>
    %eq3A_366 = arith.constant 8 : i32
    %eq3A_367 = vector.broadcast %eq3A_366 : i32 to vector<16xi32>
    %eq3A_368 = arith.cmpi eq, %iota3A, %eq3A_367 : vector<16xi32>
    %get3A_369 = arith.constant 8 : i32
    %get3A_370 = arith.index_cast %get3A_369 : i32 to index
    %get3A_371 = memref.load %arg16[%get3A_370] : memref<128xf32, #tpu.memory_space<smem>>
    %broadcast_in_dim3A_372 = vector.broadcast %get3A_371 : f32 to vector<16xf32>
    %select_n3A_373 = arith.select %eq3A_368, %broadcast_in_dim3A_372, %select_n3A_365 : vector<16xi1>, vector<16xf32>
    %eq3A_374 = arith.constant 9 : i32
    %eq3A_375 = vector.broadcast %eq3A_374 : i32 to vector<16xi32>
    %eq3A_376 = arith.cmpi eq, %iota3A, %eq3A_375 : vector<16xi32>
    %get3A_377 = arith.constant 9 : i32
    %get3A_378 = arith.index_cast %get3A_377 : i32 to index
    %get3A_379 = memref.load %arg16[%get3A_378] : memref<128xf32, #tpu.memory_space<smem>>
    %broadcast_in_dim3A_380 = vector.broadcast %get3A_379 : f32 to vector<16xf32>
    %select_n3A_381 = arith.select %eq3A_376, %broadcast_in_dim3A_380, %select_n3A_373 : vector<16xi1>, vector<16xf32>
    %eq3A_382 = arith.constant 10 : i32
    %eq3A_383 = vector.broadcast %eq3A_382 : i32 to vector<16xi32>
    %eq3A_384 = arith.cmpi eq, %iota3A, %eq3A_383 : vector<16xi32>
    %get3A_385 = arith.constant 10 : i32
    %get3A_386 = arith.index_cast %get3A_385 : i32 to index
    %get3A_387 = memref.load %arg16[%get3A_386] : memref<128xf32, #tpu.memory_space<smem>>
    %broadcast_in_dim3A_388 = vector.broadcast %get3A_387 : f32 to vector<16xf32>
    %select_n3A_389 = arith.select %eq3A_384, %broadcast_in_dim3A_388, %select_n3A_381 : vector<16xi1>, vector<16xf32>
    %eq3A_390 = arith.constant 11 : i32
    %eq3A_391 = vector.broadcast %eq3A_390 : i32 to vector<16xi32>
    %eq3A_392 = arith.cmpi eq, %iota3A, %eq3A_391 : vector<16xi32>
    %get3A_393 = arith.constant 11 : i32
    %get3A_394 = arith.index_cast %get3A_393 : i32 to index
    %get3A_395 = memref.load %arg16[%get3A_394] : memref<128xf32, #tpu.memory_space<smem>>
    %broadcast_in_dim3A_396 = vector.broadcast %get3A_395 : f32 to vector<16xf32>
    %select_n3A_397 = arith.select %eq3A_392, %broadcast_in_dim3A_396, %select_n3A_389 : vector<16xi1>, vector<16xf32>
    %eq3A_398 = arith.constant 12 : i32
    %eq3A_399 = vector.broadcast %eq3A_398 : i32 to vector<16xi32>
    %eq3A_400 = arith.cmpi eq, %iota3A, %eq3A_399 : vector<16xi32>
    %get3A_401 = arith.constant 12 : i32
    %get3A_402 = arith.index_cast %get3A_401 : i32 to index
    %get3A_403 = memref.load %arg16[%get3A_402] : memref<128xf32, #tpu.memory_space<smem>>
    %broadcast_in_dim3A_404 = vector.broadcast %get3A_403 : f32 to vector<16xf32>
    %select_n3A_405 = arith.select %eq3A_400, %broadcast_in_dim3A_404, %select_n3A_397 : vector<16xi1>, vector<16xf32>
    %eq3A_406 = arith.constant 13 : i32
    %eq3A_407 = vector.broadcast %eq3A_406 : i32 to vector<16xi32>
    %eq3A_408 = arith.cmpi eq, %iota3A, %eq3A_407 : vector<16xi32>
    %get3A_409 = arith.constant 13 : i32
    %get3A_410 = arith.index_cast %get3A_409 : i32 to index
    %get3A_411 = memref.load %arg16[%get3A_410] : memref<128xf32, #tpu.memory_space<smem>>
    %broadcast_in_dim3A_412 = vector.broadcast %get3A_411 : f32 to vector<16xf32>
    %select_n3A_413 = arith.select %eq3A_408, %broadcast_in_dim3A_412, %select_n3A_405 : vector<16xi1>, vector<16xf32>
    %eq3A_414 = arith.constant 14 : i32
    %eq3A_415 = vector.broadcast %eq3A_414 : i32 to vector<16xi32>
    %eq3A_416 = arith.cmpi eq, %iota3A, %eq3A_415 : vector<16xi32>
    %get3A_417 = arith.constant 14 : i32
    %get3A_418 = arith.index_cast %get3A_417 : i32 to index
    %get3A_419 = memref.load %arg16[%get3A_418] : memref<128xf32, #tpu.memory_space<smem>>
    %broadcast_in_dim3A_420 = vector.broadcast %get3A_419 : f32 to vector<16xf32>
    %select_n3A_421 = arith.select %eq3A_416, %broadcast_in_dim3A_420, %select_n3A_413 : vector<16xi1>, vector<16xf32>
    %eq3A_422 = arith.constant 15 : i32
    %eq3A_423 = vector.broadcast %eq3A_422 : i32 to vector<16xi32>
    %eq3A_424 = arith.cmpi eq, %iota3A, %eq3A_423 : vector<16xi32>
    %get3A_425 = arith.constant 15 : i32
    %get3A_426 = arith.index_cast %get3A_425 : i32 to index
    %get3A_427 = memref.load %arg16[%get3A_426] : memref<128xf32, #tpu.memory_space<smem>>
    %broadcast_in_dim3A_428 = vector.broadcast %get3A_427 : f32 to vector<16xf32>
    %select_n3A_429 = arith.select %eq3A_424, %broadcast_in_dim3A_428, %select_n3A_421 : vector<16xi1>, vector<16xf32>
    %swap3A_430 = arith.constant 0 : index
    %swap3A_431 = tpu.vector_load %arg13[%swap3A_430] {strides = array<i32>} : memref<128xf32, #tpu.memory_space<vmem>>, vector<16xf32>,
    %swap3A_432 = vector.shape_cast %swap3A_431 : vector<16xf32> to vector<16xf32>
    %swap3A_433 = vector.shape_cast %select_n3A_429 : vector<16xf32> to vector<16xf32>
    tpu.vector_store %arg13[%swap3A_430], %swap3A_433 {strides = array<i32>} : memref<128xf32, #tpu.memory_space<vmem>>, vector<16xf32>,
    %iota3A_434 = tpu.iota {dimensions = array<i32: 0>} : vector<16xi32>
    %broadcast_in_dim3A_435 = arith.constant 0xFF800000 : f32
    %broadcast_in_dim3A_436 = vector.broadcast %broadcast_in_dim3A_435 : f32 to vector<16xf32>
    %eq3A_437 = arith.constant 0 : i32
    %eq3A_438 = vector.broadcast %eq3A_437 : i32 to vector<16xi32>
    %eq3A_439 = arith.cmpi eq, %iota3A_434, %eq3A_438 : vector<16xi32>
    %get3A_440 = arith.constant 16 : i32
    %get3A_441 = arith.index_cast %get3A_440 : i32 to index
    %get3A_442 = memref.load %arg16[%get3A_441] : memref<128xf32, #tpu.memory_space<smem>>
    %broadcast_in_dim3A_443 = vector.broadcast %get3A_442 : f32 to vector<16xf32>
    %select_n3A_444 = arith.select %eq3A_439, %broadcast_in_dim3A_443, %broadcast_in_dim3A_436 : vector<16xi1>, vector<16xf32>
    %eq3A_445 = arith.constant 1 : i32
    %eq3A_446 = vector.broadcast %eq3A_445 : i32 to vector<16xi32>
    %eq3A_447 = arith.cmpi eq, %iota3A_434, %eq3A_446 : vector<16xi32>
    %get3A_448 = arith.constant 17 : i32
    %get3A_449 = arith.index_cast %get3A_448 : i32 to index
    %get3A_450 = memref.load %arg16[%get3A_449] : memref<128xf32, #tpu.memory_space<smem>>
    %broadcast_in_dim3A_451 = vector.broadcast %get3A_450 : f32 to vector<16xf32>
    %select_n3A_452 = arith.select %eq3A_447, %broadcast_in_dim3A_451, %select_n3A_444 : vector<16xi1>, vector<16xf32>
    %eq3A_453 = arith.constant 2 : i32
    %eq3A_454 = vector.broadcast %eq3A_453 : i32 to vector<16xi32>
    %eq3A_455 = arith.cmpi eq, %iota3A_434, %eq3A_454 : vector<16xi32>
    %get3A_456 = arith.constant 18 : i32
    %get3A_457 = arith.index_cast %get3A_456 : i32 to index
    %get3A_458 = memref.load %arg16[%get3A_457] : memref<128xf32, #tpu.memory_space<smem>>
    %broadcast_in_dim3A_459 = vector.broadcast %get3A_458 : f32 to vector<16xf32>
    %select_n3A_460 = arith.select %eq3A_455, %broadcast_in_dim3A_459, %select_n3A_452 : vector<16xi1>, vector<16xf32>
    %eq3A_461 = arith.constant 3 : i32
    %eq3A_462 = vector.broadcast %eq3A_461 : i32 to vector<16xi32>
    %eq3A_463 = arith.cmpi eq, %iota3A_434, %eq3A_462 : vector<16xi32>
    %get3A_464 = arith.constant 19 : i32
    %get3A_465 = arith.index_cast %get3A_464 : i32 to index
    %get3A_466 = memref.load %arg16[%get3A_465] : memref<128xf32, #tpu.memory_space<smem>>
    %broadcast_in_dim3A_467 = vector.broadcast %get3A_466 : f32 to vector<16xf32>
    %select_n3A_468 = arith.select %eq3A_463, %broadcast_in_dim3A_467, %select_n3A_460 : vector<16xi1>, vector<16xf32>
    %eq3A_469 = arith.constant 4 : i32
    %eq3A_470 = vector.broadcast %eq3A_469 : i32 to vector<16xi32>
    %eq3A_471 = arith.cmpi eq, %iota3A_434, %eq3A_470 : vector<16xi32>
    %get3A_472 = arith.constant 20 : i32
    %get3A_473 = arith.index_cast %get3A_472 : i32 to index
    %get3A_474 = memref.load %arg16[%get3A_473] : memref<128xf32, #tpu.memory_space<smem>>
    %broadcast_in_dim3A_475 = vector.broadcast %get3A_474 : f32 to vector<16xf32>
    %select_n3A_476 = arith.select %eq3A_471, %broadcast_in_dim3A_475, %select_n3A_468 : vector<16xi1>, vector<16xf32>
    %eq3A_477 = arith.constant 5 : i32
    %eq3A_478 = vector.broadcast %eq3A_477 : i32 to vector<16xi32>
    %eq3A_479 = arith.cmpi eq, %iota3A_434, %eq3A_478 : vector<16xi32>
    %get3A_480 = arith.constant 21 : i32
    %get3A_481 = arith.index_cast %get3A_480 : i32 to index
    %get3A_482 = memref.load %arg16[%get3A_481] : memref<128xf32, #tpu.memory_space<smem>>
    %broadcast_in_dim3A_483 = vector.broadcast %get3A_482 : f32 to vector<16xf32>
    %select_n3A_484 = arith.select %eq3A_479, %broadcast_in_dim3A_483, %select_n3A_476 : vector<16xi1>, vector<16xf32>
    %eq3A_485 = arith.constant 6 : i32
    %eq3A_486 = vector.broadcast %eq3A_485 : i32 to vector<16xi32>
    %eq3A_487 = arith.cmpi eq, %iota3A_434, %eq3A_486 : vector<16xi32>
    %get3A_488 = arith.constant 22 : i32
    %get3A_489 = arith.index_cast %get3A_488 : i32 to index
    %get3A_490 = memref.load %arg16[%get3A_489] : memref<128xf32, #tpu.memory_space<smem>>
    %broadcast_in_dim3A_491 = vector.broadcast %get3A_490 : f32 to vector<16xf32>
    %select_n3A_492 = arith.select %eq3A_487, %broadcast_in_dim3A_491, %select_n3A_484 : vector<16xi1>, vector<16xf32>
    %eq3A_493 = arith.constant 7 : i32
    %eq3A_494 = vector.broadcast %eq3A_493 : i32 to vector<16xi32>
    %eq3A_495 = arith.cmpi eq, %iota3A_434, %eq3A_494 : vector<16xi32>
    %get3A_496 = arith.constant 23 : i32
    %get3A_497 = arith.index_cast %get3A_496 : i32 to index
    %get3A_498 = memref.load %arg16[%get3A_497] : memref<128xf32, #tpu.memory_space<smem>>
    %broadcast_in_dim3A_499 = vector.broadcast %get3A_498 : f32 to vector<16xf32>
    %select_n3A_500 = arith.select %eq3A_495, %broadcast_in_dim3A_499, %select_n3A_492 : vector<16xi1>, vector<16xf32>
    %eq3A_501 = arith.constant 8 : i32
    %eq3A_502 = vector.broadcast %eq3A_501 : i32 to vector<16xi32>
    %eq3A_503 = arith.cmpi eq, %iota3A_434, %eq3A_502 : vector<16xi32>
    %get3A_504 = arith.constant 24 : i32
    %get3A_505 = arith.index_cast %get3A_504 : i32 to index
    %get3A_506 = memref.load %arg16[%get3A_505] : memref<128xf32, #tpu.memory_space<smem>>
    %broadcast_in_dim3A_507 = vector.broadcast %get3A_506 : f32 to vector<16xf32>
    %select_n3A_508 = arith.select %eq3A_503, %broadcast_in_dim3A_507, %select_n3A_500 : vector<16xi1>, vector<16xf32>
    %eq3A_509 = arith.constant 9 : i32
    %eq3A_510 = vector.broadcast %eq3A_509 : i32 to vector<16xi32>
    %eq3A_511 = arith.cmpi eq, %iota3A_434, %eq3A_510 : vector<16xi32>
    %get3A_512 = arith.constant 25 : i32
    %get3A_513 = arith.index_cast %get3A_512 : i32 to index
    %get3A_514 = memref.load %arg16[%get3A_513] : memref<128xf32, #tpu.memory_space<smem>>
    %broadcast_in_dim3A_515 = vector.broadcast %get3A_514 : f32 to vector<16xf32>
    %select_n3A_516 = arith.select %eq3A_511, %broadcast_in_dim3A_515, %select_n3A_508 : vector<16xi1>, vector<16xf32>
    %eq3A_517 = arith.constant 10 : i32
    %eq3A_518 = vector.broadcast %eq3A_517 : i32 to vector<16xi32>
    %eq3A_519 = arith.cmpi eq, %iota3A_434, %eq3A_518 : vector<16xi32>
    %get3A_520 = arith.constant 26 : i32
    %get3A_521 = arith.index_cast %get3A_520 : i32 to index
    %get3A_522 = memref.load %arg16[%get3A_521] : memref<128xf32, #tpu.memory_space<smem>>
    %broadcast_in_dim3A_523 = vector.broadcast %get3A_522 : f32 to vector<16xf32>
    %select_n3A_524 = arith.select %eq3A_519, %broadcast_in_dim3A_523, %select_n3A_516 : vector<16xi1>, vector<16xf32>
    %eq3A_525 = arith.constant 11 : i32
    %eq3A_526 = vector.broadcast %eq3A_525 : i32 to vector<16xi32>
    %eq3A_527 = arith.cmpi eq, %iota3A_434, %eq3A_526 : vector<16xi32>
    %get3A_528 = arith.constant 27 : i32
    %get3A_529 = arith.index_cast %get3A_528 : i32 to index
    %get3A_530 = memref.load %arg16[%get3A_529] : memref<128xf32, #tpu.memory_space<smem>>
    %broadcast_in_dim3A_531 = vector.broadcast %get3A_530 : f32 to vector<16xf32>
    %select_n3A_532 = arith.select %eq3A_527, %broadcast_in_dim3A_531, %select_n3A_524 : vector<16xi1>, vector<16xf32>
    %eq3A_533 = arith.constant 12 : i32
    %eq3A_534 = vector.broadcast %eq3A_533 : i32 to vector<16xi32>
    %eq3A_535 = arith.cmpi eq, %iota3A_434, %eq3A_534 : vector<16xi32>
    %get3A_536 = arith.constant 28 : i32
    %get3A_537 = arith.index_cast %get3A_536 : i32 to index
    %get3A_538 = memref.load %arg16[%get3A_537] : memref<128xf32, #tpu.memory_space<smem>>
    %broadcast_in_dim3A_539 = vector.broadcast %get3A_538 : f32 to vector<16xf32>
    %select_n3A_540 = arith.select %eq3A_535, %broadcast_in_dim3A_539, %select_n3A_532 : vector<16xi1>, vector<16xf32>
    %eq3A_541 = arith.constant 13 : i32
    %eq3A_542 = vector.broadcast %eq3A_541 : i32 to vector<16xi32>
    %eq3A_543 = arith.cmpi eq, %iota3A_434, %eq3A_542 : vector<16xi32>
    %get3A_544 = arith.constant 29 : i32
    %get3A_545 = arith.index_cast %get3A_544 : i32 to index
    %get3A_546 = memref.load %arg16[%get3A_545] : memref<128xf32, #tpu.memory_space<smem>>
    %broadcast_in_dim3A_547 = vector.broadcast %get3A_546 : f32 to vector<16xf32>
    %select_n3A_548 = arith.select %eq3A_543, %broadcast_in_dim3A_547, %select_n3A_540 : vector<16xi1>, vector<16xf32>
    %eq3A_549 = arith.constant 14 : i32
    %eq3A_550 = vector.broadcast %eq3A_549 : i32 to vector<16xi32>
    %eq3A_551 = arith.cmpi eq, %iota3A_434, %eq3A_550 : vector<16xi32>
    %get3A_552 = arith.constant 30 : i32
    %get3A_553 = arith.index_cast %get3A_552 : i32 to index
    %get3A_554 = memref.load %arg16[%get3A_553] : memref<128xf32, #tpu.memory_space<smem>>
    %broadcast_in_dim3A_555 = vector.broadcast %get3A_554 : f32 to vector<16xf32>
    %select_n3A_556 = arith.select %eq3A_551, %broadcast_in_dim3A_555, %select_n3A_548 : vector<16xi1>, vector<16xf32>
    %eq3A_557 = arith.constant 15 : i32
    %eq3A_558 = vector.broadcast %eq3A_557 : i32 to vector<16xi32>
    %eq3A_559 = arith.cmpi eq, %iota3A_434, %eq3A_558 : vector<16xi32>
    %get3A_560 = arith.constant 31 : i32
    %get3A_561 = arith.index_cast %get3A_560 : i32 to index
    %get3A_562 = memref.load %arg16[%get3A_561] : memref<128xf32, #tpu.memory_space<smem>>
    %broadcast_in_dim3A_563 = vector.broadcast %get3A_562 : f32 to vector<16xf32>
    %select_n3A_564 = arith.select %eq3A_559, %broadcast_in_dim3A_563, %select_n3A_556 : vector<16xi1>, vector<16xf32>
    %swap3A_565 = arith.constant 16 : index
    %swap3A_566 = tpu.vector_load %arg13[%swap3A_565] {strides = array<i32>} : memref<128xf32, #tpu.memory_space<vmem>>, vector<16xf32>,
    %swap3A_567 = vector.shape_cast %swap3A_566 : vector<16xf32> to vector<16xf32>
    %swap3A_568 = vector.shape_cast %select_n3A_564 : vector<16xf32> to vector<16xf32>
    tpu.vector_store %arg13[%swap3A_565], %swap3A_568 {strides = array<i32>} : memref<128xf32, #tpu.memory_space<vmem>>, vector<16xf32>,
    %iota3A_569 = tpu.iota {dimensions = array<i32: 0>} : vector<16xi32>
    %broadcast_in_dim3A_570 = arith.constant 0xFF800000 : f32
    %broadcast_in_dim3A_571 = vector.broadcast %broadcast_in_dim3A_570 : f32 to vector<16xf32>
    %eq3A_572 = arith.constant 0 : i32
    %eq3A_573 = vector.broadcast %eq3A_572 : i32 to vector<16xi32>
    %eq3A_574 = arith.cmpi eq, %iota3A_569, %eq3A_573 : vector<16xi32>
    %get3A_575 = arith.constant 32 : i32
    %get3A_576 = arith.index_cast %get3A_575 : i32 to index
    %get3A_577 = memref.load %arg16[%get3A_576] : memref<128xf32, #tpu.memory_space<smem>>
    %broadcast_in_dim3A_578 = vector.broadcast %get3A_577 : f32 to vector<16xf32>
    %select_n3A_579 = arith.select %eq3A_574, %broadcast_in_dim3A_578, %broadcast_in_dim3A_571 : vector<16xi1>, vector<16xf32>
    %eq3A_580 = arith.constant 1 : i32
    %eq3A_581 = vector.broadcast %eq3A_580 : i32 to vector<16xi32>
    %eq3A_582 = arith.cmpi eq, %iota3A_569, %eq3A_581 : vector<16xi32>
    %get3A_583 = arith.constant 33 : i32
    %get3A_584 = arith.index_cast %get3A_583 : i32 to index
    %get3A_585 = memref.load %arg16[%get3A_584] : memref<128xf32, #tpu.memory_space<smem>>
    %broadcast_in_dim3A_586 = vector.broadcast %get3A_585 : f32 to vector<16xf32>
    %select_n3A_587 = arith.select %eq3A_582, %broadcast_in_dim3A_586, %select_n3A_579 : vector<16xi1>, vector<16xf32>
    %eq3A_588 = arith.constant 2 : i32
    %eq3A_589 = vector.broadcast %eq3A_588 : i32 to vector<16xi32>
    %eq3A_590 = arith.cmpi eq, %iota3A_569, %eq3A_589 : vector<16xi32>
    %get3A_591 = arith.constant 34 : i32
    %get3A_592 = arith.index_cast %get3A_591 : i32 to index
    %get3A_593 = memref.load %arg16[%get3A_592] : memref<128xf32, #tpu.memory_space<smem>>
    %broadcast_in_dim3A_594 = vector.broadcast %get3A_593 : f32 to vector<16xf32>
    %select_n3A_595 = arith.select %eq3A_590, %broadcast_in_dim3A_594, %select_n3A_587 : vector<16xi1>, vector<16xf32>
    %eq3A_596 = arith.constant 3 : i32
    %eq3A_597 = vector.broadcast %eq3A_596 : i32 to vector<16xi32>
    %eq3A_598 = arith.cmpi eq, %iota3A_569, %eq3A_597 : vector<16xi32>
    %get3A_599 = arith.constant 35 : i32
    %get3A_600 = arith.index_cast %get3A_599 : i32 to index
    %get3A_601 = memref.load %arg16[%get3A_600] : memref<128xf32, #tpu.memory_space<smem>>
    %broadcast_in_dim3A_602 = vector.broadcast %get3A_601 : f32 to vector<16xf32>
    %select_n3A_603 = arith.select %eq3A_598, %broadcast_in_dim3A_602, %select_n3A_595 : vector<16xi1>, vector<16xf32>
    %eq3A_604 = arith.constant 4 : i32
    %eq3A_605 = vector.broadcast %eq3A_604 : i32 to vector<16xi32>
    %eq3A_606 = arith.cmpi eq, %iota3A_569, %eq3A_605 : vector<16xi32>
    %get3A_607 = arith.constant 36 : i32
    %get3A_608 = arith.index_cast %get3A_607 : i32 to index
    %get3A_609 = memref.load %arg16[%get3A_608] : memref<128xf32, #tpu.memory_space<smem>>
    %broadcast_in_dim3A_610 = vector.broadcast %get3A_609 : f32 to vector<16xf32>
    %select_n3A_611 = arith.select %eq3A_606, %broadcast_in_dim3A_610, %select_n3A_603 : vector<16xi1>, vector<16xf32>
    %eq3A_612 = arith.constant 5 : i32
    %eq3A_613 = vector.broadcast %eq3A_612 : i32 to vector<16xi32>
    %eq3A_614 = arith.cmpi eq, %iota3A_569, %eq3A_613 : vector<16xi32>
    %get3A_615 = arith.constant 37 : i32
    %get3A_616 = arith.index_cast %get3A_615 : i32 to index
    %get3A_617 = memref.load %arg16[%get3A_616] : memref<128xf32, #tpu.memory_space<smem>>
    %broadcast_in_dim3A_618 = vector.broadcast %get3A_617 : f32 to vector<16xf32>
    %select_n3A_619 = arith.select %eq3A_614, %broadcast_in_dim3A_618, %select_n3A_611 : vector<16xi1>, vector<16xf32>
    %eq3A_620 = arith.constant 6 : i32
    %eq3A_621 = vector.broadcast %eq3A_620 : i32 to vector<16xi32>
    %eq3A_622 = arith.cmpi eq, %iota3A_569, %eq3A_621 : vector<16xi32>
    %get3A_623 = arith.constant 38 : i32
    %get3A_624 = arith.index_cast %get3A_623 : i32 to index
    %get3A_625 = memref.load %arg16[%get3A_624] : memref<128xf32, #tpu.memory_space<smem>>
    %broadcast_in_dim3A_626 = vector.broadcast %get3A_625 : f32 to vector<16xf32>
    %select_n3A_627 = arith.select %eq3A_622, %broadcast_in_dim3A_626, %select_n3A_619 : vector<16xi1>, vector<16xf32>
    %eq3A_628 = arith.constant 7 : i32
    %eq3A_629 = vector.broadcast %eq3A_628 : i32 to vector<16xi32>
    %eq3A_630 = arith.cmpi eq, %iota3A_569, %eq3A_629 : vector<16xi32>
    %get3A_631 = arith.constant 39 : i32
    %get3A_632 = arith.index_cast %get3A_631 : i32 to index
    %get3A_633 = memref.load %arg16[%get3A_632] : memref<128xf32, #tpu.memory_space<smem>>
    %broadcast_in_dim3A_634 = vector.broadcast %get3A_633 : f32 to vector<16xf32>
    %select_n3A_635 = arith.select %eq3A_630, %broadcast_in_dim3A_634, %select_n3A_627 : vector<16xi1>, vector<16xf32>
    %eq3A_636 = arith.constant 8 : i32
    %eq3A_637 = vector.broadcast %eq3A_636 : i32 to vector<16xi32>
    %eq3A_638 = arith.cmpi eq, %iota3A_569, %eq3A_637 : vector<16xi32>
    %get3A_639 = arith.constant 40 : i32
    %get3A_640 = arith.index_cast %get3A_639 : i32 to index
    %get3A_641 = memref.load %arg16[%get3A_640] : memref<128xf32, #tpu.memory_space<smem>>
    %broadcast_in_dim3A_642 = vector.broadcast %get3A_641 : f32 to vector<16xf32>
    %select_n3A_643 = arith.select %eq3A_638, %broadcast_in_dim3A_642, %select_n3A_635 : vector<16xi1>, vector<16xf32>
    %eq3A_644 = arith.constant 9 : i32
    %eq3A_645 = vector.broadcast %eq3A_644 : i32 to vector<16xi32>
    %eq3A_646 = arith.cmpi eq, %iota3A_569, %eq3A_645 : vector<16xi32>
    %get3A_647 = arith.constant 41 : i32
    %get3A_648 = arith.index_cast %get3A_647 : i32 to index
    %get3A_649 = memref.load %arg16[%get3A_648] : memref<128xf32, #tpu.memory_space<smem>>
    %broadcast_in_dim3A_650 = vector.broadcast %get3A_649 : f32 to vector<16xf32>
    %select_n3A_651 = arith.select %eq3A_646, %broadcast_in_dim3A_650, %select_n3A_643 : vector<16xi1>, vector<16xf32>
    %eq3A_652 = arith.constant 10 : i32
    %eq3A_653 = vector.broadcast %eq3A_652 : i32 to vector<16xi32>
    %eq3A_654 = arith.cmpi eq, %iota3A_569, %eq3A_653 : vector<16xi32>
    %get3A_655 = arith.constant 42 : i32
    %get3A_656 = arith.index_cast %get3A_655 : i32 to index
    %get3A_657 = memref.load %arg16[%get3A_656] : memref<128xf32, #tpu.memory_space<smem>>
    %broadcast_in_dim3A_658 = vector.broadcast %get3A_657 : f32 to vector<16xf32>
    %select_n3A_659 = arith.select %eq3A_654, %broadcast_in_dim3A_658, %select_n3A_651 : vector<16xi1>, vector<16xf32>
    %eq3A_660 = arith.constant 11 : i32
    %eq3A_661 = vector.broadcast %eq3A_660 : i32 to vector<16xi32>
    %eq3A_662 = arith.cmpi eq, %iota3A_569, %eq3A_661 : vector<16xi32>
    %get3A_663 = arith.constant 43 : i32
    %get3A_664 = arith.index_cast %get3A_663 : i32 to index
    %get3A_665 = memref.load %arg16[%get3A_664] : memref<128xf32, #tpu.memory_space<smem>>
    %broadcast_in_dim3A_666 = vector.broadcast %get3A_665 : f32 to vector<16xf32>
    %select_n3A_667 = arith.select %eq3A_662, %broadcast_in_dim3A_666, %select_n3A_659 : vector<16xi1>, vector<16xf32>
    %eq3A_668 = arith.constant 12 : i32
    %eq3A_669 = vector.broadcast %eq3A_668 : i32 to vector<16xi32>
    %eq3A_670 = arith.cmpi eq, %iota3A_569, %eq3A_669 : vector<16xi32>
    %get3A_671 = arith.constant 44 : i32
    %get3A_672 = arith.index_cast %get3A_671 : i32 to index
    %get3A_673 = memref.load %arg16[%get3A_672] : memref<128xf32, #tpu.memory_space<smem>>
    %broadcast_in_dim3A_674 = vector.broadcast %get3A_673 : f32 to vector<16xf32>
    %select_n3A_675 = arith.select %eq3A_670, %broadcast_in_dim3A_674, %select_n3A_667 : vector<16xi1>, vector<16xf32>
    %eq3A_676 = arith.constant 13 : i32
    %eq3A_677 = vector.broadcast %eq3A_676 : i32 to vector<16xi32>
    %eq3A_678 = arith.cmpi eq, %iota3A_569, %eq3A_677 : vector<16xi32>
    %get3A_679 = arith.constant 45 : i32
    %get3A_680 = arith.index_cast %get3A_679 : i32 to index
    %get3A_681 = memref.load %arg16[%get3A_680] : memref<128xf32, #tpu.memory_space<smem>>
    %broadcast_in_dim3A_682 = vector.broadcast %get3A_681 : f32 to vector<16xf32>
    %select_n3A_683 = arith.select %eq3A_678, %broadcast_in_dim3A_682, %select_n3A_675 : vector<16xi1>, vector<16xf32>
    %eq3A_684 = arith.constant 14 : i32
    %eq3A_685 = vector.broadcast %eq3A_684 : i32 to vector<16xi32>
    %eq3A_686 = arith.cmpi eq, %iota3A_569, %eq3A_685 : vector<16xi32>
    %get3A_687 = arith.constant 46 : i32
    %get3A_688 = arith.index_cast %get3A_687 : i32 to index
    %get3A_689 = memref.load %arg16[%get3A_688] : memref<128xf32, #tpu.memory_space<smem>>
    %broadcast_in_dim3A_690 = vector.broadcast %get3A_689 : f32 to vector<16xf32>
    %select_n3A_691 = arith.select %eq3A_686, %broadcast_in_dim3A_690, %select_n3A_683 : vector<16xi1>, vector<16xf32>
    %eq3A_692 = arith.constant 15 : i32
    %eq3A_693 = vector.broadcast %eq3A_692 : i32 to vector<16xi32>
    %eq3A_694 = arith.cmpi eq, %iota3A_569, %eq3A_693 : vector<16xi32>
    %get3A_695 = arith.constant 47 : i32
    %get3A_696 = arith.index_cast %get3A_695 : i32 to index
    %get3A_697 = memref.load %arg16[%get3A_696] : memref<128xf32, #tpu.memory_space<smem>>
    %broadcast_in_dim3A_698 = vector.broadcast %get3A_697 : f32 to vector<16xf32>
    %select_n3A_699 = arith.select %eq3A_694, %broadcast_in_dim3A_698, %select_n3A_691 : vector<16xi1>, vector<16xf32>
    %swap3A_700 = arith.constant 32 : index
    %swap3A_701 = tpu.vector_load %arg13[%swap3A_700] {strides = array<i32>} : memref<128xf32, #tpu.memory_space<vmem>>, vector<16xf32>,
    %swap3A_702 = vector.shape_cast %swap3A_701 : vector<16xf32> to vector<16xf32>
    %swap3A_703 = vector.shape_cast %select_n3A_699 : vector<16xf32> to vector<16xf32>
    tpu.vector_store %arg13[%swap3A_700], %swap3A_703 {strides = array<i32>} : memref<128xf32, #tpu.memory_space<vmem>>, vector<16xf32>,
    %iota3A_704 = tpu.iota {dimensions = array<i32: 0>} : vector<16xi32>
    %broadcast_in_dim3A_705 = arith.constant 0xFF800000 : f32
    %broadcast_in_dim3A_706 = vector.broadcast %broadcast_in_dim3A_705 : f32 to vector<16xf32>
    %eq3A_707 = arith.constant 0 : i32
    %eq3A_708 = vector.broadcast %eq3A_707 : i32 to vector<16xi32>
    %eq3A_709 = arith.cmpi eq, %iota3A_704, %eq3A_708 : vector<16xi32>
    %get3A_710 = arith.constant 48 : i32
    %get3A_711 = arith.index_cast %get3A_710 : i32 to index
    %get3A_712 = memref.load %arg16[%get3A_711] : memref<128xf32, #tpu.memory_space<smem>>
    %broadcast_in_dim3A_713 = vector.broadcast %get3A_712 : f32 to vector<16xf32>
    %select_n3A_714 = arith.select %eq3A_709, %broadcast_in_dim3A_713, %broadcast_in_dim3A_706 : vector<16xi1>, vector<16xf32>
    %eq3A_715 = arith.constant 1 : i32
    %eq3A_716 = vector.broadcast %eq3A_715 : i32 to vector<16xi32>
    %eq3A_717 = arith.cmpi eq, %iota3A_704, %eq3A_716 : vector<16xi32>
    %get3A_718 = arith.constant 49 : i32
    %get3A_719 = arith.index_cast %get3A_718 : i32 to index
    %get3A_720 = memref.load %arg16[%get3A_719] : memref<128xf32, #tpu.memory_space<smem>>
    %broadcast_in_dim3A_721 = vector.broadcast %get3A_720 : f32 to vector<16xf32>
    %select_n3A_722 = arith.select %eq3A_717, %broadcast_in_dim3A_721, %select_n3A_714 : vector<16xi1>, vector<16xf32>
    %eq3A_723 = arith.constant 2 : i32
    %eq3A_724 = vector.broadcast %eq3A_723 : i32 to vector<16xi32>
    %eq3A_725 = arith.cmpi eq, %iota3A_704, %eq3A_724 : vector<16xi32>
    %get3A_726 = arith.constant 50 : i32
    %get3A_727 = arith.index_cast %get3A_726 : i32 to index
    %get3A_728 = memref.load %arg16[%get3A_727] : memref<128xf32, #tpu.memory_space<smem>>
    %broadcast_in_dim3A_729 = vector.broadcast %get3A_728 : f32 to vector<16xf32>
    %select_n3A_730 = arith.select %eq3A_725, %broadcast_in_dim3A_729, %select_n3A_722 : vector<16xi1>, vector<16xf32>
    %eq3A_731 = arith.constant 3 : i32
    %eq3A_732 = vector.broadcast %eq3A_731 : i32 to vector<16xi32>
    %eq3A_733 = arith.cmpi eq, %iota3A_704, %eq3A_732 : vector<16xi32>
    %get3A_734 = arith.constant 51 : i32
    %get3A_735 = arith.index_cast %get3A_734 : i32 to index
    %get3A_736 = memref.load %arg16[%get3A_735] : memref<128xf32, #tpu.memory_space<smem>>
    %broadcast_in_dim3A_737 = vector.broadcast %get3A_736 : f32 to vector<16xf32>
    %select_n3A_738 = arith.select %eq3A_733, %broadcast_in_dim3A_737, %select_n3A_730 : vector<16xi1>, vector<16xf32>
    %eq3A_739 = arith.constant 4 : i32
    %eq3A_740 = vector.broadcast %eq3A_739 : i32 to vector<16xi32>
    %eq3A_741 = arith.cmpi eq, %iota3A_704, %eq3A_740 : vector<16xi32>
    %get3A_742 = arith.constant 52 : i32
    %get3A_743 = arith.index_cast %get3A_742 : i32 to index
    %get3A_744 = memref.load %arg16[%get3A_743] : memref<128xf32, #tpu.memory_space<smem>>
    %broadcast_in_dim3A_745 = vector.broadcast %get3A_744 : f32 to vector<16xf32>
    %select_n3A_746 = arith.select %eq3A_741, %broadcast_in_dim3A_745, %select_n3A_738 : vector<16xi1>, vector<16xf32>
    %eq3A_747 = arith.constant 5 : i32
    %eq3A_748 = vector.broadcast %eq3A_747 : i32 to vector<16xi32>
    %eq3A_749 = arith.cmpi eq, %iota3A_704, %eq3A_748 : vector<16xi32>
    %get3A_750 = arith.constant 53 : i32
    %get3A_751 = arith.index_cast %get3A_750 : i32 to index
    %get3A_752 = memref.load %arg16[%get3A_751] : memref<128xf32, #tpu.memory_space<smem>>
    %broadcast_in_dim3A_753 = vector.broadcast %get3A_752 : f32 to vector<16xf32>
    %select_n3A_754 = arith.select %eq3A_749, %broadcast_in_dim3A_753, %select_n3A_746 : vector<16xi1>, vector<16xf32>
    %eq3A_755 = arith.constant 6 : i32
    %eq3A_756 = vector.broadcast %eq3A_755 : i32 to vector<16xi32>
    %eq3A_757 = arith.cmpi eq, %iota3A_704, %eq3A_756 : vector<16xi32>
    %get3A_758 = arith.constant 54 : i32
    %get3A_759 = arith.index_cast %get3A_758 : i32 to index
    %get3A_760 = memref.load %arg16[%get3A_759] : memref<128xf32, #tpu.memory_space<smem>>
    %broadcast_in_dim3A_761 = vector.broadcast %get3A_760 : f32 to vector<16xf32>
    %select_n3A_762 = arith.select %eq3A_757, %broadcast_in_dim3A_761, %select_n3A_754 : vector<16xi1>, vector<16xf32>
    %eq3A_763 = arith.constant 7 : i32
    %eq3A_764 = vector.broadcast %eq3A_763 : i32 to vector<16xi32>
    %eq3A_765 = arith.cmpi eq, %iota3A_704, %eq3A_764 : vector<16xi32>
    %get3A_766 = arith.constant 55 : i32
    %get3A_767 = arith.index_cast %get3A_766 : i32 to index
    %get3A_768 = memref.load %arg16[%get3A_767] : memref<128xf32, #tpu.memory_space<smem>>
    %broadcast_in_dim3A_769 = vector.broadcast %get3A_768 : f32 to vector<16xf32>
    %select_n3A_770 = arith.select %eq3A_765, %broadcast_in_dim3A_769, %select_n3A_762 : vector<16xi1>, vector<16xf32>
    %eq3A_771 = arith.constant 8 : i32
    %eq3A_772 = vector.broadcast %eq3A_771 : i32 to vector<16xi32>
    %eq3A_773 = arith.cmpi eq, %iota3A_704, %eq3A_772 : vector<16xi32>
    %get3A_774 = arith.constant 56 : i32
    %get3A_775 = arith.index_cast %get3A_774 : i32 to index
    %get3A_776 = memref.load %arg16[%get3A_775] : memref<128xf32, #tpu.memory_space<smem>>
    %broadcast_in_dim3A_777 = vector.broadcast %get3A_776 : f32 to vector<16xf32>
    %select_n3A_778 = arith.select %eq3A_773, %broadcast_in_dim3A_777, %select_n3A_770 : vector<16xi1>, vector<16xf32>
    %eq3A_779 = arith.constant 9 : i32
    %eq3A_780 = vector.broadcast %eq3A_779 : i32 to vector<16xi32>
    %eq3A_781 = arith.cmpi eq, %iota3A_704, %eq3A_780 : vector<16xi32>
    %get3A_782 = arith.constant 57 : i32
    %get3A_783 = arith.index_cast %get3A_782 : i32 to index
    %get3A_784 = memref.load %arg16[%get3A_783] : memref<128xf32, #tpu.memory_space<smem>>
    %broadcast_in_dim3A_785 = vector.broadcast %get3A_784 : f32 to vector<16xf32>
    %select_n3A_786 = arith.select %eq3A_781, %broadcast_in_dim3A_785, %select_n3A_778 : vector<16xi1>, vector<16xf32>
    %eq3A_787 = arith.constant 10 : i32
    %eq3A_788 = vector.broadcast %eq3A_787 : i32 to vector<16xi32>
    %eq3A_789 = arith.cmpi eq, %iota3A_704, %eq3A_788 : vector<16xi32>
    %get3A_790 = arith.constant 58 : i32
    %get3A_791 = arith.index_cast %get3A_790 : i32 to index
    %get3A_792 = memref.load %arg16[%get3A_791] : memref<128xf32, #tpu.memory_space<smem>>
    %broadcast_in_dim3A_793 = vector.broadcast %get3A_792 : f32 to vector<16xf32>
    %select_n3A_794 = arith.select %eq3A_789, %broadcast_in_dim3A_793, %select_n3A_786 : vector<16xi1>, vector<16xf32>
    %eq3A_795 = arith.constant 11 : i32
    %eq3A_796 = vector.broadcast %eq3A_795 : i32 to vector<16xi32>
    %eq3A_797 = arith.cmpi eq, %iota3A_704, %eq3A_796 : vector<16xi32>
    %get3A_798 = arith.constant 59 : i32
    %get3A_799 = arith.index_cast %get3A_798 : i32 to index
    %get3A_800 = memref.load %arg16[%get3A_799] : memref<128xf32, #tpu.memory_space<smem>>
    %broadcast_in_dim3A_801 = vector.broadcast %get3A_800 : f32 to vector<16xf32>
    %select_n3A_802 = arith.select %eq3A_797, %broadcast_in_dim3A_801, %select_n3A_794 : vector<16xi1>, vector<16xf32>
    %eq3A_803 = arith.constant 12 : i32
    %eq3A_804 = vector.broadcast %eq3A_803 : i32 to vector<16xi32>
    %eq3A_805 = arith.cmpi eq, %iota3A_704, %eq3A_804 : vector<16xi32>
    %get3A_806 = arith.constant 60 : i32
    %get3A_807 = arith.index_cast %get3A_806 : i32 to index
    %get3A_808 = memref.load %arg16[%get3A_807] : memref<128xf32, #tpu.memory_space<smem>>
    %broadcast_in_dim3A_809 = vector.broadcast %get3A_808 : f32 to vector<16xf32>
    %select_n3A_810 = arith.select %eq3A_805, %broadcast_in_dim3A_809, %select_n3A_802 : vector<16xi1>, vector<16xf32>
    %eq3A_811 = arith.constant 13 : i32
    %eq3A_812 = vector.broadcast %eq3A_811 : i32 to vector<16xi32>
    %eq3A_813 = arith.cmpi eq, %iota3A_704, %eq3A_812 : vector<16xi32>
    %get3A_814 = arith.constant 61 : i32
    %get3A_815 = arith.index_cast %get3A_814 : i32 to index
    %get3A_816 = memref.load %arg16[%get3A_815] : memref<128xf32, #tpu.memory_space<smem>>
    %broadcast_in_dim3A_817 = vector.broadcast %get3A_816 : f32 to vector<16xf32>
    %select_n3A_818 = arith.select %eq3A_813, %broadcast_in_dim3A_817, %select_n3A_810 : vector<16xi1>, vector<16xf32>
    %eq3A_819 = arith.constant 14 : i32
    %eq3A_820 = vector.broadcast %eq3A_819 : i32 to vector<16xi32>
    %eq3A_821 = arith.cmpi eq, %iota3A_704, %eq3A_820 : vector<16xi32>
    %get3A_822 = arith.constant 62 : i32
    %get3A_823 = arith.index_cast %get3A_822 : i32 to index
    %get3A_824 = memref.load %arg16[%get3A_823] : memref<128xf32, #tpu.memory_space<smem>>
    %broadcast_in_dim3A_825 = vector.broadcast %get3A_824 : f32 to vector<16xf32>
    %select_n3A_826 = arith.select %eq3A_821, %broadcast_in_dim3A_825, %select_n3A_818 : vector<16xi1>, vector<16xf32>
    %eq3A_827 = arith.constant 15 : i32
    %eq3A_828 = vector.broadcast %eq3A_827 : i32 to vector<16xi32>
    %eq3A_829 = arith.cmpi eq, %iota3A_704, %eq3A_828 : vector<16xi32>
    %get3A_830 = arith.constant 63 : i32
    %get3A_831 = arith.index_cast %get3A_830 : i32 to index
    %get3A_832 = memref.load %arg16[%get3A_831] : memref<128xf32, #tpu.memory_space<smem>>
    %broadcast_in_dim3A_833 = vector.broadcast %get3A_832 : f32 to vector<16xf32>
    %select_n3A_834 = arith.select %eq3A_829, %broadcast_in_dim3A_833, %select_n3A_826 : vector<16xi1>, vector<16xf32>
    %swap3A_835 = arith.constant 48 : index
    %swap3A_836 = tpu.vector_load %arg13[%swap3A_835] {strides = array<i32>} : memref<128xf32, #tpu.memory_space<vmem>>, vector<16xf32>,
    %swap3A_837 = vector.shape_cast %swap3A_836 : vector<16xf32> to vector<16xf32>
    %swap3A_838 = vector.shape_cast %select_n3A_834 : vector<16xf32> to vector<16xf32>
    tpu.vector_store %arg13[%swap3A_835], %swap3A_838 {strides = array<i32>} : memref<128xf32, #tpu.memory_space<vmem>>, vector<16xf32>,
    %iota3A_839 = tpu.iota {dimensions = array<i32: 0>} : vector<16xi32>
    %broadcast_in_dim3A_840 = arith.constant 0xFF800000 : f32
    %broadcast_in_dim3A_841 = vector.broadcast %broadcast_in_dim3A_840 : f32 to vector<16xf32>
    %eq3A_842 = arith.constant 0 : i32
    %eq3A_843 = vector.broadcast %eq3A_842 : i32 to vector<16xi32>
    %eq3A_844 = arith.cmpi eq, %iota3A_839, %eq3A_843 : vector<16xi32>
    %get3A_845 = arith.constant 64 : i32
    %get3A_846 = arith.index_cast %get3A_845 : i32 to index
    %get3A_847 = memref.load %arg16[%get3A_846] : memref<128xf32, #tpu.memory_space<smem>>
    %broadcast_in_dim3A_848 = vector.broadcast %get3A_847 : f32 to vector<16xf32>
    %select_n3A_849 = arith.select %eq3A_844, %broadcast_in_dim3A_848, %broadcast_in_dim3A_841 : vector<16xi1>, vector<16xf32>
    %eq3A_850 = arith.constant 1 : i32
    %eq3A_851 = vector.broadcast %eq3A_850 : i32 to vector<16xi32>
    %eq3A_852 = arith.cmpi eq, %iota3A_839, %eq3A_851 : vector<16xi32>
    %get3A_853 = arith.constant 65 : i32
    %get3A_854 = arith.index_cast %get3A_853 : i32 to index
    %get3A_855 = memref.load %arg16[%get3A_854] : memref<128xf32, #tpu.memory_space<smem>>
    %broadcast_in_dim3A_856 = vector.broadcast %get3A_855 : f32 to vector<16xf32>
    %select_n3A_857 = arith.select %eq3A_852, %broadcast_in_dim3A_856, %select_n3A_849 : vector<16xi1>, vector<16xf32>
    %eq3A_858 = arith.constant 2 : i32
    %eq3A_859 = vector.broadcast %eq3A_858 : i32 to vector<16xi32>
    %eq3A_860 = arith.cmpi eq, %iota3A_839, %eq3A_859 : vector<16xi32>
    %get3A_861 = arith.constant 66 : i32
    %get3A_862 = arith.index_cast %get3A_861 : i32 to index
    %get3A_863 = memref.load %arg16[%get3A_862] : memref<128xf32, #tpu.memory_space<smem>>
    %broadcast_in_dim3A_864 = vector.broadcast %get3A_863 : f32 to vector<16xf32>
    %select_n3A_865 = arith.select %eq3A_860, %broadcast_in_dim3A_864, %select_n3A_857 : vector<16xi1>, vector<16xf32>
    %eq3A_866 = arith.constant 3 : i32
    %eq3A_867 = vector.broadcast %eq3A_866 : i32 to vector<16xi32>
    %eq3A_868 = arith.cmpi eq, %iota3A_839, %eq3A_867 : vector<16xi32>
    %get3A_869 = arith.constant 67 : i32
    %get3A_870 = arith.index_cast %get3A_869 : i32 to index
    %get3A_871 = memref.load %arg16[%get3A_870] : memref<128xf32, #tpu.memory_space<smem>>
    %broadcast_in_dim3A_872 = vector.broadcast %get3A_871 : f32 to vector<16xf32>
    %select_n3A_873 = arith.select %eq3A_868, %broadcast_in_dim3A_872, %select_n3A_865 : vector<16xi1>, vector<16xf32>
    %eq3A_874 = arith.constant 4 : i32
    %eq3A_875 = vector.broadcast %eq3A_874 : i32 to vector<16xi32>
    %eq3A_876 = arith.cmpi eq, %iota3A_839, %eq3A_875 : vector<16xi32>
    %get3A_877 = arith.constant 68 : i32
    %get3A_878 = arith.index_cast %get3A_877 : i32 to index
    %get3A_879 = memref.load %arg16[%get3A_878] : memref<128xf32, #tpu.memory_space<smem>>
    %broadcast_in_dim3A_880 = vector.broadcast %get3A_879 : f32 to vector<16xf32>
    %select_n3A_881 = arith.select %eq3A_876, %broadcast_in_dim3A_880, %select_n3A_873 : vector<16xi1>, vector<16xf32>
    %eq3A_882 = arith.constant 5 : i32
    %eq3A_883 = vector.broadcast %eq3A_882 : i32 to vector<16xi32>
    %eq3A_884 = arith.cmpi eq, %iota3A_839, %eq3A_883 : vector<16xi32>
    %get3A_885 = arith.constant 69 : i32
    %get3A_886 = arith.index_cast %get3A_885 : i32 to index
    %get3A_887 = memref.load %arg16[%get3A_886] : memref<128xf32, #tpu.memory_space<smem>>
    %broadcast_in_dim3A_888 = vector.broadcast %get3A_887 : f32 to vector<16xf32>
    %select_n3A_889 = arith.select %eq3A_884, %broadcast_in_dim3A_888, %select_n3A_881 : vector<16xi1>, vector<16xf32>
    %eq3A_890 = arith.constant 6 : i32
    %eq3A_891 = vector.broadcast %eq3A_890 : i32 to vector<16xi32>
    %eq3A_892 = arith.cmpi eq, %iota3A_839, %eq3A_891 : vector<16xi32>
    %get3A_893 = arith.constant 70 : i32
    %get3A_894 = arith.index_cast %get3A_893 : i32 to index
    %get3A_895 = memref.load %arg16[%get3A_894] : memref<128xf32, #tpu.memory_space<smem>>
    %broadcast_in_dim3A_896 = vector.broadcast %get3A_895 : f32 to vector<16xf32>
    %select_n3A_897 = arith.select %eq3A_892, %broadcast_in_dim3A_896, %select_n3A_889 : vector<16xi1>, vector<16xf32>
    %eq3A_898 = arith.constant 7 : i32
    %eq3A_899 = vector.broadcast %eq3A_898 : i32 to vector<16xi32>
    %eq3A_900 = arith.cmpi eq, %iota3A_839, %eq3A_899 : vector<16xi32>
    %get3A_901 = arith.constant 71 : i32
    %get3A_902 = arith.index_cast %get3A_901 : i32 to index
    %get3A_903 = memref.load %arg16[%get3A_902] : memref<128xf32, #tpu.memory_space<smem>>
    %broadcast_in_dim3A_904 = vector.broadcast %get3A_903 : f32 to vector<16xf32>
    %select_n3A_905 = arith.select %eq3A_900, %broadcast_in_dim3A_904, %select_n3A_897 : vector<16xi1>, vector<16xf32>
    %eq3A_906 = arith.constant 8 : i32
    %eq3A_907 = vector.broadcast %eq3A_906 : i32 to vector<16xi32>
    %eq3A_908 = arith.cmpi eq, %iota3A_839, %eq3A_907 : vector<16xi32>
    %get3A_909 = arith.constant 72 : i32
    %get3A_910 = arith.index_cast %get3A_909 : i32 to index
    %get3A_911 = memref.load %arg16[%get3A_910] : memref<128xf32, #tpu.memory_space<smem>>
    %broadcast_in_dim3A_912 = vector.broadcast %get3A_911 : f32 to vector<16xf32>
    %select_n3A_913 = arith.select %eq3A_908, %broadcast_in_dim3A_912, %select_n3A_905 : vector<16xi1>, vector<16xf32>
    %eq3A_914 = arith.constant 9 : i32
    %eq3A_915 = vector.broadcast %eq3A_914 : i32 to vector<16xi32>
    %eq3A_916 = arith.cmpi eq, %iota3A_839, %eq3A_915 : vector<16xi32>
    %get3A_917 = arith.constant 73 : i32
    %get3A_918 = arith.index_cast %get3A_917 : i32 to index
    %get3A_919 = memref.load %arg16[%get3A_918] : memref<128xf32, #tpu.memory_space<smem>>
    %broadcast_in_dim3A_920 = vector.broadcast %get3A_919 : f32 to vector<16xf32>
    %select_n3A_921 = arith.select %eq3A_916, %broadcast_in_dim3A_920, %select_n3A_913 : vector<16xi1>, vector<16xf32>
    %eq3A_922 = arith.constant 10 : i32
    %eq3A_923 = vector.broadcast %eq3A_922 : i32 to vector<16xi32>
    %eq3A_924 = arith.cmpi eq, %iota3A_839, %eq3A_923 : vector<16xi32>
    %get3A_925 = arith.constant 74 : i32
    %get3A_926 = arith.index_cast %get3A_925 : i32 to index
    %get3A_927 = memref.load %arg16[%get3A_926] : memref<128xf32, #tpu.memory_space<smem>>
    %broadcast_in_dim3A_928 = vector.broadcast %get3A_927 : f32 to vector<16xf32>
    %select_n3A_929 = arith.select %eq3A_924, %broadcast_in_dim3A_928, %select_n3A_921 : vector<16xi1>, vector<16xf32>
    %eq3A_930 = arith.constant 11 : i32
    %eq3A_931 = vector.broadcast %eq3A_930 : i32 to vector<16xi32>
    %eq3A_932 = arith.cmpi eq, %iota3A_839, %eq3A_931 : vector<16xi32>
    %get3A_933 = arith.constant 75 : i32
    %get3A_934 = arith.index_cast %get3A_933 : i32 to index
    %get3A_935 = memref.load %arg16[%get3A_934] : memref<128xf32, #tpu.memory_space<smem>>
    %broadcast_in_dim3A_936 = vector.broadcast %get3A_935 : f32 to vector<16xf32>
    %select_n3A_937 = arith.select %eq3A_932, %broadcast_in_dim3A_936, %select_n3A_929 : vector<16xi1>, vector<16xf32>
    %eq3A_938 = arith.constant 12 : i32
    %eq3A_939 = vector.broadcast %eq3A_938 : i32 to vector<16xi32>
    %eq3A_940 = arith.cmpi eq, %iota3A_839, %eq3A_939 : vector<16xi32>
    %get3A_941 = arith.constant 76 : i32
    %get3A_942 = arith.index_cast %get3A_941 : i32 to index
    %get3A_943 = memref.load %arg16[%get3A_942] : memref<128xf32, #tpu.memory_space<smem>>
    %broadcast_in_dim3A_944 = vector.broadcast %get3A_943 : f32 to vector<16xf32>
    %select_n3A_945 = arith.select %eq3A_940, %broadcast_in_dim3A_944, %select_n3A_937 : vector<16xi1>, vector<16xf32>
    %eq3A_946 = arith.constant 13 : i32
    %eq3A_947 = vector.broadcast %eq3A_946 : i32 to vector<16xi32>
    %eq3A_948 = arith.cmpi eq, %iota3A_839, %eq3A_947 : vector<16xi32>
    %get3A_949 = arith.constant 77 : i32
    %get3A_950 = arith.index_cast %get3A_949 : i32 to index
    %get3A_951 = memref.load %arg16[%get3A_950] : memref<128xf32, #tpu.memory_space<smem>>
    %broadcast_in_dim3A_952 = vector.broadcast %get3A_951 : f32 to vector<16xf32>
    %select_n3A_953 = arith.select %eq3A_948, %broadcast_in_dim3A_952, %select_n3A_945 : vector<16xi1>, vector<16xf32>
    %eq3A_954 = arith.constant 14 : i32
    %eq3A_955 = vector.broadcast %eq3A_954 : i32 to vector<16xi32>
    %eq3A_956 = arith.cmpi eq, %iota3A_839, %eq3A_955 : vector<16xi32>
    %get3A_957 = arith.constant 78 : i32
    %get3A_958 = arith.index_cast %get3A_957 : i32 to index
    %get3A_959 = memref.load %arg16[%get3A_958] : memref<128xf32, #tpu.memory_space<smem>>
    %broadcast_in_dim3A_960 = vector.broadcast %get3A_959 : f32 to vector<16xf32>
    %select_n3A_961 = arith.select %eq3A_956, %broadcast_in_dim3A_960, %select_n3A_953 : vector<16xi1>, vector<16xf32>
    %eq3A_962 = arith.constant 15 : i32
    %eq3A_963 = vector.broadcast %eq3A_962 : i32 to vector<16xi32>
    %eq3A_964 = arith.cmpi eq, %iota3A_839, %eq3A_963 : vector<16xi32>
    %get3A_965 = arith.constant 79 : i32
    %get3A_966 = arith.index_cast %get3A_965 : i32 to index
    %get3A_967 = memref.load %arg16[%get3A_966] : memref<128xf32, #tpu.memory_space<smem>>
    %broadcast_in_dim3A_968 = vector.broadcast %get3A_967 : f32 to vector<16xf32>
    %select_n3A_969 = arith.select %eq3A_964, %broadcast_in_dim3A_968, %select_n3A_961 : vector<16xi1>, vector<16xf32>
    %swap3A_970 = arith.constant 64 : index
    %swap3A_971 = tpu.vector_load %arg13[%swap3A_970] {strides = array<i32>} : memref<128xf32, #tpu.memory_space<vmem>>, vector<16xf32>,
    %swap3A_972 = vector.shape_cast %swap3A_971 : vector<16xf32> to vector<16xf32>
    %swap3A_973 = vector.shape_cast %select_n3A_969 : vector<16xf32> to vector<16xf32>
    tpu.vector_store %arg13[%swap3A_970], %swap3A_973 {strides = array<i32>} : memref<128xf32, #tpu.memory_space<vmem>>, vector<16xf32>,
    %iota3A_974 = tpu.iota {dimensions = array<i32: 0>} : vector<16xi32>
    %broadcast_in_dim3A_975 = arith.constant 0xFF800000 : f32
    %broadcast_in_dim3A_976 = vector.broadcast %broadcast_in_dim3A_975 : f32 to vector<16xf32>
    %eq3A_977 = arith.constant 0 : i32
    %eq3A_978 = vector.broadcast %eq3A_977 : i32 to vector<16xi32>
    %eq3A_979 = arith.cmpi eq, %iota3A_974, %eq3A_978 : vector<16xi32>
    %get3A_980 = arith.constant 80 : i32
    %get3A_981 = arith.index_cast %get3A_980 : i32 to index
    %get3A_982 = memref.load %arg16[%get3A_981] : memref<128xf32, #tpu.memory_space<smem>>
    %broadcast_in_dim3A_983 = vector.broadcast %get3A_982 : f32 to vector<16xf32>
    %select_n3A_984 = arith.select %eq3A_979, %broadcast_in_dim3A_983, %broadcast_in_dim3A_976 : vector<16xi1>, vector<16xf32>
    %eq3A_985 = arith.constant 1 : i32
    %eq3A_986 = vector.broadcast %eq3A_985 : i32 to vector<16xi32>
    %eq3A_987 = arith.cmpi eq, %iota3A_974, %eq3A_986 : vector<16xi32>
    %get3A_988 = arith.constant 81 : i32
    %get3A_989 = arith.index_cast %get3A_988 : i32 to index
    %get3A_990 = memref.load %arg16[%get3A_989] : memref<128xf32, #tpu.memory_space<smem>>
    %broadcast_in_dim3A_991 = vector.broadcast %get3A_990 : f32 to vector<16xf32>
    %select_n3A_992 = arith.select %eq3A_987, %broadcast_in_dim3A_991, %select_n3A_984 : vector<16xi1>, vector<16xf32>
    %eq3A_993 = arith.constant 2 : i32
    %eq3A_994 = vector.broadcast %eq3A_993 : i32 to vector<16xi32>
    %eq3A_995 = arith.cmpi eq, %iota3A_974, %eq3A_994 : vector<16xi32>
    %get3A_996 = arith.constant 82 : i32
    %get3A_997 = arith.index_cast %get3A_996 : i32 to index
    %get3A_998 = memref.load %arg16[%get3A_997] : memref<128xf32, #tpu.memory_space<smem>>
    %broadcast_in_dim3A_999 = vector.broadcast %get3A_998 : f32 to vector<16xf32>
    %select_n3A_1000 = arith.select %eq3A_995, %broadcast_in_dim3A_999, %select_n3A_992 : vector<16xi1>, vector<16xf32>
    %eq3A_1001 = arith.constant 3 : i32
    %eq3A_1002 = vector.broadcast %eq3A_1001 : i32 to vector<16xi32>
    %eq3A_1003 = arith.cmpi eq, %iota3A_974, %eq3A_1002 : vector<16xi32>
    %get3A_1004 = arith.constant 83 : i32
    %get3A_1005 = arith.index_cast %get3A_1004 : i32 to index
    %get3A_1006 = memref.load %arg16[%get3A_1005] : memref<128xf32, #tpu.memory_space<smem>>
    %broadcast_in_dim3A_1007 = vector.broadcast %get3A_1006 : f32 to vector<16xf32>
    %select_n3A_1008 = arith.select %eq3A_1003, %broadcast_in_dim3A_1007, %select_n3A_1000 : vector<16xi1>, vector<16xf32>
    %eq3A_1009 = arith.constant 4 : i32
    %eq3A_1010 = vector.broadcast %eq3A_1009 : i32 to vector<16xi32>
    %eq3A_1011 = arith.cmpi eq, %iota3A_974, %eq3A_1010 : vector<16xi32>
    %get3A_1012 = arith.constant 84 : i32
    %get3A_1013 = arith.index_cast %get3A_1012 : i32 to index
    %get3A_1014 = memref.load %arg16[%get3A_1013] : memref<128xf32, #tpu.memory_space<smem>>
    %broadcast_in_dim3A_1015 = vector.broadcast %get3A_1014 : f32 to vector<16xf32>
    %select_n3A_1016 = arith.select %eq3A_1011, %broadcast_in_dim3A_1015, %select_n3A_1008 : vector<16xi1>, vector<16xf32>
    %eq3A_1017 = arith.constant 5 : i32
    %eq3A_1018 = vector.broadcast %eq3A_1017 : i32 to vector<16xi32>
    %eq3A_1019 = arith.cmpi eq, %iota3A_974, %eq3A_1018 : vector<16xi32>
    %get3A_1020 = arith.constant 85 : i32
    %get3A_1021 = arith.index_cast %get3A_1020 : i32 to index
    %get3A_1022 = memref.load %arg16[%get3A_1021] : memref<128xf32, #tpu.memory_space<smem>>
    %broadcast_in_dim3A_1023 = vector.broadcast %get3A_1022 : f32 to vector<16xf32>
    %select_n3A_1024 = arith.select %eq3A_1019, %broadcast_in_dim3A_1023, %select_n3A_1016 : vector<16xi1>, vector<16xf32>
    %eq3A_1025 = arith.constant 6 : i32
    %eq3A_1026 = vector.broadcast %eq3A_1025 : i32 to vector<16xi32>
    %eq3A_1027 = arith.cmpi eq, %iota3A_974, %eq3A_1026 : vector<16xi32>
    %get3A_1028 = arith.constant 86 : i32
    %get3A_1029 = arith.index_cast %get3A_1028 : i32 to index
    %get3A_1030 = memref.load %arg16[%get3A_1029] : memref<128xf32, #tpu.memory_space<smem>>
    %broadcast_in_dim3A_1031 = vector.broadcast %get3A_1030 : f32 to vector<16xf32>
    %select_n3A_1032 = arith.select %eq3A_1027, %broadcast_in_dim3A_1031, %select_n3A_1024 : vector<16xi1>, vector<16xf32>
    %eq3A_1033 = arith.constant 7 : i32
    %eq3A_1034 = vector.broadcast %eq3A_1033 : i32 to vector<16xi32>
    %eq3A_1035 = arith.cmpi eq, %iota3A_974, %eq3A_1034 : vector<16xi32>
    %get3A_1036 = arith.constant 87 : i32
    %get3A_1037 = arith.index_cast %get3A_1036 : i32 to index
    %get3A_1038 = memref.load %arg16[%get3A_1037] : memref<128xf32, #tpu.memory_space<smem>>
    %broadcast_in_dim3A_1039 = vector.broadcast %get3A_1038 : f32 to vector<16xf32>
    %select_n3A_1040 = arith.select %eq3A_1035, %broadcast_in_dim3A_1039, %select_n3A_1032 : vector<16xi1>, vector<16xf32>
    %eq3A_1041 = arith.constant 8 : i32
    %eq3A_1042 = vector.broadcast %eq3A_1041 : i32 to vector<16xi32>
    %eq3A_1043 = arith.cmpi eq, %iota3A_974, %eq3A_1042 : vector<16xi32>
    %get3A_1044 = arith.constant 88 : i32
    %get3A_1045 = arith.index_cast %get3A_1044 : i32 to index
    %get3A_1046 = memref.load %arg16[%get3A_1045] : memref<128xf32, #tpu.memory_space<smem>>
    %broadcast_in_dim3A_1047 = vector.broadcast %get3A_1046 : f32 to vector<16xf32>
    %select_n3A_1048 = arith.select %eq3A_1043, %broadcast_in_dim3A_1047, %select_n3A_1040 : vector<16xi1>, vector<16xf32>
    %eq3A_1049 = arith.constant 9 : i32
    %eq3A_1050 = vector.broadcast %eq3A_1049 : i32 to vector<16xi32>
    %eq3A_1051 = arith.cmpi eq, %iota3A_974, %eq3A_1050 : vector<16xi32>
    %get3A_1052 = arith.constant 89 : i32
    %get3A_1053 = arith.index_cast %get3A_1052 : i32 to index
    %get3A_1054 = memref.load %arg16[%get3A_1053] : memref<128xf32, #tpu.memory_space<smem>>
    %broadcast_in_dim3A_1055 = vector.broadcast %get3A_1054 : f32 to vector<16xf32>
    %select_n3A_1056 = arith.select %eq3A_1051, %broadcast_in_dim3A_1055, %select_n3A_1048 : vector<16xi1>, vector<16xf32>
    %eq3A_1057 = arith.constant 10 : i32
    %eq3A_1058 = vector.broadcast %eq3A_1057 : i32 to vector<16xi32>
    %eq3A_1059 = arith.cmpi eq, %iota3A_974, %eq3A_1058 : vector<16xi32>
    %get3A_1060 = arith.constant 90 : i32
    %get3A_1061 = arith.index_cast %get3A_1060 : i32 to index
    %get3A_1062 = memref.load %arg16[%get3A_1061] : memref<128xf32, #tpu.memory_space<smem>>
    %broadcast_in_dim3A_1063 = vector.broadcast %get3A_1062 : f32 to vector<16xf32>
    %select_n3A_1064 = arith.select %eq3A_1059, %broadcast_in_dim3A_1063, %select_n3A_1056 : vector<16xi1>, vector<16xf32>
    %eq3A_1065 = arith.constant 11 : i32
    %eq3A_1066 = vector.broadcast %eq3A_1065 : i32 to vector<16xi32>
    %eq3A_1067 = arith.cmpi eq, %iota3A_974, %eq3A_1066 : vector<16xi32>
    %get3A_1068 = arith.constant 91 : i32
    %get3A_1069 = arith.index_cast %get3A_1068 : i32 to index
    %get3A_1070 = memref.load %arg16[%get3A_1069] : memref<128xf32, #tpu.memory_space<smem>>
    %broadcast_in_dim3A_1071 = vector.broadcast %get3A_1070 : f32 to vector<16xf32>
    %select_n3A_1072 = arith.select %eq3A_1067, %broadcast_in_dim3A_1071, %select_n3A_1064 : vector<16xi1>, vector<16xf32>
    %eq3A_1073 = arith.constant 12 : i32
    %eq3A_1074 = vector.broadcast %eq3A_1073 : i32 to vector<16xi32>
    %eq3A_1075 = arith.cmpi eq, %iota3A_974, %eq3A_1074 : vector<16xi32>
    %get3A_1076 = arith.constant 92 : i32
    %get3A_1077 = arith.index_cast %get3A_1076 : i32 to index
    %get3A_1078 = memref.load %arg16[%get3A_1077] : memref<128xf32, #tpu.memory_space<smem>>
    %broadcast_in_dim3A_1079 = vector.broadcast %get3A_1078 : f32 to vector<16xf32>
    %select_n3A_1080 = arith.select %eq3A_1075, %broadcast_in_dim3A_1079, %select_n3A_1072 : vector<16xi1>, vector<16xf32>
    %eq3A_1081 = arith.constant 13 : i32
    %eq3A_1082 = vector.broadcast %eq3A_1081 : i32 to vector<16xi32>
    %eq3A_1083 = arith.cmpi eq, %iota3A_974, %eq3A_1082 : vector<16xi32>
    %get3A_1084 = arith.constant 93 : i32
    %get3A_1085 = arith.index_cast %get3A_1084 : i32 to index
    %get3A_1086 = memref.load %arg16[%get3A_1085] : memref<128xf32, #tpu.memory_space<smem>>
    %broadcast_in_dim3A_1087 = vector.broadcast %get3A_1086 : f32 to vector<16xf32>
    %select_n3A_1088 = arith.select %eq3A_1083, %broadcast_in_dim3A_1087, %select_n3A_1080 : vector<16xi1>, vector<16xf32>
    %eq3A_1089 = arith.constant 14 : i32
    %eq3A_1090 = vector.broadcast %eq3A_1089 : i32 to vector<16xi32>
    %eq3A_1091 = arith.cmpi eq, %iota3A_974, %eq3A_1090 : vector<16xi32>
    %get3A_1092 = arith.constant 94 : i32
    %get3A_1093 = arith.index_cast %get3A_1092 : i32 to index
    %get3A_1094 = memref.load %arg16[%get3A_1093] : memref<128xf32, #tpu.memory_space<smem>>
    %broadcast_in_dim3A_1095 = vector.broadcast %get3A_1094 : f32 to vector<16xf32>
    %select_n3A_1096 = arith.select %eq3A_1091, %broadcast_in_dim3A_1095, %select_n3A_1088 : vector<16xi1>, vector<16xf32>
    %eq3A_1097 = arith.constant 15 : i32
    %eq3A_1098 = vector.broadcast %eq3A_1097 : i32 to vector<16xi32>
    %eq3A_1099 = arith.cmpi eq, %iota3A_974, %eq3A_1098 : vector<16xi32>
    %get3A_1100 = arith.constant 95 : i32
    %get3A_1101 = arith.index_cast %get3A_1100 : i32 to index
    %get3A_1102 = memref.load %arg16[%get3A_1101] : memref<128xf32, #tpu.memory_space<smem>>
    %broadcast_in_dim3A_1103 = vector.broadcast %get3A_1102 : f32 to vector<16xf32>
    %select_n3A_1104 = arith.select %eq3A_1099, %broadcast_in_dim3A_1103, %select_n3A_1096 : vector<16xi1>, vector<16xf32>
    %swap3A_1105 = arith.constant 80 : index
    %swap3A_1106 = tpu.vector_load %arg13[%swap3A_1105] {strides = array<i32>} : memref<128xf32, #tpu.memory_space<vmem>>, vector<16xf32>,
    %swap3A_1107 = vector.shape_cast %swap3A_1106 : vector<16xf32> to vector<16xf32>
    %swap3A_1108 = vector.shape_cast %select_n3A_1104 : vector<16xf32> to vector<16xf32>
    tpu.vector_store %arg13[%swap3A_1105], %swap3A_1108 {strides = array<i32>} : memref<128xf32, #tpu.memory_space<vmem>>, vector<16xf32>,
    %iota3A_1109 = tpu.iota {dimensions = array<i32: 0>} : vector<16xi32>
    %broadcast_in_dim3A_1110 = arith.constant 0xFF800000 : f32
    %broadcast_in_dim3A_1111 = vector.broadcast %broadcast_in_dim3A_1110 : f32 to vector<16xf32>
    %eq3A_1112 = arith.constant 0 : i32
    %eq3A_1113 = vector.broadcast %eq3A_1112 : i32 to vector<16xi32>
    %eq3A_1114 = arith.cmpi eq, %iota3A_1109, %eq3A_1113 : vector<16xi32>
    %get3A_1115 = arith.constant 96 : i32
    %get3A_1116 = arith.index_cast %get3A_1115 : i32 to index
    %get3A_1117 = memref.load %arg16[%get3A_1116] : memref<128xf32, #tpu.memory_space<smem>>
    %broadcast_in_dim3A_1118 = vector.broadcast %get3A_1117 : f32 to vector<16xf32>
    %select_n3A_1119 = arith.select %eq3A_1114, %broadcast_in_dim3A_1118, %broadcast_in_dim3A_1111 : vector<16xi1>, vector<16xf32>
    %eq3A_1120 = arith.constant 1 : i32
    %eq3A_1121 = vector.broadcast %eq3A_1120 : i32 to vector<16xi32>
    %eq3A_1122 = arith.cmpi eq, %iota3A_1109, %eq3A_1121 : vector<16xi32>
    %get3A_1123 = arith.constant 97 : i32
    %get3A_1124 = arith.index_cast %get3A_1123 : i32 to index
    %get3A_1125 = memref.load %arg16[%get3A_1124] : memref<128xf32, #tpu.memory_space<smem>>
    %broadcast_in_dim3A_1126 = vector.broadcast %get3A_1125 : f32 to vector<16xf32>
    %select_n3A_1127 = arith.select %eq3A_1122, %broadcast_in_dim3A_1126, %select_n3A_1119 : vector<16xi1>, vector<16xf32>
    %eq3A_1128 = arith.constant 2 : i32
    %eq3A_1129 = vector.broadcast %eq3A_1128 : i32 to vector<16xi32>
    %eq3A_1130 = arith.cmpi eq, %iota3A_1109, %eq3A_1129 : vector<16xi32>
    %get3A_1131 = arith.constant 98 : i32
    %get3A_1132 = arith.index_cast %get3A_1131 : i32 to index
    %get3A_1133 = memref.load %arg16[%get3A_1132] : memref<128xf32, #tpu.memory_space<smem>>
    %broadcast_in_dim3A_1134 = vector.broadcast %get3A_1133 : f32 to vector<16xf32>
    %select_n3A_1135 = arith.select %eq3A_1130, %broadcast_in_dim3A_1134, %select_n3A_1127 : vector<16xi1>, vector<16xf32>
    %eq3A_1136 = arith.constant 3 : i32
    %eq3A_1137 = vector.broadcast %eq3A_1136 : i32 to vector<16xi32>
    %eq3A_1138 = arith.cmpi eq, %iota3A_1109, %eq3A_1137 : vector<16xi32>
    %get3A_1139 = arith.constant 99 : i32
    %get3A_1140 = arith.index_cast %get3A_1139 : i32 to index
    %get3A_1141 = memref.load %arg16[%get3A_1140] : memref<128xf32, #tpu.memory_space<smem>>
    %broadcast_in_dim3A_1142 = vector.broadcast %get3A_1141 : f32 to vector<16xf32>
    %select_n3A_1143 = arith.select %eq3A_1138, %broadcast_in_dim3A_1142, %select_n3A_1135 : vector<16xi1>, vector<16xf32>
    %eq3A_1144 = arith.constant 4 : i32
    %eq3A_1145 = vector.broadcast %eq3A_1144 : i32 to vector<16xi32>
    %eq3A_1146 = arith.cmpi eq, %iota3A_1109, %eq3A_1145 : vector<16xi32>
    %get3A_1147 = arith.constant 100 : i32
    %get3A_1148 = arith.index_cast %get3A_1147 : i32 to index
    %get3A_1149 = memref.load %arg16[%get3A_1148] : memref<128xf32, #tpu.memory_space<smem>>
    %broadcast_in_dim3A_1150 = vector.broadcast %get3A_1149 : f32 to vector<16xf32>
    %select_n3A_1151 = arith.select %eq3A_1146, %broadcast_in_dim3A_1150, %select_n3A_1143 : vector<16xi1>, vector<16xf32>
    %eq3A_1152 = arith.constant 5 : i32
    %eq3A_1153 = vector.broadcast %eq3A_1152 : i32 to vector<16xi32>
    %eq3A_1154 = arith.cmpi eq, %iota3A_1109, %eq3A_1153 : vector<16xi32>
    %get3A_1155 = arith.constant 101 : i32
    %get3A_1156 = arith.index_cast %get3A_1155 : i32 to index
    %get3A_1157 = memref.load %arg16[%get3A_1156] : memref<128xf32, #tpu.memory_space<smem>>
    %broadcast_in_dim3A_1158 = vector.broadcast %get3A_1157 : f32 to vector<16xf32>
    %select_n3A_1159 = arith.select %eq3A_1154, %broadcast_in_dim3A_1158, %select_n3A_1151 : vector<16xi1>, vector<16xf32>
    %eq3A_1160 = arith.constant 6 : i32
    %eq3A_1161 = vector.broadcast %eq3A_1160 : i32 to vector<16xi32>
    %eq3A_1162 = arith.cmpi eq, %iota3A_1109, %eq3A_1161 : vector<16xi32>
    %get3A_1163 = arith.constant 102 : i32
    %get3A_1164 = arith.index_cast %get3A_1163 : i32 to index
    %get3A_1165 = memref.load %arg16[%get3A_1164] : memref<128xf32, #tpu.memory_space<smem>>
    %broadcast_in_dim3A_1166 = vector.broadcast %get3A_1165 : f32 to vector<16xf32>
    %select_n3A_1167 = arith.select %eq3A_1162, %broadcast_in_dim3A_1166, %select_n3A_1159 : vector<16xi1>, vector<16xf32>
    %eq3A_1168 = arith.constant 7 : i32
    %eq3A_1169 = vector.broadcast %eq3A_1168 : i32 to vector<16xi32>
    %eq3A_1170 = arith.cmpi eq, %iota3A_1109, %eq3A_1169 : vector<16xi32>
    %get3A_1171 = arith.constant 103 : i32
    %get3A_1172 = arith.index_cast %get3A_1171 : i32 to index
    %get3A_1173 = memref.load %arg16[%get3A_1172] : memref<128xf32, #tpu.memory_space<smem>>
    %broadcast_in_dim3A_1174 = vector.broadcast %get3A_1173 : f32 to vector<16xf32>
    %select_n3A_1175 = arith.select %eq3A_1170, %broadcast_in_dim3A_1174, %select_n3A_1167 : vector<16xi1>, vector<16xf32>
    %eq3A_1176 = arith.constant 8 : i32
    %eq3A_1177 = vector.broadcast %eq3A_1176 : i32 to vector<16xi32>
    %eq3A_1178 = arith.cmpi eq, %iota3A_1109, %eq3A_1177 : vector<16xi32>
    %get3A_1179 = arith.constant 104 : i32
    %get3A_1180 = arith.index_cast %get3A_1179 : i32 to index
    %get3A_1181 = memref.load %arg16[%get3A_1180] : memref<128xf32, #tpu.memory_space<smem>>
    %broadcast_in_dim3A_1182 = vector.broadcast %get3A_1181 : f32 to vector<16xf32>
    %select_n3A_1183 = arith.select %eq3A_1178, %broadcast_in_dim3A_1182, %select_n3A_1175 : vector<16xi1>, vector<16xf32>
    %eq3A_1184 = arith.constant 9 : i32
    %eq3A_1185 = vector.broadcast %eq3A_1184 : i32 to vector<16xi32>
    %eq3A_1186 = arith.cmpi eq, %iota3A_1109, %eq3A_1185 : vector<16xi32>
    %get3A_1187 = arith.constant 105 : i32
    %get3A_1188 = arith.index_cast %get3A_1187 : i32 to index
    %get3A_1189 = memref.load %arg16[%get3A_1188] : memref<128xf32, #tpu.memory_space<smem>>
    %broadcast_in_dim3A_1190 = vector.broadcast %get3A_1189 : f32 to vector<16xf32>
    %select_n3A_1191 = arith.select %eq3A_1186, %broadcast_in_dim3A_1190, %select_n3A_1183 : vector<16xi1>, vector<16xf32>
    %eq3A_1192 = arith.constant 10 : i32
    %eq3A_1193 = vector.broadcast %eq3A_1192 : i32 to vector<16xi32>
    %eq3A_1194 = arith.cmpi eq, %iota3A_1109, %eq3A_1193 : vector<16xi32>
    %get3A_1195 = arith.constant 106 : i32
    %get3A_1196 = arith.index_cast %get3A_1195 : i32 to index
    %get3A_1197 = memref.load %arg16[%get3A_1196] : memref<128xf32, #tpu.memory_space<smem>>
    %broadcast_in_dim3A_1198 = vector.broadcast %get3A_1197 : f32 to vector<16xf32>
    %select_n3A_1199 = arith.select %eq3A_1194, %broadcast_in_dim3A_1198, %select_n3A_1191 : vector<16xi1>, vector<16xf32>
    %eq3A_1200 = arith.constant 11 : i32
    %eq3A_1201 = vector.broadcast %eq3A_1200 : i32 to vector<16xi32>
    %eq3A_1202 = arith.cmpi eq, %iota3A_1109, %eq3A_1201 : vector<16xi32>
    %get3A_1203 = arith.constant 107 : i32
    %get3A_1204 = arith.index_cast %get3A_1203 : i32 to index
    %get3A_1205 = memref.load %arg16[%get3A_1204] : memref<128xf32, #tpu.memory_space<smem>>
    %broadcast_in_dim3A_1206 = vector.broadcast %get3A_1205 : f32 to vector<16xf32>
    %select_n3A_1207 = arith.select %eq3A_1202, %broadcast_in_dim3A_1206, %select_n3A_1199 : vector<16xi1>, vector<16xf32>
    %eq3A_1208 = arith.constant 12 : i32
    %eq3A_1209 = vector.broadcast %eq3A_1208 : i32 to vector<16xi32>
    %eq3A_1210 = arith.cmpi eq, %iota3A_1109, %eq3A_1209 : vector<16xi32>
    %get3A_1211 = arith.constant 108 : i32
    %get3A_1212 = arith.index_cast %get3A_1211 : i32 to index
    %get3A_1213 = memref.load %arg16[%get3A_1212] : memref<128xf32, #tpu.memory_space<smem>>
    %broadcast_in_dim3A_1214 = vector.broadcast %get3A_1213 : f32 to vector<16xf32>
    %select_n3A_1215 = arith.select %eq3A_1210, %broadcast_in_dim3A_1214, %select_n3A_1207 : vector<16xi1>, vector<16xf32>
    %eq3A_1216 = arith.constant 13 : i32
    %eq3A_1217 = vector.broadcast %eq3A_1216 : i32 to vector<16xi32>
    %eq3A_1218 = arith.cmpi eq, %iota3A_1109, %eq3A_1217 : vector<16xi32>
    %get3A_1219 = arith.constant 109 : i32
    %get3A_1220 = arith.index_cast %get3A_1219 : i32 to index
    %get3A_1221 = memref.load %arg16[%get3A_1220] : memref<128xf32, #tpu.memory_space<smem>>
    %broadcast_in_dim3A_1222 = vector.broadcast %get3A_1221 : f32 to vector<16xf32>
    %select_n3A_1223 = arith.select %eq3A_1218, %broadcast_in_dim3A_1222, %select_n3A_1215 : vector<16xi1>, vector<16xf32>
    %eq3A_1224 = arith.constant 14 : i32
    %eq3A_1225 = vector.broadcast %eq3A_1224 : i32 to vector<16xi32>
    %eq3A_1226 = arith.cmpi eq, %iota3A_1109, %eq3A_1225 : vector<16xi32>
    %get3A_1227 = arith.constant 110 : i32
    %get3A_1228 = arith.index_cast %get3A_1227 : i32 to index
    %get3A_1229 = memref.load %arg16[%get3A_1228] : memref<128xf32, #tpu.memory_space<smem>>
    %broadcast_in_dim3A_1230 = vector.broadcast %get3A_1229 : f32 to vector<16xf32>
    %select_n3A_1231 = arith.select %eq3A_1226, %broadcast_in_dim3A_1230, %select_n3A_1223 : vector<16xi1>, vector<16xf32>
    %eq3A_1232 = arith.constant 15 : i32
    %eq3A_1233 = vector.broadcast %eq3A_1232 : i32 to vector<16xi32>
    %eq3A_1234 = arith.cmpi eq, %iota3A_1109, %eq3A_1233 : vector<16xi32>
    %get3A_1235 = arith.constant 111 : i32
    %get3A_1236 = arith.index_cast %get3A_1235 : i32 to index
    %get3A_1237 = memref.load %arg16[%get3A_1236] : memref<128xf32, #tpu.memory_space<smem>>
    %broadcast_in_dim3A_1238 = vector.broadcast %get3A_1237 : f32 to vector<16xf32>
    %select_n3A_1239 = arith.select %eq3A_1234, %broadcast_in_dim3A_1238, %select_n3A_1231 : vector<16xi1>, vector<16xf32>
    %swap3A_1240 = arith.constant 96 : index
    %swap3A_1241 = tpu.vector_load %arg13[%swap3A_1240] {strides = array<i32>} : memref<128xf32, #tpu.memory_space<vmem>>, vector<16xf32>,
    %swap3A_1242 = vector.shape_cast %swap3A_1241 : vector<16xf32> to vector<16xf32>
    %swap3A_1243 = vector.shape_cast %select_n3A_1239 : vector<16xf32> to vector<16xf32>
    tpu.vector_store %arg13[%swap3A_1240], %swap3A_1243 {strides = array<i32>} : memref<128xf32, #tpu.memory_space<vmem>>, vector<16xf32>,
    %iota3A_1244 = tpu.iota {dimensions = array<i32: 0>} : vector<16xi32>
    %broadcast_in_dim3A_1245 = arith.constant 0xFF800000 : f32
    %broadcast_in_dim3A_1246 = vector.broadcast %broadcast_in_dim3A_1245 : f32 to vector<16xf32>
    %eq3A_1247 = arith.constant 0 : i32
    %eq3A_1248 = vector.broadcast %eq3A_1247 : i32 to vector<16xi32>
    %eq3A_1249 = arith.cmpi eq, %iota3A_1244, %eq3A_1248 : vector<16xi32>
    %get3A_1250 = arith.constant 112 : i32
    %get3A_1251 = arith.index_cast %get3A_1250 : i32 to index
    %get3A_1252 = memref.load %arg16[%get3A_1251] : memref<128xf32, #tpu.memory_space<smem>>
    %broadcast_in_dim3A_1253 = vector.broadcast %get3A_1252 : f32 to vector<16xf32>
    %select_n3A_1254 = arith.select %eq3A_1249, %broadcast_in_dim3A_1253, %broadcast_in_dim3A_1246 : vector<16xi1>, vector<16xf32>
    %eq3A_1255 = arith.constant 1 : i32
    %eq3A_1256 = vector.broadcast %eq3A_1255 : i32 to vector<16xi32>
    %eq3A_1257 = arith.cmpi eq, %iota3A_1244, %eq3A_1256 : vector<16xi32>
    %get3A_1258 = arith.constant 113 : i32
    %get3A_1259 = arith.index_cast %get3A_1258 : i32 to index
    %get3A_1260 = memref.load %arg16[%get3A_1259] : memref<128xf32, #tpu.memory_space<smem>>
    %broadcast_in_dim3A_1261 = vector.broadcast %get3A_1260 : f32 to vector<16xf32>
    %select_n3A_1262 = arith.select %eq3A_1257, %broadcast_in_dim3A_1261, %select_n3A_1254 : vector<16xi1>, vector<16xf32>
    %eq3A_1263 = arith.constant 2 : i32
    %eq3A_1264 = vector.broadcast %eq3A_1263 : i32 to vector<16xi32>
    %eq3A_1265 = arith.cmpi eq, %iota3A_1244, %eq3A_1264 : vector<16xi32>
    %get3A_1266 = arith.constant 114 : i32
    %get3A_1267 = arith.index_cast %get3A_1266 : i32 to index
    %get3A_1268 = memref.load %arg16[%get3A_1267] : memref<128xf32, #tpu.memory_space<smem>>
    %broadcast_in_dim3A_1269 = vector.broadcast %get3A_1268 : f32 to vector<16xf32>
    %select_n3A_1270 = arith.select %eq3A_1265, %broadcast_in_dim3A_1269, %select_n3A_1262 : vector<16xi1>, vector<16xf32>
    %eq3A_1271 = arith.constant 3 : i32
    %eq3A_1272 = vector.broadcast %eq3A_1271 : i32 to vector<16xi32>
    %eq3A_1273 = arith.cmpi eq, %iota3A_1244, %eq3A_1272 : vector<16xi32>
    %get3A_1274 = arith.constant 115 : i32
    %get3A_1275 = arith.index_cast %get3A_1274 : i32 to index
    %get3A_1276 = memref.load %arg16[%get3A_1275] : memref<128xf32, #tpu.memory_space<smem>>
    %broadcast_in_dim3A_1277 = vector.broadcast %get3A_1276 : f32 to vector<16xf32>
    %select_n3A_1278 = arith.select %eq3A_1273, %broadcast_in_dim3A_1277, %select_n3A_1270 : vector<16xi1>, vector<16xf32>
    %eq3A_1279 = arith.constant 4 : i32
    %eq3A_1280 = vector.broadcast %eq3A_1279 : i32 to vector<16xi32>
    %eq3A_1281 = arith.cmpi eq, %iota3A_1244, %eq3A_1280 : vector<16xi32>
    %get3A_1282 = arith.constant 116 : i32
    %get3A_1283 = arith.index_cast %get3A_1282 : i32 to index
    %get3A_1284 = memref.load %arg16[%get3A_1283] : memref<128xf32, #tpu.memory_space<smem>>
    %broadcast_in_dim3A_1285 = vector.broadcast %get3A_1284 : f32 to vector<16xf32>
    %select_n3A_1286 = arith.select %eq3A_1281, %broadcast_in_dim3A_1285, %select_n3A_1278 : vector<16xi1>, vector<16xf32>
    %eq3A_1287 = arith.constant 5 : i32
    %eq3A_1288 = vector.broadcast %eq3A_1287 : i32 to vector<16xi32>
    %eq3A_1289 = arith.cmpi eq, %iota3A_1244, %eq3A_1288 : vector<16xi32>
    %get3A_1290 = arith.constant 117 : i32
    %get3A_1291 = arith.index_cast %get3A_1290 : i32 to index
    %get3A_1292 = memref.load %arg16[%get3A_1291] : memref<128xf32, #tpu.memory_space<smem>>
    %broadcast_in_dim3A_1293 = vector.broadcast %get3A_1292 : f32 to vector<16xf32>
    %select_n3A_1294 = arith.select %eq3A_1289, %broadcast_in_dim3A_1293, %select_n3A_1286 : vector<16xi1>, vector<16xf32>
    %eq3A_1295 = arith.constant 6 : i32
    %eq3A_1296 = vector.broadcast %eq3A_1295 : i32 to vector<16xi32>
    %eq3A_1297 = arith.cmpi eq, %iota3A_1244, %eq3A_1296 : vector<16xi32>
    %get3A_1298 = arith.constant 118 : i32
    %get3A_1299 = arith.index_cast %get3A_1298 : i32 to index
    %get3A_1300 = memref.load %arg16[%get3A_1299] : memref<128xf32, #tpu.memory_space<smem>>
    %broadcast_in_dim3A_1301 = vector.broadcast %get3A_1300 : f32 to vector<16xf32>
    %select_n3A_1302 = arith.select %eq3A_1297, %broadcast_in_dim3A_1301, %select_n3A_1294 : vector<16xi1>, vector<16xf32>
    %eq3A_1303 = arith.constant 7 : i32
    %eq3A_1304 = vector.broadcast %eq3A_1303 : i32 to vector<16xi32>
    %eq3A_1305 = arith.cmpi eq, %iota3A_1244, %eq3A_1304 : vector<16xi32>
    %get3A_1306 = arith.constant 119 : i32
    %get3A_1307 = arith.index_cast %get3A_1306 : i32 to index
    %get3A_1308 = memref.load %arg16[%get3A_1307] : memref<128xf32, #tpu.memory_space<smem>>
    %broadcast_in_dim3A_1309 = vector.broadcast %get3A_1308 : f32 to vector<16xf32>
    %select_n3A_1310 = arith.select %eq3A_1305, %broadcast_in_dim3A_1309, %select_n3A_1302 : vector<16xi1>, vector<16xf32>
    %eq3A_1311 = arith.constant 8 : i32
    %eq3A_1312 = vector.broadcast %eq3A_1311 : i32 to vector<16xi32>
    %eq3A_1313 = arith.cmpi eq, %iota3A_1244, %eq3A_1312 : vector<16xi32>
    %get3A_1314 = arith.constant 120 : i32
    %get3A_1315 = arith.index_cast %get3A_1314 : i32 to index
    %get3A_1316 = memref.load %arg16[%get3A_1315] : memref<128xf32, #tpu.memory_space<smem>>
    %broadcast_in_dim3A_1317 = vector.broadcast %get3A_1316 : f32 to vector<16xf32>
    %select_n3A_1318 = arith.select %eq3A_1313, %broadcast_in_dim3A_1317, %select_n3A_1310 : vector<16xi1>, vector<16xf32>
    %eq3A_1319 = arith.constant 9 : i32
    %eq3A_1320 = vector.broadcast %eq3A_1319 : i32 to vector<16xi32>
    %eq3A_1321 = arith.cmpi eq, %iota3A_1244, %eq3A_1320 : vector<16xi32>
    %get3A_1322 = arith.constant 121 : i32
    %get3A_1323 = arith.index_cast %get3A_1322 : i32 to index
    %get3A_1324 = memref.load %arg16[%get3A_1323] : memref<128xf32, #tpu.memory_space<smem>>
    %broadcast_in_dim3A_1325 = vector.broadcast %get3A_1324 : f32 to vector<16xf32>
    %select_n3A_1326 = arith.select %eq3A_1321, %broadcast_in_dim3A_1325, %select_n3A_1318 : vector<16xi1>, vector<16xf32>
    %eq3A_1327 = arith.constant 10 : i32
    %eq3A_1328 = vector.broadcast %eq3A_1327 : i32 to vector<16xi32>
    %eq3A_1329 = arith.cmpi eq, %iota3A_1244, %eq3A_1328 : vector<16xi32>
    %get3A_1330 = arith.constant 122 : i32
    %get3A_1331 = arith.index_cast %get3A_1330 : i32 to index
    %get3A_1332 = memref.load %arg16[%get3A_1331] : memref<128xf32, #tpu.memory_space<smem>>
    %broadcast_in_dim3A_1333 = vector.broadcast %get3A_1332 : f32 to vector<16xf32>
    %select_n3A_1334 = arith.select %eq3A_1329, %broadcast_in_dim3A_1333, %select_n3A_1326 : vector<16xi1>, vector<16xf32>
    %eq3A_1335 = arith.constant 11 : i32
    %eq3A_1336 = vector.broadcast %eq3A_1335 : i32 to vector<16xi32>
    %eq3A_1337 = arith.cmpi eq, %iota3A_1244, %eq3A_1336 : vector<16xi32>
    %get3A_1338 = arith.constant 123 : i32
    %get3A_1339 = arith.index_cast %get3A_1338 : i32 to index
    %get3A_1340 = memref.load %arg16[%get3A_1339] : memref<128xf32, #tpu.memory_space<smem>>
    %broadcast_in_dim3A_1341 = vector.broadcast %get3A_1340 : f32 to vector<16xf32>
    %select_n3A_1342 = arith.select %eq3A_1337, %broadcast_in_dim3A_1341, %select_n3A_1334 : vector<16xi1>, vector<16xf32>
    %eq3A_1343 = arith.constant 12 : i32
    %eq3A_1344 = vector.broadcast %eq3A_1343 : i32 to vector<16xi32>
    %eq3A_1345 = arith.cmpi eq, %iota3A_1244, %eq3A_1344 : vector<16xi32>
    %get3A_1346 = arith.constant 124 : i32
    %get3A_1347 = arith.index_cast %get3A_1346 : i32 to index
    %get3A_1348 = memref.load %arg16[%get3A_1347] : memref<128xf32, #tpu.memory_space<smem>>
    %broadcast_in_dim3A_1349 = vector.broadcast %get3A_1348 : f32 to vector<16xf32>
    %select_n3A_1350 = arith.select %eq3A_1345, %broadcast_in_dim3A_1349, %select_n3A_1342 : vector<16xi1>, vector<16xf32>
    %eq3A_1351 = arith.constant 13 : i32
    %eq3A_1352 = vector.broadcast %eq3A_1351 : i32 to vector<16xi32>
    %eq3A_1353 = arith.cmpi eq, %iota3A_1244, %eq3A_1352 : vector<16xi32>
    %get3A_1354 = arith.constant 125 : i32
    %get3A_1355 = arith.index_cast %get3A_1354 : i32 to index
    %get3A_1356 = memref.load %arg16[%get3A_1355] : memref<128xf32, #tpu.memory_space<smem>>
    %broadcast_in_dim3A_1357 = vector.broadcast %get3A_1356 : f32 to vector<16xf32>
    %select_n3A_1358 = arith.select %eq3A_1353, %broadcast_in_dim3A_1357, %select_n3A_1350 : vector<16xi1>, vector<16xf32>
    %eq3A_1359 = arith.constant 14 : i32
    %eq3A_1360 = vector.broadcast %eq3A_1359 : i32 to vector<16xi32>
    %eq3A_1361 = arith.cmpi eq, %iota3A_1244, %eq3A_1360 : vector<16xi32>
    %get3A_1362 = arith.constant 126 : i32
    %get3A_1363 = arith.index_cast %get3A_1362 : i32 to index
    %get3A_1364 = memref.load %arg16[%get3A_1363] : memref<128xf32, #tpu.memory_space<smem>>
    %broadcast_in_dim3A_1365 = vector.broadcast %get3A_1364 : f32 to vector<16xf32>
    %select_n3A_1366 = arith.select %eq3A_1361, %broadcast_in_dim3A_1365, %select_n3A_1358 : vector<16xi1>, vector<16xf32>
    %eq3A_1367 = arith.constant 15 : i32
    %eq3A_1368 = vector.broadcast %eq3A_1367 : i32 to vector<16xi32>
    %eq3A_1369 = arith.cmpi eq, %iota3A_1244, %eq3A_1368 : vector<16xi32>
    %get3A_1370 = arith.constant 127 : i32
    %get3A_1371 = arith.index_cast %get3A_1370 : i32 to index
    %get3A_1372 = memref.load %arg16[%get3A_1371] : memref<128xf32, #tpu.memory_space<smem>>
    %broadcast_in_dim3A_1373 = vector.broadcast %get3A_1372 : f32 to vector<16xf32>
    %select_n3A_1374 = arith.select %eq3A_1369, %broadcast_in_dim3A_1373, %select_n3A_1366 : vector<16xi1>, vector<16xf32>
    %swap3A_1375 = arith.constant 112 : index
    %swap3A_1376 = tpu.vector_load %arg13[%swap3A_1375] {strides = array<i32>} : memref<128xf32, #tpu.memory_space<vmem>>, vector<16xf32>,
    %swap3A_1377 = vector.shape_cast %swap3A_1376 : vector<16xf32> to vector<16xf32>
    %swap3A_1378 = vector.shape_cast %select_n3A_1374 : vector<16xf32> to vector<16xf32>
    tpu.vector_store %arg13[%swap3A_1375], %swap3A_1378 {strides = array<i32>} : memref<128xf32, #tpu.memory_space<vmem>>, vector<16xf32>,
    %iota3A_1379 = tpu.iota {dimensions = array<i32: 0>} : vector<16xi32>
    %broadcast_in_dim3A_1380 = arith.constant 0xFF800000 : f32
    %broadcast_in_dim3A_1381 = vector.broadcast %broadcast_in_dim3A_1380 : f32 to vector<16xf32>
    %eq3A_1382 = arith.constant 0 : i32
    %eq3A_1383 = vector.broadcast %eq3A_1382 : i32 to vector<16xi32>
    %eq3A_1384 = arith.cmpi eq, %iota3A_1379, %eq3A_1383 : vector<16xi32>
    %get3A_1385 = arith.constant 0 : i32
    %get3A_1386 = arith.index_cast %get3A_1385 : i32 to index
    %get3A_1387 = memref.load %arg17[%get3A_1386] : memref<16xf32, #tpu.memory_space<smem>>
    %broadcast_in_dim3A_1388 = vector.broadcast %get3A_1387 : f32 to vector<16xf32>
    %select_n3A_1389 = arith.select %eq3A_1384, %broadcast_in_dim3A_1388, %broadcast_in_dim3A_1381 : vector<16xi1>, vector<16xf32>
    %eq3A_1390 = arith.constant 1 : i32
    %eq3A_1391 = vector.broadcast %eq3A_1390 : i32 to vector<16xi32>
    %eq3A_1392 = arith.cmpi eq, %iota3A_1379, %eq3A_1391 : vector<16xi32>
    %get3A_1393 = arith.constant 1 : i32
    %get3A_1394 = arith.index_cast %get3A_1393 : i32 to index
    %get3A_1395 = memref.load %arg17[%get3A_1394] : memref<16xf32, #tpu.memory_space<smem>>
    %broadcast_in_dim3A_1396 = vector.broadcast %get3A_1395 : f32 to vector<16xf32>
    %select_n3A_1397 = arith.select %eq3A_1392, %broadcast_in_dim3A_1396, %select_n3A_1389 : vector<16xi1>, vector<16xf32>
    %eq3A_1398 = arith.constant 2 : i32
    %eq3A_1399 = vector.broadcast %eq3A_1398 : i32 to vector<16xi32>
    %eq3A_1400 = arith.cmpi eq, %iota3A_1379, %eq3A_1399 : vector<16xi32>
    %get3A_1401 = arith.constant 2 : i32
    %get3A_1402 = arith.index_cast %get3A_1401 : i32 to index
    %get3A_1403 = memref.load %arg17[%get3A_1402] : memref<16xf32, #tpu.memory_space<smem>>
    %broadcast_in_dim3A_1404 = vector.broadcast %get3A_1403 : f32 to vector<16xf32>
    %select_n3A_1405 = arith.select %eq3A_1400, %broadcast_in_dim3A_1404, %select_n3A_1397 : vector<16xi1>, vector<16xf32>
    %eq3A_1406 = arith.constant 3 : i32
    %eq3A_1407 = vector.broadcast %eq3A_1406 : i32 to vector<16xi32>
    %eq3A_1408 = arith.cmpi eq, %iota3A_1379, %eq3A_1407 : vector<16xi32>
    %get3A_1409 = arith.constant 3 : i32
    %get3A_1410 = arith.index_cast %get3A_1409 : i32 to index
    %get3A_1411 = memref.load %arg17[%get3A_1410] : memref<16xf32, #tpu.memory_space<smem>>
    %broadcast_in_dim3A_1412 = vector.broadcast %get3A_1411 : f32 to vector<16xf32>
    %select_n3A_1413 = arith.select %eq3A_1408, %broadcast_in_dim3A_1412, %select_n3A_1405 : vector<16xi1>, vector<16xf32>
    %eq3A_1414 = arith.constant 4 : i32
    %eq3A_1415 = vector.broadcast %eq3A_1414 : i32 to vector<16xi32>
    %eq3A_1416 = arith.cmpi eq, %iota3A_1379, %eq3A_1415 : vector<16xi32>
    %get3A_1417 = arith.constant 4 : i32
    %get3A_1418 = arith.index_cast %get3A_1417 : i32 to index
    %get3A_1419 = memref.load %arg17[%get3A_1418] : memref<16xf32, #tpu.memory_space<smem>>
    %broadcast_in_dim3A_1420 = vector.broadcast %get3A_1419 : f32 to vector<16xf32>
    %select_n3A_1421 = arith.select %eq3A_1416, %broadcast_in_dim3A_1420, %select_n3A_1413 : vector<16xi1>, vector<16xf32>
    %eq3A_1422 = arith.constant 5 : i32
    %eq3A_1423 = vector.broadcast %eq3A_1422 : i32 to vector<16xi32>
    %eq3A_1424 = arith.cmpi eq, %iota3A_1379, %eq3A_1423 : vector<16xi32>
    %get3A_1425 = arith.constant 5 : i32
    %get3A_1426 = arith.index_cast %get3A_1425 : i32 to index
    %get3A_1427 = memref.load %arg17[%get3A_1426] : memref<16xf32, #tpu.memory_space<smem>>
    %broadcast_in_dim3A_1428 = vector.broadcast %get3A_1427 : f32 to vector<16xf32>
    %select_n3A_1429 = arith.select %eq3A_1424, %broadcast_in_dim3A_1428, %select_n3A_1421 : vector<16xi1>, vector<16xf32>
    %eq3A_1430 = arith.constant 6 : i32
    %eq3A_1431 = vector.broadcast %eq3A_1430 : i32 to vector<16xi32>
    %eq3A_1432 = arith.cmpi eq, %iota3A_1379, %eq3A_1431 : vector<16xi32>
    %get3A_1433 = arith.constant 6 : i32
    %get3A_1434 = arith.index_cast %get3A_1433 : i32 to index
    %get3A_1435 = memref.load %arg17[%get3A_1434] : memref<16xf32, #tpu.memory_space<smem>>
    %broadcast_in_dim3A_1436 = vector.broadcast %get3A_1435 : f32 to vector<16xf32>
    %select_n3A_1437 = arith.select %eq3A_1432, %broadcast_in_dim3A_1436, %select_n3A_1429 : vector<16xi1>, vector<16xf32>
    %eq3A_1438 = arith.constant 7 : i32
    %eq3A_1439 = vector.broadcast %eq3A_1438 : i32 to vector<16xi32>
    %eq3A_1440 = arith.cmpi eq, %iota3A_1379, %eq3A_1439 : vector<16xi32>
    %get3A_1441 = arith.constant 7 : i32
    %get3A_1442 = arith.index_cast %get3A_1441 : i32 to index
    %get3A_1443 = memref.load %arg17[%get3A_1442] : memref<16xf32, #tpu.memory_space<smem>>
    %broadcast_in_dim3A_1444 = vector.broadcast %get3A_1443 : f32 to vector<16xf32>
    %select_n3A_1445 = arith.select %eq3A_1440, %broadcast_in_dim3A_1444, %select_n3A_1437 : vector<16xi1>, vector<16xf32>
    %eq3A_1446 = arith.constant 8 : i32
    %eq3A_1447 = vector.broadcast %eq3A_1446 : i32 to vector<16xi32>
    %eq3A_1448 = arith.cmpi eq, %iota3A_1379, %eq3A_1447 : vector<16xi32>
    %get3A_1449 = arith.constant 8 : i32
    %get3A_1450 = arith.index_cast %get3A_1449 : i32 to index
    %get3A_1451 = memref.load %arg17[%get3A_1450] : memref<16xf32, #tpu.memory_space<smem>>
    %broadcast_in_dim3A_1452 = vector.broadcast %get3A_1451 : f32 to vector<16xf32>
    %select_n3A_1453 = arith.select %eq3A_1448, %broadcast_in_dim3A_1452, %select_n3A_1445 : vector<16xi1>, vector<16xf32>
    %eq3A_1454 = arith.constant 9 : i32
    %eq3A_1455 = vector.broadcast %eq3A_1454 : i32 to vector<16xi32>
    %eq3A_1456 = arith.cmpi eq, %iota3A_1379, %eq3A_1455 : vector<16xi32>
    %get3A_1457 = arith.constant 9 : i32
    %get3A_1458 = arith.index_cast %get3A_1457 : i32 to index
    %get3A_1459 = memref.load %arg17[%get3A_1458] : memref<16xf32, #tpu.memory_space<smem>>
    %broadcast_in_dim3A_1460 = vector.broadcast %get3A_1459 : f32 to vector<16xf32>
    %select_n3A_1461 = arith.select %eq3A_1456, %broadcast_in_dim3A_1460, %select_n3A_1453 : vector<16xi1>, vector<16xf32>
    %eq3A_1462 = arith.constant 10 : i32
    %eq3A_1463 = vector.broadcast %eq3A_1462 : i32 to vector<16xi32>
    %eq3A_1464 = arith.cmpi eq, %iota3A_1379, %eq3A_1463 : vector<16xi32>
    %get3A_1465 = arith.constant 10 : i32
    %get3A_1466 = arith.index_cast %get3A_1465 : i32 to index
    %get3A_1467 = memref.load %arg17[%get3A_1466] : memref<16xf32, #tpu.memory_space<smem>>
    %broadcast_in_dim3A_1468 = vector.broadcast %get3A_1467 : f32 to vector<16xf32>
    %select_n3A_1469 = arith.select %eq3A_1464, %broadcast_in_dim3A_1468, %select_n3A_1461 : vector<16xi1>, vector<16xf32>
    %eq3A_1470 = arith.constant 11 : i32
    %eq3A_1471 = vector.broadcast %eq3A_1470 : i32 to vector<16xi32>
    %eq3A_1472 = arith.cmpi eq, %iota3A_1379, %eq3A_1471 : vector<16xi32>
    %get3A_1473 = arith.constant 11 : i32
    %get3A_1474 = arith.index_cast %get3A_1473 : i32 to index
    %get3A_1475 = memref.load %arg17[%get3A_1474] : memref<16xf32, #tpu.memory_space<smem>>
    %broadcast_in_dim3A_1476 = vector.broadcast %get3A_1475 : f32 to vector<16xf32>
    %select_n3A_1477 = arith.select %eq3A_1472, %broadcast_in_dim3A_1476, %select_n3A_1469 : vector<16xi1>, vector<16xf32>
    %eq3A_1478 = arith.constant 12 : i32
    %eq3A_1479 = vector.broadcast %eq3A_1478 : i32 to vector<16xi32>
    %eq3A_1480 = arith.cmpi eq, %iota3A_1379, %eq3A_1479 : vector<16xi32>
    %get3A_1481 = arith.constant 12 : i32
    %get3A_1482 = arith.index_cast %get3A_1481 : i32 to index
    %get3A_1483 = memref.load %arg17[%get3A_1482] : memref<16xf32, #tpu.memory_space<smem>>
    %broadcast_in_dim3A_1484 = vector.broadcast %get3A_1483 : f32 to vector<16xf32>
    %select_n3A_1485 = arith.select %eq3A_1480, %broadcast_in_dim3A_1484, %select_n3A_1477 : vector<16xi1>, vector<16xf32>
    %eq3A_1486 = arith.constant 13 : i32
    %eq3A_1487 = vector.broadcast %eq3A_1486 : i32 to vector<16xi32>
    %eq3A_1488 = arith.cmpi eq, %iota3A_1379, %eq3A_1487 : vector<16xi32>
    %get3A_1489 = arith.constant 13 : i32
    %get3A_1490 = arith.index_cast %get3A_1489 : i32 to index
    %get3A_1491 = memref.load %arg17[%get3A_1490] : memref<16xf32, #tpu.memory_space<smem>>
    %broadcast_in_dim3A_1492 = vector.broadcast %get3A_1491 : f32 to vector<16xf32>
    %select_n3A_1493 = arith.select %eq3A_1488, %broadcast_in_dim3A_1492, %select_n3A_1485 : vector<16xi1>, vector<16xf32>
    %eq3A_1494 = arith.constant 14 : i32
    %eq3A_1495 = vector.broadcast %eq3A_1494 : i32 to vector<16xi32>
    %eq3A_1496 = arith.cmpi eq, %iota3A_1379, %eq3A_1495 : vector<16xi32>
    %get3A_1497 = arith.constant 14 : i32
    %get3A_1498 = arith.index_cast %get3A_1497 : i32 to index
    %get3A_1499 = memref.load %arg17[%get3A_1498] : memref<16xf32, #tpu.memory_space<smem>>
    %broadcast_in_dim3A_1500 = vector.broadcast %get3A_1499 : f32 to vector<16xf32>
    %select_n3A_1501 = arith.select %eq3A_1496, %broadcast_in_dim3A_1500, %select_n3A_1493 : vector<16xi1>, vector<16xf32>
    %eq3A_1502 = arith.constant 15 : i32
    %eq3A_1503 = vector.broadcast %eq3A_1502 : i32 to vector<16xi32>
    %eq3A_1504 = arith.cmpi eq, %iota3A_1379, %eq3A_1503 : vector<16xi32>
    %get3A_1505 = arith.constant 15 : i32
    %get3A_1506 = arith.index_cast %get3A_1505 : i32 to index
    %get3A_1507 = memref.load %arg17[%get3A_1506] : memref<16xf32, #tpu.memory_space<smem>>
    %broadcast_in_dim3A_1508 = vector.broadcast %get3A_1507 : f32 to vector<16xf32>
    %select_n3A_1509 = arith.select %eq3A_1504, %broadcast_in_dim3A_1508, %select_n3A_1501 : vector<16xi1>, vector<16xf32>
    %swap3A_1510 = arith.constant 0 : index
    %swap3A_1511 = tpu.vector_load %arg14[%swap3A_1510] {strides = array<i32>} : memref<16xf32, #tpu.memory_space<vmem>>, vector<16xf32>,
    %swap3A_1512 = vector.shape_cast %swap3A_1511 : vector<16xf32> to vector<16xf32>
    %swap3A_1513 = vector.shape_cast %select_n3A_1509 : vector<16xf32> to vector<16xf32>
    tpu.vector_store %arg14[%swap3A_1510], %swap3A_1513 {strides = array<i32>} : memref<16xf32, #tpu.memory_space<vmem>>, vector<16xf32>,
    %mul3A_1514 = arith.constant 128 : i32
    %mul3A_1515 = arith.muli %add3A, %mul3A_1514 : i32
    "tpu.region"() ({
      %run_scoped3A = tpu.sem_alloc : memref<!tpu.dma_semaphore, #tpu.memory_space<semaphore_mem>>
      %dma_start3A_1518 = tpu.memref_slice %arg5[%mul3A_1515] : memref<4096xf32, #tpu.memory_space<hbm>> -> memref<128xf32, #tpu.memory_space<hbm>>
      %dma_start3A_1519 = tpu.memref_slice %arg5[%mul3A_1515] : memref<4096xf32, #tpu.memory_space<hbm>> -> memref<128xf32, #tpu.memory_space<hbm>>
      tpu.enqueue_dma source(%arg13 : memref<128xf32, #tpu.memory_space<vmem>>) target(%dma_start3A_1519 : memref<128xf32, #tpu.memory_space<hbm>>) target_semaphore(%run_scoped3A : memref<!tpu.dma_semaphore, #tpu.memory_space<semaphore_mem>>)
      %dma_wait3A_1520 = tpu.memref_slice %arg5[%mul3A_1515] : memref<4096xf32, #tpu.memory_space<hbm>> -> memref<128xf32, #tpu.memory_space<hbm>>
      %dma_wait3A_1521 = tpu.memref_slice %arg5[%mul3A_1515] : memref<4096xf32, #tpu.memory_space<hbm>> -> memref<128xf32, #tpu.memory_space<hbm>>
      tpu.wait_dma2 semaphore(%run_scoped3A : memref<!tpu.dma_semaphore, #tpu.memory_space<semaphore_mem>>) src(%arg13 : memref<128xf32, #tpu.memory_space<vmem>>) dst(%dma_wait3A_1521 : memref<128xf32, #tpu.memory_space<hbm>>)
      tpu.yield
    }) : () -> ()
    %mul3A_1516 = arith.constant 16 : i32
    %mul3A_1517 = arith.muli %add3A, %mul3A_1516 : i32
    "tpu.region"() ({
      %run_scoped3A = tpu.sem_alloc : memref<!tpu.dma_semaphore, #tpu.memory_space<semaphore_mem>>
      %dma_start3A_1518 = tpu.memref_slice %arg4[%mul3A_1517] : memref<512xf32, #tpu.memory_space<hbm>> -> memref<16xf32, #tpu.memory_space<hbm>>
      %dma_start3A_1519 = tpu.memref_slice %arg4[%mul3A_1517] : memref<512xf32, #tpu.memory_space<hbm>> -> memref<16xf32, #tpu.memory_space<hbm>>
      tpu.enqueue_dma source(%arg14 : memref<16xf32, #tpu.memory_space<vmem>>) target(%dma_start3A_1519 : memref<16xf32, #tpu.memory_space<hbm>>) target_semaphore(%run_scoped3A : memref<!tpu.dma_semaphore, #tpu.memory_space<semaphore_mem>>)
      %dma_wait3A_1520 = tpu.memref_slice %arg4[%mul3A_1517] : memref<512xf32, #tpu.memory_space<hbm>> -> memref<16xf32, #tpu.memory_space<hbm>>
      %dma_wait3A_1521 = tpu.memref_slice %arg4[%mul3A_1517] : memref<512xf32, #tpu.memory_space<hbm>> -> memref<16xf32, #tpu.memory_space<hbm>>
      tpu.wait_dma2 semaphore(%run_scoped3A : memref<!tpu.dma_semaphore, #tpu.memory_space<semaphore_mem>>) src(%arg14 : memref<16xf32, #tpu.memory_space<vmem>>) dst(%dma_wait3A_1521 : memref<16xf32, #tpu.memory_space<hbm>>)
      tpu.yield
    }) : () -> ()
    return
  }
}

module attributes {stable_mosaic.version = 14 : i64} {
  func.func @_combine_body(%arg0: memref<32x16xf32, #tpu.memory_space<vmem>>, %arg1: memref<32x128xf32, #tpu.memory_space<vmem>>, %arg2: memref<32x128xf32, #tpu.memory_space<vmem>>, %arg3: memref<32x131xf32, #tpu.memory_space<vmem>>) attributes {dimension_semantics = [], scalar_prefetch = 0 : i64, scratch_operands = 0 : i64, tpu.core_type = #tpu.core_type<tc>} {
    %get3A = arith.constant 0 : index
    %get3A_0 = arith.constant 0 : index
    %get3A_1 = vector.load %arg1[%get3A, %get3A_0] : memref<32x128xf32, #tpu.memory_space<vmem>>, vector<32x128xf32>
    %get3A_2 = arith.constant 0 : index
    %get3A_3 = arith.constant 0 : index
    %get3A_4 = vector.load %arg2[%get3A_2, %get3A_3] : memref<32x128xf32, #tpu.memory_space<vmem>>, vector<32x128xf32>
    %max3A = arith.maximumf %get3A_1, %get3A_4 : vector<32x128xf32>
    %get3A_5 = arith.constant 0 : index
    %get3A_6 = arith.constant 0 : index
    %get3A_7 = vector.load %arg0[%get3A_5, %get3A_6] : memref<32x16xf32, #tpu.memory_space<vmem>>, vector<32x3xf32>
    %concatenate3A = tpu.concatenate %get3A_7, %max3A in 1 : vector<32x3xf32>, vector<32x128xf32> -> vector<32x131xf32>
    %swap3A = arith.constant 0 : index
    %swap3A_8 = arith.constant 0 : index
    %swap3A_9 = vector.load %arg3[%swap3A, %swap3A_8] : memref<32x131xf32, #tpu.memory_space<vmem>>, vector<32x131xf32>
    tpu.vector_store %arg3[%swap3A, %swap3A_8], %concatenate3A {strides = array<i32>} : memref<32x131xf32, #tpu.memory_space<vmem>>, vector<32x131xf32>,
    return
  }
}

</mosaic_0001>

<sc_bundles>
// kernel: kernel.4.cloned.1.call-start
scs
__scs_entry_jumppad:
0x0: {  	(pc) =	sbr.rel $0x88, $3  }
0x1: {  	(tag) =	ssettag $0x0;
	lr =	simm.s32 $0x1  }
0x2: {  	[smem:$0x3F9F] =	sst lr;
	_ =	strace $0xD0000000  }
0x3: {  	_ = 	snop  }
0x4: {  	_ = 	snop  }
0x5: {  	_ = 	snop  }
0x6: {  	_ = 	snop  }
0x7: {  	_ = 	snop  }
__scs_overlays_trampoline_lowered:
0x8: {  	[smem:$0x3FAE] =	sst s0  }
0x9: {  	[smem:$0x3FAF] =	sst s1  }
0xa: {  	[smem:$0x3FB0] =	sst s2  }
0xb: {  	[smem:$0x3FB1] =	sst s3  }
0xc: {  	[smem:$0x3FB2] =	sst s4  }
0xd: {  	[smem:$0x3FB3] =	sst s5  }
0xe: {  	[smem:$0x3FB4] =	sst s6  }
0xf: {  	[smem:$0x3FB5] =	sst s7  }
0x10: {  	[smem:$0x3FB6] =	sst s8  }
0x11: {  	[smem:$0x3FB7] =	sst s9;
	s0 =	simm.s32 @!p0 $0x0  }
0x12: {  	s1 =	sld [smem:$0x3F9D];
	s0 =	simm.s32 @p0 $0x1  }
0x13: {  	[smem:$0x3FB8] =	sst s0;
	s0 =	simm.s32 @!p1 $0x0  }
0x14: {  	s2 =	sld [smem:$0x3F9C];
	s0 =	simm.s32 @p1 $0x1  }
0x15: {  	[smem:$0x3FB9] =	sst s0;
	s0 =	simm.s32 @!p2 $0x0  }
0x16: {  	s3 =	sld [smem:$0x3FDB];
	s0 =	simm.s32 @p2 $0x1  }
0x17: {  	s4 =	simm.s32 $0x1BF5;
	[smem:$0x3FBB] =	sst s0  }
0x18: {  	s0 =	sld [smem:$0x3F9E];
	_ =	swait.ge [sflag:s4], $0x0  }
0x19: {  	s7 =	sld [smem:$0x3F9F]  }
0x1a: {  	s8 =	sadd.s32 $0xFFFFE003, lr  }
0x1b: {  	s9 =	sadd.s32 $0xFFFFFEF7, lr;
	s5 =	simm.s32 $0xFFFFFFFF;
	p2 =	slt.u32 s8, $0xFFFFF086  }
0x1c: {  	p1 =	slt.u32 s9, $0xF7A;
	s5 =	simm.s32 @!p2 $0x0  }
0x1d: {  	s5 =	simm.s32 @p1 $0x1;
	p0 =	seq.s32 s7, s2  }
0x1e: {  	s7 =	smul.u32 @!p0 $0xF7A, s2;
	p2 =	seq.s32 @!p0 s5, $0x0  }
0x1f: {  	s9 =	smul.u32 $0xF7A, s1;
	s8 =	simm.s32 @!p0 $0x1BF5;
	p2 =	por !p2, p0  }
0x20: {  	[sflag:s8] =	ssyncset.s32 @!p0 $0xFFFFF086;
	s6 =	sadd.s32 @!p0 s3, s7;
	s7 =	simm.s32 @!p0 $0x108  }
0x21: {  	s3 =	sadd.s32 s3, s9;
	s6 =	sadd.s32 @!p0 $0x88, s6;
	s7 =	simm.s32 @p2 $0x1082  }
0x22: {  	[simem:s7], [sflag:s8] =	dma.local @!p0 [hbm:s6], $0xF7A  }
0x23: {  	s9 =	sor.u32 $0xD0000000, s2;
	s6 =	simm.s32 $0x108;
	_ =	swait.ge @!p0 [sflag:s8], $0x0  }
0x24: {  	s3 =	sadd.s32 $0x88, s3;
	s6 =	simm.s32 @!p1 $0x1082;
	[sflag:s4] =	ssyncset.s32 $0xFFFFF086  }
0x25: {  	[simem:s6], [sflag:s4] =	dma.local [hbm:s3], $0xF7A  }
0x26: {  	[smem:$0x3F9F] =	sst s1;
	(tag) =	ssettag s2;
	_ =	strace s9  }
0x27: {  	s1 =	sld [smem:$0x3FAF]  }
0x28: {  	s2 =	sld [smem:$0x3FB0]  }
0x29: {  	s4 =	sld [smem:$0x3FB2]  }
0x2a: {  	p0 =	seq.s32 s5, $0x0;
	s5 =	sld [smem:$0x3FB3]  }
0x2b: {  	s6 =	sld [smem:$0x3FB4]  }
0x2c: {  	s7 =	sld [smem:$0x3FB5]  }
0x2d: {  	s3 =	simm.s32 $0x108;
	s8 =	sld [smem:$0x3FB6]  }
0x2e: {  	s3 =	simm.s32 @!p0 $0x1082;
	s9 =	sld [smem:$0x3FB7]  }
0x2f: {  	lr =	sadd.s32 s0, s3;
	s0 =	sld [smem:$0x3FAE]  }
0x30: {  	s3 =	sld [smem:$0x3FB1]  }
0x31: {  	[smem:$0x3FBA] =	sst s10  }
0x32: {  	s10 =	sld [smem:$0x3FB8];
	_ =	sdelay $0x3  }
0x33: {  	p0 =	seq.s32 s10, $0x1;
	s10 =	sld [smem:$0x3FBA];
	_ =	sdelay $0x3  }
0x34: {  	[smem:$0x3FBA] =	sst s10  }
0x35: {  	s10 =	sld [smem:$0x3FB9];
	_ =	sdelay $0x3  }
0x36: {  	p1 =	seq.s32 s10, $0x1;
	s10 =	sld [smem:$0x3FBA];
	_ =	sdelay $0x3  }
0x37: {  	[smem:$0x3FBA] =	sst s10  }
0x38: {  	s10 =	sld [smem:$0x3FBB]  }
0x39: {  	_ = 	snop;
	(pc) =	sbr.ind lr, $3  }
0x3a: {  	_ = 	snop  }
0x3b: {  	_ = 	snop  }
0x3c: {  	p2 =	seq.s32 s10, $0x1;
	s10 =	sld [smem:$0x3FBA]  }
0x3d: {  	_ =	shalt  }
0x3e: {  	_ =	shalt  }
0x3f: {  	_ =	shalt  }
0x40: {  	_ =	shalt  }
0x41: {  	_ =	shalt  }
0x42: {  	_ =	shalt  }
0x43: {  	_ =	shalt  }
0x44: {  	_ =	shalt  }
0x45: {  	_ =	shalt  }
0x46: {  	_ =	shalt  }
0x47: {  	_ =	shalt  }
0x48: {  	_ =	shalt  }
0x49: {  	_ =	shalt  }
0x4a: {  	_ =	shalt  }
0x4b: {  	_ =	shalt  }
0x4c: {  	_ =	shalt  }
0x4d: {  	_ =	shalt  }
0x4e: {  	_ =	shalt  }
0x4f: {  	_ =	shalt  }
0x50: {  	_ =	shalt  }
0x51: {  	_ =	shalt  }
0x52: {  	_ =	shalt  }
0x53: {  	_ =	shalt  }
0x54: {  	_ =	shalt  }
0x55: {  	_ =	shalt  }
0x56: {  	_ =	shalt  }
0x57: {  	_ =	shalt  }
0x58: {  	_ =	shalt  }
0x59: {  	_ =	shalt  }
0x5a: {  	_ =	shalt  }
0x5b: {  	_ =	shalt  }
0x5c: {  	_ =	shalt  }
0x5d: {  	_ =	shalt  }
0x5e: {  	_ =	shalt  }
0x5f: {  	_ =	shalt  }
0x60: {  	_ =	shalt  }
0x61: {  	_ =	shalt  }
0x62: {  	_ =	shalt  }
0x63: {  	_ =	shalt  }
0x64: {  	_ =	shalt  }
0x65: {  	_ =	shalt  }
0x66: {  	_ =	shalt  }
0x67: {  	_ =	shalt  }
0x68: {  	_ =	shalt  }
0x69: {  	_ =	shalt  }
0x6a: {  	_ =	shalt  }
0x6b: {  	_ =	shalt  }
0x6c: {  	_ =	shalt  }
0x6d: {  	_ =	shalt  }
0x6e: {  	_ =	shalt  }
0x6f: {  	_ =	shalt  }
0x70: {  	_ =	shalt  }
0x71: {  	_ =	shalt  }
0x72: {  	_ =	shalt  }
0x73: {  	_ =	shalt  }
0x74: {  	_ =	shalt  }
0x75: {  	_ =	shalt  }
0x76: {  	_ =	shalt  }
0x77: {  	_ =	shalt  }
0x78: {  	_ =	shalt  }
0x79: {  	_ =	shalt  }
0x7a: {  	_ =	shalt  }
0x7b: {  	_ =	shalt  }
0x7c: {  	_ =	shalt  }
0x7d: {  	_ =	shalt  }
0x7e: {  	_ =	shalt  }
0x7f: {  	_ =	shalt  }
0x80: {  	_ =	shalt  }
0x81: {  	_ =	shalt  }
0x82: {  	_ =	shalt  }
0x83: {  	_ =	shalt  }
0x84: {  	_ =	shalt  }
0x85: {  	_ =	shalt  }
0x86: {  	_ =	shalt  }
0x87: {  	_ =	shalt  }
.Lfunc_end0:
.L_simem_size_0:
called_computation_lowered:
.L_overlay_start_0:
0x88: {  	s2 =	sld [smem:$0x3FD9]  }
0x89: {  	s3 =	sld [smem:$0x3FFE];
	_ =	sdelay $0x1  }
0x8a: {  	s1 =	srdreg.scid  }
0x8b: {  	s0 =	sand.u32 $0x1, s1  }
0x8c: {  	s14 =	sshll.u32 s0, $0xA;
	s2 =	sadd.s32 s3, s2  }
0x8d: {  	s2 =	sadd.s32 s2, s14  }
0x8e: {  	[smem:$0x3FC6] =	sst s2  }
0x8f: {  	_ = 	snop  }
0x90: {  	s2 =	sld [smem:$0x3FD0];
	_ =	sdelay $0x2  }
0x91: {  	s4 =	simm.s32 $0xA;
	s5 =	simm.s32 $0x10;
	s15 =	sld [smem:$0x3FC8]  }
0x92: {  	[smem:s5], [sflag:s4] =	dma.local [hbm:s2], $0x1  }
0x93: {  	_ =	swait.eq [sflag:s4], $0x1  }
0x94: {  	[sflag:s4] =	ssyncset.done $0x0  }
0x95: {  	[sflag:s4] =	ssyncadd.s32 $0xFFFFFFFF  }
0x96: {  	s16 =	sld [smem:$0x11];
	(tm) =	ssettm $0x1  }
0x97: {  	s17 =	sld [smem:$0x3FFB];
	_ =	sdelay $0x3  }
0x98: {  	_ =	strace s17  }
0x99: {  	s4 =	sld [smem:$0x3FFC];
	_ =	sdelay $0x3  }
0x9a: {  	_ =	strace s4  }
0x9b: {  	s4 =	sld [smem:$0x3FFD];
	_ =	sdelay $0x3  }
0x9c: {  	_ =	strace s4  }
0x9d: {  	_ =	strace $0x8FFFFFFF  }
0x9e: {  	s18 =	sld [smem:$0x3FDB];
	_ =	sdelay $0x1  }
0x9f: {  	s19 =	simm.s32 $_scs_section_size  }
0xa0: {  	s6 =	simm.s32 $_size__tile_overlayer_lowered;
	s7 =	simm.s32 $_tile_overlayer_lowered  }
0xa1: {  	s22 =	simm.s32 $0x1BFF;
	s21 =	sshll.u32 s7, $0x1;
	s4 =	sadd.s32 s19, s18  }
0xa2: {  	s8 =	simm.s32 $0x0;
	s20 =	sshll.u32 s6, $0x1;
	s6 =	sadd.s32 s21, s4  }
0xa3: {  	[timem:s8], [sflag:s22] =	dma.local [hbm:s6], s20  }
0xa4: {  	_ =	swait.ge [sflag:s22], s20  }
0xa5: {  	s5 =	ssub.s32 $0x0, s20;
	[sflag:s22] =	ssyncset.done $0x0  }
0xa6: {  	[sflag:s22] =	ssyncadd.s32 s5;
	_ =	sdelay $0x1  }
0xa7: {  	s23 =	simm.s32 $0x1B8B  }
0xa8: {  	_ =	swait.ge [sflag:s23], $0x1  }
0xa9: {  	[sflag:s23] =	ssyncset.done $0x0  }
0xaa: {  	s25 =	simm.s32 $0x1B8E;
	s24 =	sld [smem:$0x3FFE];
	[sflag:s23] =	ssyncadd.s32 $0xFFFFFFFF  }
0xab: {  	s26 =	simm.s32 $execute0_lowered;
	[smem:$0x3FD2] =	sst s25  }
0xac: {  	s6 =	sshll.u32 s26, $0x1;
	_ =	strace $0x80000046;
	[dreg:$0x1] =	wrdreg $0xFFFFFFFF  }
0xad: {  	s28 =	simm.s32 $_size_execute0_lowered;
	s4 =	sadd.s32 s4, s6;
	[dreg:$0x0] =	wrdreg $0x0  }
0xae: {  	s6 =	sshll.u32 s28, $0x1;
	[dreg:$0x2] =	wrdreg s4  }
0xaf: {  	[dreg:$0x3] =	wrdreg s6  }
0xb0: {  	[dreg:$0x4] =	wrdreg $0xC0  }
0xb1: {  	_ =	task [dreg:s8], $0x5FFFF  }
0xb2: {  	[dreg:$0x1] =	wrdreg $0xFFFFFFFF  }
0xb3: {  	[dreg:$0x0] =	wrdreg $0x60  }
0xb4: {  	[dreg:$0x2] =	wrdreg s24  }
0xb5: {  	[dreg:$0x3] =	wrdreg s15  }
0xb6: {  	[dreg:$0x4] =	wrdreg s16  }
0xb7: {  	[dreg:$0x5] =	wrdreg $0x9  }
0xb8: {  	_ =	task.clear_ibuf [dreg:s8], $0x6FFFF;
	_ =	strace $0x90000046  }
0xb9: {  	s29 =	simm.s32 $0x9;
	_ =	strace $0x80000048  }
0xba: {  	_ =	swait.ge [sflag:s29], $0x1  }
0xbb: {  	[sflag:s29] =	ssyncadd.s32 $0xFFFFFFFF  }
0xbc: {  	_ =	strace $0x90000048  }
0xbd: {  	_ =	sfence  }
0xbe: {  	s30 =	sld [smem:$0x0];
	_ =	sdelay $0x2  }
0xbf: {  	s31 =	sshll.u32 s1, $0xD;
	s1 =	sshrl.u32 s1, $0x2  }
0xc0: {  	s3 =	sand.u32 $0x4000, s31;
	s1 =	sadd.s32 s1, s30  }
0xc1: {  	s0 =	sor.u32 s3, s0;
	s1 =	sshll.u32 s1, $0x11  }
0xc2: {  	s0 =	sor.u32 s1, s0  }
0xc3: {  	s0 =	sadd.s32 $0x8F2B, s0  }
0xc4: {  	[sflag:s0] =	ssyncadd.remote.s32 $0x1  }
0xc5: {  	_ =	sfence.sel $0xFFFF  }
0xc6: {  	[dreg:$0x0] =	wrdreg $0xFFFFFFFF;
	(pc) =	sbr.abs _section_cstart, $3  }
0xc7: {  	[dreg:$0x1] =	wrdreg $0xFFFFFFFF  }
0xc8: {  	_ =	task.clear_ibuf [dreg:s8], $0x2FFFF;
	_ =	strace $0x9FFFFFFF  }
0xc9: {  	(tm) =	ssettm $0x7FFFFFFF  }
tec
execute0_lowered:
.L_overlay_start_1:
0x0: {  	(tag) =	ssettag $0x1  }
0x1: {  	s0 =	rddreg [dreg:$0x0]  }
0x2: {  	s3 =	srdreg.scid;
	s4 =	stileid.u32  }
0x3: {  	s2 =	rddreg [dreg:$0x1];
	s3 =	sand.u32 $0x1, s3;
	s4 =	sshll.u32 s4, $0x1  }
0x4: {  	s1 =	rddreg [dreg:$0x2];
	s9 =	simm.s32 $0x0;
	s4 =	sor.u32 s3, s4  }
0x5: {  	[smem:$0x7FF] =	sst s9;
	s5 =	sshll.u32 s4, $0xD;
	s6 =	sshll.u32 s4, $0x1  }
0x6: {  	s23 =	sshll.u32 s4, $0x12;
	s8 =	sshll.u32 s4, $0x15;
	s4 =	sshll.u32 s4, $0x4  }
0x7: {  	s5 =	sadd.s32 s5, s0;
	s0 =	sadd.s32 s6, s0;
	s6 =	sadd.s32 s2, s23  }
0x8: {  	_ =	strace $0x80000047;
	s1 =	sadd.s32 s1, s4;
	[dreg:$0x6] =	wrdreg s6  }
0x9: {  	s24 =	sadd.s32 $0x600, s5;
	[dreg:$0xb] =	wrdreg s1  }
0xa: {  	s25 =	sadd.s32 $0x610, s5;
	[dreg:$0x4] =	wrdreg s24  }
0xb: {  	s15 =	simm.s32 $0x80;
	s5 =	sadd.s32 $0x620, s5;
	[dreg:$0x5] =	wrdreg s25  }
0xc: {  	v0 =	vimm.f32 $-Inf;
	vm0 =	vcmask $0x300;
	vm1 =	vcmask $0x704;
	s28 =	simm.s32 $0x4;
	s26 =	sadd.s32 $0x10, s6;
	[dreg:$0x7] =	wrdreg s5  }
0xd: {  	vm2 =	vcmask $0xB08;
	vm3 =	vcmask $0xF0C;
	vm4 =	vcmask $0x1310;
	s3 =	ssub.s32 $0x2, s3;
	s29 =	sadd.s32 $0x20, s6;
	[dreg:$0x8] =	wrdreg s26  }
0xe: {  	vm5 =	vcmask $0x1714;
	vm6 =	vcmask $0x1B18;
	vm7 =	vcmask $0x1F1C;
	s7 =	sshrl.u32 s3, $0x1;
	s30 =	sadd.s32 $0x30, s6;
	[dreg:$0x9] =	wrdreg s29  }
0xf: {  	vm8 =	vcmask $0x2320;
	vm9 =	vcmask $0x2724;
	vm10 =	vcmask $0x2B28;
	s3 =	ssub.s32 s3, s7;
	s0 =	sadd.s32 $0x40600, s0;
	[dreg:$0xa] =	wrdreg s30  }
0x10: {  	vm11 =	vcmask $0x2F2C;
	vm15 =	vmmov $0x1;
	v1 =	vimm.s32 $0x0;
	s31 =	smax.u32 s3, $0x1;
	s6 =	simm.s32 $0x6000;
	[dreg:$0xc] =	wrdreg s0  }
0x11: {  	vm12 =	vcmask $0x3330;
	vm13 =	vcmask $0x3734;
	v1 =	vsel vm15, $0xFFFFFFFF, v1;
	s3 =	simm.s32 $0x0;
	[dreg:$0xd] =	wrdreg s31;
	s5 =	simm.s32 $0x400  }
0x12: {  	vm14 =	vcmask $0x3B38;
	v2 =	vlaneseq.u32;
	[tilespmem:$0x1FFF0] =	vst v1;
	v1 =	vimm.s32 $0x0;
	s24 =	simm.s32 $0x1;
	s25 =	simm.s32 $0x2;
	s26 =	simm.s32 $0x3  }
.LBB2_1:
0x13: {  	[dreg:$0xe] =	wrdreg s3  }
0x14: {  	[tilespmem:$0x14110] =	vst v0;
	s0 =	rddreg [dreg:$0x4];
	s1 =	simm.s32 $0x200;
	s16 =	simm.s32 $0x8000  }
0x15: {  	[tilespmem:s16], [sflag:$0x5] =	stream.strided.gather [hbm4b:s0+s15], $0x4000, s1, s15, $0x38;
	[tilespmem:$0x14180] =	vst v63  }
0x16: {  	s17 =	rddreg [dreg:$0x5];
	s18 =	simm.s32 $0xC000  }
0x17: {  	[tilespmem:s18], [sflag:$0x5] =	stream.strided.gather [hbm4b:s17+s15], $0x4000, s1, s15, $0x38;
	[tilespmem:$0x14180] =	vst v63  }
0x18: {  	s19 =	rddreg [dreg:$0x7];
	s20 =	simm.s32 $0x10000  }
0x19: {  	[tilespmem:s20], [sflag:$0x5] =	stream.strided.gather [hbm4b:s19+s15], $0x4000, s1, s15, $0x38;
	[tilespmem:$0x14180] =	vst v63  }
0x1a: {  	s21 =	rddreg [dreg:$0x6]  }
0x1b: {  	[tilespmem:s9], [sflag:$0x1] =	stream.strided.gather [hbm4b:s21+s15], $0x2000, s5, s15, $0x38;
	[tilespmem:$0x14180] =	vst v63  }
0x1c: {  	s22 =	rddreg [dreg:$0x8];
	s23 =	simm.s32 $0x2000  }
0x1d: {  	[tilespmem:s23], [sflag:$0x2] =	stream.strided.gather [hbm4b:s22+s15], $0x2000, s5, s15, $0x38;
	[tilespmem:$0x14180] =	vst v63  }
0x1e: {  	s29 =	rddreg [dreg:$0x9];
	s30 =	simm.s32 $0x4000  }
0x1f: {  	[tilespmem:s30], [sflag:$0x3] =	stream.strided.gather [hbm4b:s29+s15], $0x2000, s5, s15, $0x38;
	[tilespmem:$0x14180] =	vst v63  }
0x20: {  	s31 =	rddreg [dreg:$0xa];
	s17 =	simm.s32 $0x0  }
0x21: {  	[tilespmem:s6], [sflag:$0x4] =	stream.strided.gather [hbm4b:s31+s15], $0x2000, s5, s15, $0x38;
	[tilespmem:$0x14180] =	vst v63  }
.LBB2_2:
0x22: {  	_ =	swait.ge [sflag:s24], $0x2000  }
0x23: {  	[sflag:s24] =	ssyncset.done $0x0  }
0x24: {  	s0 =	simm.s32 $0x0;
	[sflag:s24] =	ssyncadd.s32 $0xFFFFE000  }
0x25: {  	v12 =	vld [tilespmem:s0+$0x40]  }
0x26: {  	v4 =	vld [tilespmem:s0+$0x50]  }
0x27: {  	v3 =	vld [tilespmem:s0+$0x60]  }
0x28: {  	v7 =	vld [tilespmem:s0+$0x0]  }
0x29: {  	v5 =	vimm.f32 $-Inf;
	v6 =	vld [tilespmem:s0+$0x10]  }
0x2a: {  	s1 =	simm.s32 $0x200;
	v8 =	vimm.f32 $-Inf;
	v9 =	vimm.f32 $-Inf;
	v11 =	vimm.f32 $-Inf;
	v10 =	vld [tilespmem:s0+$0x20]  }
.LBB2_3:
0x2b: {  	p0 =	sne.s32 s1, $0x7E00;
	v13 =	vld [tilespmem:s0+$0x30];
	v14 =	vmov v4  }
0x2c: {  	v15 =	vld [tilespmem:s0+$0x70];
	s0 =	sshra.s32 s1, $0x2;
	v16 =	vmov v3  }
0x2d: {  	v17 =	vld [tilespmem:s0+$0x40]  }
.Ltmp0:
0x2e: {  	v5 =	vmax.f32 v5, v7;
	v4 =	vld [tilespmem:s0+$0x50];
	(pc) =	sbr.rel @p0 .LBB2_3-.Ltmp0, $4  }
0x2f: {  	v5 =	vmax.f32 v5, v12;
	v3 =	vld [tilespmem:s0+$0x60]  }
0x30: {  	v8 =	vmax.f32 v8, v6;
	v9 =	vmax.f32 v9, v10;
	v7 =	vld [tilespmem:s0+$0x0];
	v10 =	vmax.f32 v11, v13  }
0x31: {  	v8 =	vmax.f32 v8, v14;
	v9 =	vmax.f32 v9, v16;
	v6 =	vld [tilespmem:s0+$0x10];
	v11 =	vmax.f32 v10, v15  }
0x32: {  	s1 =	sadd.s32 $0x200, s1;
	v10 =	vld [tilespmem:s0+$0x20];
	v12 =	vmov v17  }
0x33: {  	v13 =	vld [tilespmem:s0+$0x30]  }
0x34: {  	v14 =	vld [tilespmem:s0+$0x70];
	_ =	sdelay $0x1  }
0x35: {  	v5 =	vmax.f32 v5, v7  }
0x36: {  	v5 =	vmax.f32 v5, v12  }
0x37: {  	v6 =	vmax.f32 v8, v6;
	v7 =	vmax.f32 v9, v10;
	v8 =	vmax.f32 v11, v13  }
0x38: {  	v4 =	vmax.f32 v6, v4;
	v3 =	vmax.f32 v7, v3;
	v6 =	vmax.f32 v8, v14  }
0x39: {  	v4 =	vmax.f32 v5, v4;
	v3 =	vmax.f32 v3, v6  }
0x3a: {  	v3 =	vmax.f32 v4, v3  }
0x3b: {  	[tilespmem:$0x14100] =	vst v3  }
0x3c: {  	v4 =	vld [tilespmem:$0x14108];
	_ =	sdelay $0x4  }
0x3d: {  	v3 =	vmax.f32 v3, v4  }
0x3e: {  	[tilespmem:$0x14100] =	vst v3  }
0x3f: {  	v4 =	vld [tilespmem:$0x14104];
	_ =	sdelay $0x4  }
0x40: {  	v3 =	vmax.f32 v3, v4  }
0x41: {  	[tilespmem:$0x14100] =	vst v3  }
0x42: {  	v4 =	vld [tilespmem:$0x14102];
	_ =	sdelay $0x4  }
0x43: {  	v3 =	vmax.f32 v3, v4  }
0x44: {  	[tilespmem:$0x14100] =	vst v3  }
0x45: {  	v4 =	vld [tilespmem:$0x14101];
	_ =	sdelay $0x4  }
0x46: {  	v3 =	vmax.f32 v3, v4  }
0x47: {  	(v2sf) =	vpush v3, $0x0;
	_ =	sdelay $0x5  }
0x48: {  	s18 =	sshll.u32 s17, $0x2;
	p0 =	seq.s32 s17, $0x1F  }
0x49: {  	s0 =	sadd.s32 @!p0 $0x4, s18  }
0x4a: {  	s1 =	sshll.u32 @!p0 s0, $0xE  }
0x4b: {  	s0 =	sshll.u32 @!p0 s0, $0x7;
	s1 =	sand.u32 @!p0 $0x3E0000, s1  }
0x4c: {  	s0 =	sand.u32 @!p0 $0x200, s0;
	s1 =	sadd.s32 @!p0 s8, s1  }
0x4d: {  	s0 =	sor.u32 @!p0 s0, s1  }
0x4e: {  	s3 =	simm.s32 @!p0 $0x400;
	s0 =	sshrl.u32 @!p0 s0, $0x3  }
0x4f: {  	s4 =	simm.s32 @!p0 $0x0;
	s1 =	simm.s32 @!p0 $0x80;
	s0 =	sadd.s32 @!p0 s2, s0  }
0x50: {  	[tilespmem:s4], [sflag:$0x1] =	stream.strided.gather @!p0 [hbm4b:s0+s1], $0x2000, s3, s1, $0x38;
	[tilespmem:$0x14180] =	vst v63  }
0x51: {  	s31 =	spop (v2sf)  }
0x52: {  	[smem:s18] =	sst s31  }
0x53: {  	_ =	swait.ge [sflag:s25], $0x2000  }
0x54: {  	[sflag:s25] =	ssyncset.done $0x0  }
0x55: {  	s0 =	simm.s32 $0x0;
	[sflag:s25] =	ssyncadd.s32 $0xFFFFE000  }
0x56: {  	v12 =	vld [tilespmem:s0+$0x2040]  }
0x57: {  	v4 =	vld [tilespmem:s0+$0x2050]  }
0x58: {  	v3 =	vld [tilespmem:s0+$0x2060]  }
0x59: {  	v7 =	vld [tilespmem:s0+$0x2000]  }
0x5a: {  	v9 =	vimm.f32 $-Inf;
	v6 =	vld [tilespmem:s0+$0x2010]  }
0x5b: {  	v5 =	vimm.f32 $-Inf;
	v11 =	vimm.f32 $-Inf;
	v8 =	vimm.f32 $-Inf;
	s1 =	simm.s32 $0x200;
	v10 =	vld [tilespmem:s0+$0x2020]  }
.LBB2_5:
0x5c: {  	p1 =	sne.s32 s1, $0x7E00;
	v13 =	vld [tilespmem:s0+$0x2030];
	v14 =	vmov v4  }
0x5d: {  	v15 =	vld [tilespmem:s0+$0x2070];
	s0 =	sshra.s32 s1, $0x2;
	v16 =	vmov v3  }
0x5e: {  	v17 =	vld [tilespmem:s0+$0x2040]  }
.Ltmp1:
0x5f: {  	v5 =	vmax.f32 v5, v7;
	v4 =	vld [tilespmem:s0+$0x2050];
	(pc) =	sbr.rel @p1 .LBB2_5-.Ltmp1, $4  }
0x60: {  	v5 =	vmax.f32 v5, v12;
	v3 =	vld [tilespmem:s0+$0x2060]  }
0x61: {  	v8 =	vmax.f32 v8, v6;
	v9 =	vmax.f32 v9, v10;
	v7 =	vld [tilespmem:s0+$0x2000];
	v10 =	vmax.f32 v11, v13  }
0x62: {  	v8 =	vmax.f32 v8, v14;
	v9 =	vmax.f32 v9, v16;
	v6 =	vld [tilespmem:s0+$0x2010];
	v11 =	vmax.f32 v10, v15  }
0x63: {  	s1 =	sadd.s32 $0x200, s1;
	v10 =	vld [tilespmem:s0+$0x2020];
	v12 =	vmov v17  }
0x64: {  	v13 =	vld [tilespmem:s0+$0x2030]  }
0x65: {  	v14 =	vld [tilespmem:s0+$0x2070];
	_ =	sdelay $0x1  }
0x66: {  	v5 =	vmax.f32 v5, v7  }
0x67: {  	v5 =	vmax.f32 v5, v12  }
0x68: {  	v6 =	vmax.f32 v8, v6;
	v7 =	vmax.f32 v9, v10;
	v8 =	vmax.f32 v11, v13  }
0x69: {  	v4 =	vmax.f32 v6, v4;
	v3 =	vmax.f32 v7, v3;
	v6 =	vmax.f32 v8, v14  }
0x6a: {  	v4 =	vmax.f32 v5, v4;
	v3 =	vmax.f32 v3, v6  }
0x6b: {  	v3 =	vmax.f32 v4, v3  }
0x6c: {  	[tilespmem:$0x14100] =	vst v3  }
0x6d: {  	v4 =	vld [tilespmem:$0x14108];
	_ =	sdelay $0x4  }
0x6e: {  	v3 =	vmax.f32 v3, v4  }
0x6f: {  	[tilespmem:$0x14100] =	vst v3  }
0x70: {  	v4 =	vld [tilespmem:$0x14104];
	_ =	sdelay $0x4  }
0x71: {  	v3 =	vmax.f32 v3, v4  }
0x72: {  	[tilespmem:$0x14100] =	vst v3  }
0x73: {  	v4 =	vld [tilespmem:$0x14102];
	_ =	sdelay $0x4  }
0x74: {  	v3 =	vmax.f32 v3, v4  }
0x75: {  	[tilespmem:$0x14100] =	vst v3  }
0x76: {  	v4 =	vld [tilespmem:$0x14101];
	_ =	sdelay $0x4  }
0x77: {  	v3 =	vmax.f32 v3, v4  }
0x78: {  	(v2sf) =	vpush v3, $0x0;
	_ =	sdelay $0x9  }
0x79: {  	s0 =	sadd.s32 @!p0 $0x5, s18  }
0x7a: {  	s1 =	sshll.u32 @!p0 s0, $0xE  }
0x7b: {  	s0 =	sshll.u32 @!p0 s0, $0x7;
	s1 =	sand.u32 @!p0 $0x3E0000, s1  }
0x7c: {  	s0 =	sand.u32 @!p0 $0x280, s0;
	s1 =	sadd.s32 @!p0 s8, s1  }
0x7d: {  	s3 =	sadd.s32 $0x1, s18;
	s4 =	simm.s32 @!p0 $0x2000;
	s0 =	sor.u32 @!p0 s0, s1  }
0x7e: {  	s1 =	simm.s32 @!p0 $0x80;
	s0 =	sshrl.u32 @!p0 s0, $0x3;
	s31 =	spop (v2sf)  }
0x7f: {  	s0 =	sadd.s32 @!p0 s2, s0;
	[smem:s3] =	sst s31;
	s3 =	simm.s32 @!p0 $0x400  }
0x80: {  	[tilespmem:s4], [sflag:$0x2] =	stream.strided.gather @!p0 [hbm4b:s0+s1], $0x2000, s3, s1, $0x38;
	[tilespmem:$0x14180] =	vst v63  }
0x81: {  	_ =	swait.ge [sflag:s26], $0x2000  }
0x82: {  	[sflag:s26] =	ssyncset.done $0x0  }
0x83: {  	s0 =	simm.s32 $0x0;
	[sflag:s26] =	ssyncadd.s32 $0xFFFFE000  }
0x84: {  	v12 =	vld [tilespmem:s0+$0x4040]  }
0x85: {  	v4 =	vld [tilespmem:s0+$0x4050]  }
0x86: {  	v3 =	vld [tilespmem:s0+$0x4060]  }
0x87: {  	v7 =	vld [tilespmem:s0+$0x4000]  }
0x88: {  	v9 =	vimm.f32 $-Inf;
	v6 =	vld [tilespmem:s0+$0x4010]  }
0x89: {  	v5 =	vimm.f32 $-Inf;
	v11 =	vimm.f32 $-Inf;
	v8 =	vimm.f32 $-Inf;
	s1 =	simm.s32 $0x200;
	v10 =	vld [tilespmem:s0+$0x4020]  }
.LBB2_7:
0x8a: {  	p1 =	sne.s32 s1, $0x7E00;
	v13 =	vld [tilespmem:s0+$0x4030];
	v14 =	vmov v4  }
0x8b: {  	v15 =	vld [tilespmem:s0+$0x4070];
	s0 =	sshra.s32 s1, $0x2;
	v16 =	vmov v3  }
0x8c: {  	v17 =	vld [tilespmem:s0+$0x4040]  }
.Ltmp2:
0x8d: {  	v5 =	vmax.f32 v5, v7;
	v4 =	vld [tilespmem:s0+$0x4050];
	(pc) =	sbr.rel @p1 .LBB2_7-.Ltmp2, $4  }
0x8e: {  	v5 =	vmax.f32 v5, v12;
	v3 =	vld [tilespmem:s0+$0x4060]  }
0x8f: {  	v8 =	vmax.f32 v8, v6;
	v9 =	vmax.f32 v9, v10;
	v7 =	vld [tilespmem:s0+$0x4000];
	v10 =	vmax.f32 v11, v13  }
0x90: {  	v8 =	vmax.f32 v8, v14;
	v9 =	vmax.f32 v9, v16;
	v6 =	vld [tilespmem:s0+$0x4010];
	v11 =	vmax.f32 v10, v15  }
0x91: {  	s1 =	sadd.s32 $0x200, s1;
	v10 =	vld [tilespmem:s0+$0x4020];
	v12 =	vmov v17  }
0x92: {  	v13 =	vld [tilespmem:s0+$0x4030]  }
0x93: {  	v14 =	vld [tilespmem:s0+$0x4070];
	_ =	sdelay $0x1  }
0x94: {  	v5 =	vmax.f32 v5, v7  }
0x95: {  	v5 =	vmax.f32 v5, v12  }
0x96: {  	v6 =	vmax.f32 v8, v6;
	v7 =	vmax.f32 v9, v10;
	v8 =	vmax.f32 v11, v13  }
0x97: {  	v4 =	vmax.f32 v6, v4;
	v3 =	vmax.f32 v7, v3;
	v6 =	vmax.f32 v8, v14  }
0x98: {  	v4 =	vmax.f32 v5, v4;
	v3 =	vmax.f32 v3, v6  }
0x99: {  	v3 =	vmax.f32 v4, v3  }
0x9a: {  	[tilespmem:$0x14100] =	vst v3  }
0x9b: {  	v4 =	vld [tilespmem:$0x14108];
	_ =	sdelay $0x4  }
0x9c: {  	v3 =	vmax.f32 v3, v4  }
0x9d: {  	[tilespmem:$0x14100] =	vst v3  }
0x9e: {  	v4 =	vld [tilespmem:$0x14104];
	_ =	sdelay $0x4  }
0x9f: {  	v3 =	vmax.f32 v3, v4  }
0xa0: {  	[tilespmem:$0x14100] =	vst v3  }
0xa1: {  	v4 =	vld [tilespmem:$0x14102];
	_ =	sdelay $0x4  }
0xa2: {  	v3 =	vmax.f32 v3, v4  }
0xa3: {  	[tilespmem:$0x14100] =	vst v3  }
0xa4: {  	v4 =	vld [tilespmem:$0x14101];
	_ =	sdelay $0x4  }
0xa5: {  	v3 =	vmax.f32 v3, v4  }
0xa6: {  	(v2sf) =	vpush v3, $0x0;
	_ =	sdelay $0x9  }
0xa7: {  	s0 =	sadd.s32 @!p0 $0x6, s18  }
0xa8: {  	s1 =	sshll.u32 @!p0 s0, $0xE  }
0xa9: {  	s0 =	sshll.u32 @!p0 s0, $0x7;
	s1 =	sand.u32 @!p0 $0x3E0000, s1  }
0xaa: {  	s0 =	sand.u32 @!p0 $0x300, s0;
	s1 =	sadd.s32 @!p0 s8, s1  }
0xab: {  	s3 =	sadd.s32 $0x2, s18;
	s4 =	simm.s32 @!p0 $0x4000;
	s0 =	sor.u32 @!p0 s0, s1  }
0xac: {  	s1 =	simm.s32 @!p0 $0x80;
	s0 =	sshrl.u32 @!p0 s0, $0x3;
	s31 =	spop (v2sf)  }
0xad: {  	s0 =	sadd.s32 @!p0 s2, s0;
	[smem:s3] =	sst s31;
	s3 =	simm.s32 @!p0 $0x400  }
0xae: {  	[tilespmem:s4], [sflag:$0x3] =	stream.strided.gather @!p0 [hbm4b:s0+s1], $0x2000, s3, s1, $0x38;
	[tilespmem:$0x14180] =	vst v63  }
0xaf: {  	_ =	swait.ge [sflag:s28], $0x2000  }
0xb0: {  	[sflag:s28] =	ssyncset.done $0x0  }
0xb1: {  	s0 =	simm.s32 $0x0;
	[sflag:s28] =	ssyncadd.s32 $0xFFFFE000  }
0xb2: {  	v12 =	vld [tilespmem:s0+$0x6040]  }
0xb3: {  	v4 =	vld [tilespmem:s0+$0x6050]  }
0xb4: {  	v3 =	vld [tilespmem:s0+$0x6060]  }
0xb5: {  	v7 =	vld [tilespmem:s0+$0x6000]  }
0xb6: {  	v9 =	vimm.f32 $-Inf;
	v6 =	vld [tilespmem:s0+$0x6010]  }
0xb7: {  	v5 =	vimm.f32 $-Inf;
	v11 =	vimm.f32 $-Inf;
	v8 =	vimm.f32 $-Inf;
	s1 =	simm.s32 $0x200;
	v10 =	vld [tilespmem:s0+$0x6020]  }
.LBB2_9:
0xb8: {  	p1 =	sne.s32 s1, $0x7E00;
	v13 =	vld [tilespmem:s0+$0x6030];
	v14 =	vmov v4  }
0xb9: {  	v15 =	vld [tilespmem:s0+$0x6070];
	s0 =	sshra.s32 s1, $0x2;
	v16 =	vmov v3  }
0xba: {  	v17 =	vld [tilespmem:s0+$0x6040]  }
.Ltmp3:
0xbb: {  	v5 =	vmax.f32 v5, v7;
	v4 =	vld [tilespmem:s0+$0x6050];
	(pc) =	sbr.rel @p1 .LBB2_9-.Ltmp3, $4  }
0xbc: {  	v5 =	vmax.f32 v5, v12;
	v3 =	vld [tilespmem:s0+$0x6060]  }
0xbd: {  	v8 =	vmax.f32 v8, v6;
	v9 =	vmax.f32 v9, v10;
	v7 =	vld [tilespmem:s0+$0x6000];
	v10 =	vmax.f32 v11, v13  }
0xbe: {  	v8 =	vmax.f32 v8, v14;
	v9 =	vmax.f32 v9, v16;
	v6 =	vld [tilespmem:s0+$0x6010];
	v11 =	vmax.f32 v10, v15  }
0xbf: {  	s1 =	sadd.s32 $0x200, s1;
	v10 =	vld [tilespmem:s0+$0x6020];
	v12 =	vmov v17  }
0xc0: {  	v13 =	vld [tilespmem:s0+$0x6030]  }
0xc1: {  	v14 =	vld [tilespmem:s0+$0x6070];
	_ =	sdelay $0x1  }
0xc2: {  	v5 =	vmax.f32 v5, v7  }
0xc3: {  	v5 =	vmax.f32 v5, v12  }
0xc4: {  	v6 =	vmax.f32 v8, v6;
	v57 =	vmax.f32 v9, v10;
	v58 =	vmax.f32 v11, v13  }
0xc5: {  	v4 =	vmax.f32 v6, v4;
	v3 =	vmax.f32 v57, v3;
	v59 =	vmax.f32 v58, v14  }
0xc6: {  	v4 =	vmax.f32 v5, v4;
	v3 =	vmax.f32 v3, v59  }
0xc7: {  	v3 =	vmax.f32 v4, v3  }
0xc8: {  	[tilespmem:$0x14100] =	vst v3  }
0xc9: {  	v60 =	vld [tilespmem:$0x14108];
	_ =	sdelay $0x4  }
0xca: {  	v3 =	vmax.f32 v3, v60  }
0xcb: {  	[tilespmem:$0x14100] =	vst v3  }
0xcc: {  	v61 =	vld [tilespmem:$0x14104];
	_ =	sdelay $0x4  }
0xcd: {  	v3 =	vmax.f32 v3, v61  }
0xce: {  	[tilespmem:$0x14100] =	vst v3  }
0xcf: {  	v62 =	vld [tilespmem:$0x14102];
	_ =	sdelay $0x4  }
0xd0: {  	v3 =	vmax.f32 v3, v62  }
0xd1: {  	[tilespmem:$0x14100] =	vst v3  }
0xd2: {  	v63 =	vld [tilespmem:$0x14101];
	_ =	sdelay $0x4  }
0xd3: {  	v3 =	vmax.f32 v3, v63  }
0xd4: {  	(v2sf) =	vpush v3, $0x0;
	_ =	sdelay $0xb  }
.Ltmp4:
0xd5: {  	_ = 	snop;
	(pc) =	sbr.rel @p0 .LBB2_12-.Ltmp4, $3  }
0xd6: {  	_ =	sdelay $0x1  }
0xd7: {  	s1 =	sadd.s32 $0x3, s18;
	s31 =	spop (v2sf)  }
0xd8: {  	[smem:s1] =	sst s31  }
0xd9: {  	s0 =	sadd.s32 $0x7, s18  }
0xda: {  	s1 =	sshll.u32 s0, $0xE  }
0xdb: {  	s0 =	sshll.u32 s0, $0x7;
	s1 =	sand.u32 $0x3E0000, s1  }
.Ltmp5:
0xdc: {  	s0 =	sand.u32 $0x380, s0;
	s1 =	sadd.s32 s8, s1;
	(pc) =	sbr.rel .LBB2_2-.Ltmp5, $4  }
0xdd: {  	s0 =	sor.u32 s0, s1  }
0xde: {  	s0 =	sshrl.u32 s0, $0x3  }
0xdf: {  	s17 =	sadd.s32 $0x1, s17;
	s0 =	sadd.s32 s2, s0  }
0xe0: {  	[tilespmem:s6], [sflag:$0x4] =	stream.strided.gather [hbm4b:s0+s15], $0x2000, s5, s15, $0x38;
	[tilespmem:$0x14180] =	vst v63  }
.LBB2_12:
0xe1: {  	s0 =	simm.s32 $0x5  }
0xe2: {  	_ =	swait.ge [sflag:s0], $0x4000  }
0xe3: {  	[sflag:s0] =	ssyncset.done $0x0  }
0xe4: {  	[sflag:s0] =	ssyncadd.s32 $0xFFFFC000  }
0xe5: {  	_ =	swait.ge [sflag:s0], $0x4000  }
0xe6: {  	[sflag:s0] =	ssyncset.done $0x0  }
0xe7: {  	[sflag:s0] =	ssyncadd.s32 $0xFFFFC000  }
0xe8: {  	_ =	swait.ge [sflag:s0], $0x4000  }
0xe9: {  	[sflag:s0] =	ssyncset.done $0x0  }
0xea: {  	[sflag:s0] =	ssyncadd.s32 $0xFFFFC000;
	s0 =	simm.s32 $0x0  }
0xeb: {  	v12 =	vld [tilespmem:s0+$0x8040]  }
0xec: {  	v4 =	vld [tilespmem:s0+$0x8050]  }
0xed: {  	v3 =	vld [tilespmem:s0+$0x8060]  }
0xee: {  	v7 =	vld [tilespmem:s0+$0x8000]  }
0xef: {  	v5 =	vimm.f32 $-Inf;
	v6 =	vld [tilespmem:s0+$0x8010]  }
0xf0: {  	s1 =	simm.s32 $0x200;
	v8 =	vimm.f32 $-Inf;
	v9 =	vimm.f32 $-Inf;
	v11 =	vimm.f32 $-Inf;
	v10 =	vld [tilespmem:s0+$0x8020]  }
.LBB2_13:
0xf1: {  	p0 =	sne.s32 s1, $0xFE00;
	v13 =	vld [tilespmem:s0+$0x8030];
	v14 =	vmov v4  }
0xf2: {  	v15 =	vld [tilespmem:s0+$0x8070];
	s0 =	sshra.s32 s1, $0x2;
	v16 =	vmov v3  }
0xf3: {  	v17 =	vld [tilespmem:s0+$0x8040]  }
.Ltmp6:
0xf4: {  	v5 =	vmax.f32 v5, v7;
	v4 =	vld [tilespmem:s0+$0x8050];
	(pc) =	sbr.rel @p0 .LBB2_13-.Ltmp6, $4  }
0xf5: {  	v5 =	vmax.f32 v5, v12;
	v3 =	vld [tilespmem:s0+$0x8060]  }
0xf6: {  	v8 =	vmax.f32 v8, v6;
	v9 =	vmax.f32 v9, v10;
	v7 =	vld [tilespmem:s0+$0x8000];
	v10 =	vmax.f32 v11, v13  }
0xf7: {  	v8 =	vmax.f32 v8, v14;
	v9 =	vmax.f32 v9, v16;
	v6 =	vld [tilespmem:s0+$0x8010];
	v11 =	vmax.f32 v10, v15  }
0xf8: {  	s1 =	sadd.s32 $0x200, s1;
	v10 =	vld [tilespmem:s0+$0x8020];
	v12 =	vmov v17  }
0xf9: {  	v13 =	vld [tilespmem:s0+$0x8030]  }
0xfa: {  	v14 =	vld [tilespmem:s0+$0x8070];
	_ =	sdelay $0x1  }
0xfb: {  	v5 =	vmax.f32 v5, v7  }
0xfc: {  	v5 =	vmax.f32 v5, v12  }
0xfd: {  	v6 =	vmax.f32 v8, v6;
	v7 =	vmax.f32 v9, v10;
	v8 =	vmax.f32 v11, v13  }
0xfe: {  	v4 =	vmax.f32 v6, v4;
	v3 =	vmax.f32 v7, v3;
	v6 =	vmax.f32 v8, v14  }
0xff: {  	v4 =	vmax.f32 v5, v4;
	v3 =	vmax.f32 v3, v6  }
0x100: {  	v3 =	vmax.f32 v4, v3  }
0x101: {  	[tilespmem:$0x14100] =	vst v3  }
0x102: {  	v4 =	vld [tilespmem:$0x14108];
	_ =	sdelay $0x4  }
0x103: {  	v3 =	vmax.f32 v3, v4  }
0x104: {  	[tilespmem:$0x14100] =	vst v3  }
0x105: {  	v4 =	vld [tilespmem:$0x14104];
	_ =	sdelay $0x4  }
0x106: {  	v3 =	vmax.f32 v3, v4  }
0x107: {  	[tilespmem:$0x14100] =	vst v3  }
0x108: {  	v4 =	vld [tilespmem:$0x14102];
	_ =	sdelay $0x4  }
0x109: {  	v3 =	vmax.f32 v3, v4  }
0x10a: {  	[tilespmem:$0x14100] =	vst v3  }
0x10b: {  	v4 =	vld [tilespmem:$0x14101];
	_ =	sdelay $0x4  }
0x10c: {  	v3 =	vmax.f32 v3, v4  }
0x10d: {  	(v2sf) =	vpush v3, $0x0;
	_ =	sdelay $0x9  }
0x10e: {  	s0 =	simm.s32 $0x0  }
0x10f: {  	v9 =	vld [tilespmem:s0+$0xC040]  }
0x110: {  	v5 =	vld [tilespmem:s0+$0xC050]  }
0x111: {  	v4 =	vld [tilespmem:s0+$0xC060]  }
0x112: {  	v7 =	vld [tilespmem:s0+$0xC000]  }
0x113: {  	v10 =	vimm.f32 $-Inf;
	v8 =	vld [tilespmem:s0+$0xC010];
	s1 =	spop (v2sf)  }
0x114: {  	v11 =	vimm.f32 $-Inf;
	v13 =	vimm.f32 $-Inf;
	v6 =	vimm.f32 $-Inf;
	v12 =	vld [tilespmem:s0+$0xC020];
	[smem:$0x80] =	sst s1;
	s1 =	simm.s32 $0x200  }
.LBB2_15:
0x115: {  	p0 =	sne.s32 s1, $0xFE00;
	v14 =	vld [tilespmem:s0+$0xC030];
	v15 =	vmov v5  }
0x116: {  	v16 =	vld [tilespmem:s0+$0xC070];
	s0 =	sshra.s32 s1, $0x2;
	v17 =	vmov v4  }
0x117: {  	v18 =	vld [tilespmem:s0+$0xC040]  }
.Ltmp7:
0x118: {  	v6 =	vmax.f32 v6, v7;
	v5 =	vld [tilespmem:s0+$0xC050];
	(pc) =	sbr.rel @p0 .LBB2_15-.Ltmp7, $4  }
0x119: {  	v6 =	vmax.f32 v6, v9;
	v4 =	vld [tilespmem:s0+$0xC060]  }
0x11a: {  	v19 =	vmax.f32 v10, v8;
	v11 =	vmax.f32 v11, v12;
	v7 =	vld [tilespmem:s0+$0xC000];
	v12 =	vmax.f32 v13, v14  }
0x11b: {  	v10 =	vmax.f32 v19, v15;
	v11 =	vmax.f32 v11, v17;
	v8 =	vld [tilespmem:s0+$0xC010];
	v13 =	vmax.f32 v12, v16  }
0x11c: {  	s1 =	sadd.s32 $0x200, s1;
	v12 =	vld [tilespmem:s0+$0xC020];
	v9 =	vmov v18  }
0x11d: {  	v14 =	vld [tilespmem:s0+$0xC030]  }
0x11e: {  	v15 =	vld [tilespmem:s0+$0xC070];
	_ =	sdelay $0x1  }
0x11f: {  	v6 =	vmax.f32 v6, v7  }
0x120: {  	v6 =	vmax.f32 v6, v9  }
0x121: {  	v7 =	vmax.f32 v10, v8;
	v8 =	vmax.f32 v11, v12;
	v9 =	vmax.f32 v13, v14  }
0x122: {  	v5 =	vmax.f32 v7, v5;
	v4 =	vmax.f32 v8, v4;
	v7 =	vmax.f32 v9, v15  }
0x123: {  	v5 =	vmax.f32 v6, v5;
	v4 =	vmax.f32 v4, v7  }
0x124: {  	v4 =	vmax.f32 v5, v4  }
0x125: {  	[tilespmem:$0x14100] =	vst v4  }
0x126: {  	v5 =	vld [tilespmem:$0x14108];
	_ =	sdelay $0x4  }
0x127: {  	v4 =	vmax.f32 v4, v5  }
0x128: {  	[tilespmem:$0x14100] =	vst v4  }
0x129: {  	v5 =	vld [tilespmem:$0x14104];
	_ =	sdelay $0x4  }
0x12a: {  	v4 =	vmax.f32 v4, v5  }
0x12b: {  	[tilespmem:$0x14100] =	vst v4  }
0x12c: {  	v5 =	vld [tilespmem:$0x14102];
	_ =	sdelay $0x4  }
0x12d: {  	v4 =	vmax.f32 v4, v5  }
0x12e: {  	[tilespmem:$0x14100] =	vst v4  }
0x12f: {  	v5 =	vld [tilespmem:$0x14101];
	_ =	sdelay $0x4  }
0x130: {  	v4 =	vmax.f32 v4, v5  }
0x131: {  	(v2sf) =	vpush v4, $0x0;
	_ =	sdelay $0x9  }
0x132: {  	s0 =	simm.s32 $0x0  }
0x133: {  	v10 =	vld [tilespmem:s0+$0x10040]  }
0x134: {  	v6 =	vld [tilespmem:s0+$0x10050]  }
0x135: {  	v5 =	vld [tilespmem:s0+$0x10060]  }
0x136: {  	v8 =	vld [tilespmem:s0+$0x10000]  }
0x137: {  	v11 =	vimm.f32 $-Inf;
	v9 =	vld [tilespmem:s0+$0x10010];
	s1 =	spop (v2sf)  }
0x138: {  	v12 =	vimm.f32 $-Inf;
	v14 =	vimm.f32 $-Inf;
	v7 =	vimm.f32 $-Inf;
	v13 =	vld [tilespmem:s0+$0x10020];
	[smem:$0x81] =	sst s1;
	s1 =	simm.s32 $0x200  }
.LBB2_17:
0x139: {  	p0 =	sne.s32 s1, $0xFE00;
	v15 =	vld [tilespmem:s0+$0x10030];
	v16 =	vmov v6  }
0x13a: {  	v17 =	vld [tilespmem:s0+$0x10070];
	s0 =	sshra.s32 s1, $0x2;
	v18 =	vmov v5  }
0x13b: {  	v19 =	vld [tilespmem:s0+$0x10040]  }
.Ltmp8:
0x13c: {  	v7 =	vmax.f32 v7, v8;
	v6 =	vld [tilespmem:s0+$0x10050];
	(pc) =	sbr.rel @p0 .LBB2_17-.Ltmp8, $4  }
0x13d: {  	v7 =	vmax.f32 v7, v10;
	v5 =	vld [tilespmem:s0+$0x10060]  }
0x13e: {  	v20 =	vmax.f32 v11, v9;
	v12 =	vmax.f32 v12, v13;
	v8 =	vld [tilespmem:s0+$0x10000];
	v13 =	vmax.f32 v14, v15  }
0x13f: {  	v11 =	vmax.f32 v20, v16;
	v12 =	vmax.f32 v12, v18;
	v9 =	vld [tilespmem:s0+$0x10010];
	v14 =	vmax.f32 v13, v17  }
0x140: {  	s1 =	sadd.s32 $0x200, s1;
	v13 =	vld [tilespmem:s0+$0x10020];
	v10 =	vmov v19  }
0x141: {  	v15 =	vld [tilespmem:s0+$0x10030]  }
0x142: {  	v16 =	vld [tilespmem:s0+$0x10070];
	_ =	sdelay $0x1  }
0x143: {  	v7 =	vmax.f32 v7, v8  }
0x144: {  	v7 =	vmax.f32 v7, v10  }
0x145: {  	v40 =	vmax.f32 v11, v9;
	v41 =	vmax.f32 v12, v13;
	v42 =	vmax.f32 v14, v15  }
0x146: {  	v6 =	vmax.f32 v40, v6;
	v5 =	vmax.f32 v41, v5;
	v43 =	vmax.f32 v42, v16  }
0x147: {  	v6 =	vmax.f32 v7, v6;
	v5 =	vmax.f32 v5, v43  }
0x148: {  	v5 =	vmax.f32 v6, v5  }
0x149: {  	[tilespmem:$0x14100] =	vst v5  }
0x14a: {  	v44 =	vld [tilespmem:$0x14108];
	_ =	sdelay $0x4  }
0x14b: {  	v5 =	vmax.f32 v5, v44  }
0x14c: {  	[tilespmem:$0x14100] =	vst v5  }
0x14d: {  	v45 =	vld [tilespmem:$0x14104];
	_ =	sdelay $0x4  }
0x14e: {  	v5 =	vmax.f32 v5, v45  }
0x14f: {  	[tilespmem:$0x14100] =	vst v5  }
0x150: {  	v46 =	vld [tilespmem:$0x14102];
	_ =	sdelay $0x4  }
0x151: {  	v5 =	vmax.f32 v5, v46  }
0x152: {  	[tilespmem:$0x14100] =	vst v5  }
0x153: {  	v47 =	vld [tilespmem:$0x14101];
	_ =	sdelay $0x4  }
0x154: {  	v5 =	vmax.f32 v5, v47  }
0x155: {  	(v2sf) =	vpush v5, $0x0;
	_ =	sdelay $0xe  }
0x156: {  	s23 =	spop (v2sf)  }
0x157: {  	[smem:$0x82] =	sst s23  }
0x158: {  	[smem:$0x83] =	sst s9  }
0x159: {  	[smem:$0x84] =	sst s9  }
0x15a: {  	[smem:$0x85] =	sst s9  }
0x15b: {  	[smem:$0x86] =	sst s9  }
0x15c: {  	[smem:$0x87] =	sst s9  }
0x15d: {  	[smem:$0x88] =	sst s9  }
0x15e: {  	[smem:$0x89] =	sst s9  }
0x15f: {  	[smem:$0x8A] =	sst s9  }
0x160: {  	[smem:$0x8B] =	sst s9  }
0x161: {  	[smem:$0x8C] =	sst s9  }
0x162: {  	[smem:$0x8D] =	sst s9  }
0x163: {  	[smem:$0x8E] =	sst s9  }
0x164: {  	[smem:$0x8F] =	sst s9  }
0x165: {  	s20 =	sld [smem:$0x0]  }
0x166: {  	s3 =	sld [smem:$0x1]  }
0x167: {  	s5 =	sld [smem:$0x2]  }
0x168: {  	s10 =	sld [smem:$0x3]  }
0x169: {  	s11 =	sld [smem:$0x4]  }
0x16a: {  	s0 =	sld [smem:$0x5]  }
0x16b: {  	s29 =	sld [smem:$0x6]  }
0x16c: {  	s30 =	sld [smem:$0x7]  }
0x16d: {  	s31 =	sld [smem:$0x8]  }
0x16e: {  	s1 =	sld [smem:$0x9]  }
0x16f: {  	s4 =	sld [smem:$0xA]  }
0x170: {  	s6 =	sld [smem:$0xB]  }
0x171: {  	s7 =	sld [smem:$0xC]  }
0x172: {  	s9 =	sld [smem:$0xD]  }
0x173: {  	s12 =	sld [smem:$0xE]  }
0x174: {  	s19 =	sld [smem:$0xF]  }
0x175: {  	s22 =	sld [smem:$0x11]  }
0x176: {  	s13 =	sld [smem:$0x18]  }
0x177: {  	s14 =	sld [smem:$0x19]  }
0x178: {  	s16 =	sld [smem:$0x1A]  }
0x179: {  	s17 =	sld [smem:$0x1B]  }
0x17a: {  	s18 =	sld [smem:$0x1C]  }
0x17b: {  	s21 =	sld [smem:$0x1D]  }
0x17c: {  	s23 =	sld [smem:$0x1E]  }
0x17d: {  	[smem:$0x7CE] =	sst s0  }
0x17e: {  	[smem:$0x7CF] =	sst s29  }
0x17f: {  	[smem:$0x7D0] =	sst s30  }
0x180: {  	[smem:$0x7D1] =	sst s31  }
0x181: {  	[smem:$0x7D2] =	sst s1  }
0x182: {  	[smem:$0x7D3] =	sst s4  }
0x183: {  	[smem:$0x7D4] =	sst s6  }
0x184: {  	[smem:$0x7D6] =	sst s7  }
0x185: {  	[smem:$0x7D8] =	sst s9  }
0x186: {  	[smem:$0x7DA] =	sst s12  }
0x187: {  	s29 =	sld [smem:$0x10]  }
0x188: {  	s31 =	sld [smem:$0x12]  }
0x189: {  	s30 =	sld [smem:$0x13]  }
0x18a: {  	s1 =	sld [smem:$0x14]  }
0x18b: {  	s6 =	sld [smem:$0x15]  }
0x18c: {  	s7 =	sld [smem:$0x16]  }
0x18d: {  	s12 =	sld [smem:$0x17]  }
0x18e: {  	[smem:$0x7D5] =	sst s13  }
0x18f: {  	[smem:$0x7D7] =	sst s14  }
0x190: {  	[smem:$0x7D9] =	sst s16  }
0x191: {  	[smem:$0x7DB] =	sst s17  }
0x192: {  	[smem:$0x7DD] =	sst s18  }
0x193: {  	[smem:$0x7DF] =	sst s21  }
0x194: {  	[smem:$0x7E1] =	sst s23  }
0x195: {  	s21 =	sld [smem:$0x1F]  }
0x196: {  	s4 =	sld [smem:$0x20]  }
0x197: {  	s9 =	sld [smem:$0x21]  }
0x198: {  	s13 =	sld [smem:$0x22]  }
0x199: {  	s14 =	sld [smem:$0x23]  }
0x19a: {  	s16 =	sld [smem:$0x24]  }
0x19b: {  	s17 =	sld [smem:$0x25]  }
0x19c: {  	s18 =	sld [smem:$0x26]  }
0x19d: {  	s23 =	sld [smem:$0x27]  }
0x19e: {  	s0 =	sld [smem:$0x43]  }
0x19f: {  	v48 =	vmov s19;
	s19 =	sld [smem:$0x50]  }
0x1a0: {  	v6 =	vsel vm0, s20, v48;
	s20 =	sld [smem:$0x51]  }
0x1a1: {  	v6 =	vsel vm1, s3, v6;
	s3 =	sld [smem:$0x7D1]  }
0x1a2: {  	[smem:$0x7DC] =	sst s4  }
0x1a3: {  	[smem:$0x7DE] =	sst s9  }
0x1a4: {  	[smem:$0x7E0] =	sst s13  }
0x1a5: {  	[smem:$0x7E2] =	sst s14  }
0x1a6: {  	[smem:$0x7E3] =	sst s16  }
0x1a7: {  	[smem:$0x7E4] =	sst s17  }
0x1a8: {  	[smem:$0x7E6] =	sst s18  }
0x1a9: {  	[smem:$0x7E8] =	sst s23  }
0x1aa: {  	s4 =	sld [smem:$0x28]  }
0x1ab: {  	s9 =	sld [smem:$0x29]  }
0x1ac: {  	s13 =	sld [smem:$0x2A]  }
0x1ad: {  	s14 =	sld [smem:$0x2B]  }
0x1ae: {  	s16 =	sld [smem:$0x2C]  }
0x1af: {  	s17 =	sld [smem:$0x2D]  }
0x1b0: {  	s18 =	sld [smem:$0x2E]  }
0x1b1: {  	s23 =	sld [smem:$0x33]  }
0x1b2: {  	[smem:$0x7EB] =	sst s0  }
0x1b3: {  	s0 =	sld [smem:$0x44]  }
0x1b4: {  	[smem:$0x7F7] =	sst s19  }
0x1b5: {  	v6 =	vsel vm2, s5, v6;
	s5 =	sld [smem:$0x53]  }
0x1b6: {  	s19 =	sld [smem:$0x55]  }
0x1b7: {  	v49 =	vmov s21;
	s21 =	sld [smem:$0x56]  }
0x1b8: {  	[smem:$0x7F8] =	sst s20  }
0x1b9: {  	s20 =	sld [smem:$0x52]  }
0x1ba: {  	v6 =	vsel vm3, s10, v6;
	s10 =	sld [smem:$0x54]  }
0x1bb: {  	v7 =	vsel vm0, s29, v49;
	s29 =	sld [smem:$0x57]  }
0x1bc: {  	v7 =	vsel vm1, s22, v7;
	s22 =	sld [smem:$0x7CF]  }
0x1bd: {  	v6 =	vsel vm4, s11, v6;
	s11 =	sld [smem:$0x7D6]  }
0x1be: {  	[dreg:$0x1c] =	wrdreg s4  }
0x1bf: {  	[dreg:$0x18] =	wrdreg s9  }
0x1c0: {  	[dreg:$0x15] =	wrdreg s13  }
0x1c1: {  	[dreg:$0x13] =	wrdreg s14  }
0x1c2: {  	[dreg:$0x11] =	wrdreg s16  }
0x1c3: {  	[dreg:$0x10] =	wrdreg s17  }
0x1c4: {  	[dreg:$0xf] =	wrdreg s18  }
0x1c5: {  	s14 =	sld [smem:$0x2F]  }
0x1c6: {  	s4 =	sld [smem:$0x30]  }
0x1c7: {  	s17 =	sld [smem:$0x31]  }
0x1c8: {  	s18 =	sld [smem:$0x32]  }
0x1c9: {  	[smem:$0x7E5] =	sst s23  }
0x1ca: {  	s9 =	sld [smem:$0x34]  }
0x1cb: {  	s13 =	sld [smem:$0x35]  }
0x1cc: {  	s16 =	sld [smem:$0x36]  }
0x1cd: {  	s23 =	sld [smem:$0x37]  }
0x1ce: {  	[smem:$0x7ED] =	sst s0  }
0x1cf: {  	s0 =	sld [smem:$0x45]  }
0x1d0: {  	[smem:$0x7FA] =	sst s5  }
0x1d1: {  	[smem:$0x7FC] =	sst s19  }
0x1d2: {  	[smem:$0x7FD] =	sst s21  }
0x1d3: {  	v7 =	vsel vm2, s31, v7;
	s31 =	sld [smem:$0x58]  }
0x1d4: {  	s5 =	sld [smem:$0x7D2]  }
0x1d5: {  	s19 =	sld [smem:$0x7D8]  }
0x1d6: {  	s21 =	sld [smem:$0x7D9]  }
0x1d7: {  	[smem:$0x7F9] =	sst s20  }
0x1d8: {  	[smem:$0x7FB] =	sst s10  }
0x1d9: {  	s20 =	sld [smem:$0x7CE]  }
0x1da: {  	[dreg:$0x1e] =	wrdreg s29  }
0x1db: {  	v7 =	vsel vm3, s30, v7;
	s30 =	sld [smem:$0x7D0]  }
0x1dc: {  	s29 =	sld [smem:$0x5B]  }
0x1dd: {  	s10 =	sld [smem:$0x7D5]  }
0x1de: {  	v7 =	vsel vm4, s1, v7;
	s1 =	sld [smem:$0x5F]  }
0x1df: {  	[smem:$0x7E7] =	sst s9  }
0x1e0: {  	[smem:$0x7E9] =	sst s13  }
0x1e1: {  	[smem:$0x7EA] =	sst s16  }
0x1e2: {  	[smem:$0x7EC] =	sst s23  }
0x1e3: {  	s9 =	sld [smem:$0x38]  }
0x1e4: {  	s13 =	sld [smem:$0x39]  }
0x1e5: {  	s16 =	sld [smem:$0x3A]  }
0x1e6: {  	s23 =	sld [smem:$0x3B]  }
0x1e7: {  	[smem:$0x7EF] =	sst s0  }
0x1e8: {  	s0 =	sld [smem:$0x46]  }
0x1e9: {  	[dreg:$0x1b] =	wrdreg s31  }
0x1ea: {  	s31 =	sld [smem:$0x59]  }
0x1eb: {  	v7 =	vsel vm5, s6, v7;
	s6 =	sld [smem:$0x7D3]  }
0x1ec: {  	v50 =	vmov s14;
	s14 =	sld [smem:$0x7E1]  }
0x1ed: {  	v7 =	vsel vm6, s7, v7;
	s7 =	sld [smem:$0x7D4]  }
0x1ee: {  	v6 =	vsel vm5, s20, v6;
	s20 =	sld [smem:$0x5D]  }
0x1ef: {  	v6 =	vsel vm6, s22, v6;
	s22 =	sld [smem:$0x5C]  }
0x1f0: {  	v7 =	vsel vm7, s12, v7;
	s12 =	sld [smem:$0x7D7]  }
0x1f1: {  	v53 =	vmov s1;
	s1 =	sld [smem:$0x6E]  }
0x1f2: {  	[smem:$0x7EE] =	sst s9  }
0x1f3: {  	[smem:$0x7F0] =	sst s13  }
0x1f4: {  	[dreg:$0x1f] =	wrdreg s16  }
0x1f5: {  	[dreg:$0x1a] =	wrdreg s23  }
0x1f6: {  	s9 =	sld [smem:$0x3C]  }
0x1f7: {  	s13 =	sld [smem:$0x3D]  }
0x1f8: {  	s16 =	sld [smem:$0x3E]  }
0x1f9: {  	s23 =	sld [smem:$0x40]  }
0x1fa: {  	[smem:$0x7F1] =	sst s0  }
0x1fb: {  	s0 =	sld [smem:$0x47]  }
0x1fc: {  	v6 =	vsel vm7, s30, v6;
	s30 =	sld [smem:$0x5A]  }
0x1fd: {  	v7 =	vsel vm8, s10, v7;
	s10 =	sld [smem:$0x7DE]  }
0x1fe: {  	v6 =	vsel vm8, s3, v6;
	s3 =	sld [smem:$0x7DA]  }
0x1ff: {  	v6 =	vsel vm9, s5, v6;
	s5 =	sld [smem:$0x7DB]  }
0x200: {  	v7 =	vsel vm9, s12, v7;
	s12 =	sld [smem:$0x7E0]  }
0x201: {  	[dreg:$0x17] =	wrdreg s9  }
0x202: {  	[dreg:$0x14] =	wrdreg s13  }
0x203: {  	[dreg:$0x12] =	wrdreg s16  }
0x204: {  	s16 =	sld [smem:$0x3F]  }
0x205: {  	s9 =	sld [smem:$0x41]  }
0x206: {  	s13 =	sld [smem:$0x42]  }
0x207: {  	[smem:$0x7F2] =	sst s0  }
0x208: {  	s0 =	sld [smem:$0x48]  }
0x209: {  	v6 =	vsel vm10, s6, v6;
	s6 =	sld [smem:$0x7DC]  }
0x20a: {  	v7 =	vsel vm10, s21, v7;
	s21 =	sld [smem:$0x7E3]  }
0x20b: {  	v6 =	vsel vm11, s7, v6;
	s7 =	sld [smem:$0x7DD]  }
0x20c: {  	v7 =	vsel vm11, s5, v7;
	s5 =	sld [smem:$0x60]  }
0x20d: {  	v6 =	vsel vm12, s11, v6;
	s11 =	sld [smem:$0x7DF]  }
0x20e: {  	[smem:$0x7F3] =	sst s0  }
0x20f: {  	s0 =	sld [smem:$0x49]  }
0x210: {  	v6 =	vsel vm13, s19, v6;
	s19 =	sld [smem:$0x5E]  }
0x211: {  	v51 =	vmov s16;
	s16 =	sld [smem:$0x7E2]  }
0x212: {  	v8 =	vsel vm0, s6, v50;
	s6 =	sld [smem:$0x7E4]  }
0x213: {  	v9 =	vsel vm0, s4, v51;
	s4 =	sld [smem:$0x61]  }
0x214: {  	v7 =	vsel vm12, s7, v7;
	s7 =	sld [smem:$0x62]  }
0x215: {  	v8 =	vsel vm1, s10, v8;
	s10 =	sld [smem:$0x63]  }
0x216: {  	v6 =	vsel vm14, s3, v6;
	s3 =	rddreg [dreg:$0x18]  }
0x217: {  	v7 =	vsel vm13, s11, v7;
	s11 =	sld [smem:$0x7E5]  }
0x218: {  	v8 =	vsel vm2, s12, v8;
	s12 =	sld [smem:$0x7E6]  }
0x219: {  	v9 =	vsel vm1, s17, v9;
	s17 =	sld [smem:$0x7E9]  }
0x21a: {  	[smem:$0x7F4] =	sst s0  }
0x21b: {  	s0 =	sld [smem:$0x4A]  }
0x21c: {  	v7 =	vsel vm14, s14, v7;
	s14 =	sld [smem:$0x7E7]  }
0x21d: {  	v8 =	vsel vm3, s16, v8;
	s16 =	sld [smem:$0x7E8]  }
0x21e: {  	v9 =	vsel vm2, s18, v9;
	s18 =	rddreg [dreg:$0x1c]  }
0x21f: {  	v8 =	vsel vm4, s21, v8;
	s21 =	sld [smem:$0x7EA]  }
0x220: {  	v9 =	vsel vm3, s11, v9;
	s11 =	sld [smem:$0x64]  }
0x221: {  	v8 =	vsel vm5, s6, v8;
	s6 =	sld [smem:$0x7EC]  }
0x222: {  	[smem:$0x7F5] =	sst s0  }
0x223: {  	s0 =	sld [smem:$0x4B]  }
0x224: {  	v8 =	vsel vm6, s12, v8;
	s12 =	sld [smem:$0x65]  }
0x225: {  	v9 =	vsel vm4, s14, v9;
	s14 =	sld [smem:$0x7ED]  }
0x226: {  	v8 =	vsel vm7, s16, v8;
	s16 =	rddreg [dreg:$0x15]  }
0x227: {  	v9 =	vsel vm5, s17, v9;
	s17 =	sld [smem:$0x7EE]  }
0x228: {  	[smem:$0x7F6] =	sst s0  }
0x229: {  	s0 =	sld [smem:$0x4C]  }
0x22a: {  	v8 =	vsel vm8, s18, v8;
	s18 =	sld [smem:$0x7EF]  }
0x22b: {  	v9 =	vsel vm6, s21, v9;
	s21 =	rddreg [dreg:$0x13]  }
0x22c: {  	[dreg:$0x1d] =	wrdreg s0  }
0x22d: {  	s0 =	sld [smem:$0x4D]  }
0x22e: {  	v8 =	vsel vm9, s3, v8;
	s3 =	sld [smem:$0x7F1]  }
0x22f: {  	v9 =	vsel vm7, s6, v9;
	s6 =	rddreg [dreg:$0x11]  }
0x230: {  	[dreg:$0x19] =	wrdreg s0  }
0x231: {  	s0 =	sld [smem:$0x4E]  }
0x232: {  	v8 =	vsel vm10, s16, v8;
	s16 =	sld [smem:$0x69]  }
0x233: {  	v9 =	vsel vm8, s17, v9;
	s17 =	sld [smem:$0x6A]  }
0x234: {  	[dreg:$0x16] =	wrdreg s0  }
0x235: {  	s0 =	sld [smem:$0x4F]  }
0x236: {  	v8 =	vsel vm11, s21, v8;
	s21 =	sld [smem:$0x7F2]  }
0x237: {  	v8 =	vsel vm12, s6, v8;
	s6 =	rddreg [dreg:$0x1a]  }
0x238: {  	v52 =	vmov s0;
	s0 =	sld [smem:$0x6D]  }
0x239: {  	v10 =	vsel vm0, s23, v52;
	s23 =	sld [smem:$0x7EB]  }
0x23a: {  	v10 =	vsel vm1, s9, v10;
	s9 =	sld [smem:$0x66]  }
0x23b: {  	v10 =	vsel vm2, s13, v10;
	s13 =	sld [smem:$0x67]  }
0x23c: {  	v10 =	vsel vm3, s23, v10;
	s23 =	sld [smem:$0x7F0]  }
0x23d: {  	v10 =	vsel vm4, s14, v10;
	s14 =	sld [smem:$0x68]  }
0x23e: {  	v10 =	vsel vm5, s18, v10;
	s18 =	rddreg [dreg:$0x1f]  }
0x23f: {  	v10 =	vsel vm6, s3, v10;
	s3 =	sld [smem:$0x6B]  }
0x240: {  	v9 =	vsel vm9, s23, v9;
	s23 =	rddreg [dreg:$0x10]  }
0x241: {  	v9 =	vsel vm10, s18, v9;
	s18 =	sld [smem:$0x7F3]  }
0x242: {  	v10 =	vsel vm7, s21, v10;
	s21 =	rddreg [dreg:$0xf]  }
0x243: {  	v8 =	vsel vm13, s23, v8;
	s23 =	rddreg [dreg:$0x17]  }
0x244: {  	v9 =	vsel vm11, s6, v9;
	s6 =	sld [smem:$0x6C]  }
0x245: {  	v10 =	vsel vm8, s18, v10;
	s18 =	sld [smem:$0x7F4]  }
0x246: {  	v9 =	vsel vm12, s23, v9;
	s23 =	sld [smem:$0x7F5]  }
0x247: {  	v8 =	vsel vm14, s21, v8;
	s21 =	rddreg [dreg:$0x14]  }
0x248: {  	v9 =	vsel vm13, s21, v9;
	s21 =	rddreg [dreg:$0x12];
	v10 =	vsel vm9, s18, v10  }
0x249: {  	v10 =	vsel vm10, s23, v10;
	s23 =	sld [smem:$0x7F6]  }
0x24a: {  	v9 =	vsel vm14, s21, v9;
	s21 =	sld [smem:$0x7F7]  }
0x24b: {  	s18 =	sld [smem:$0x6F]  }
0x24c: {  	v10 =	vsel vm11, s23, v10;
	s23 =	rddreg [dreg:$0x1d]  }
0x24d: {  	v10 =	vsel vm12, s23, v10;
	s23 =	sld [smem:$0x7F8]  }
0x24e: {  	v11 =	vsel vm0, s21, v53;
	s21 =	sld [smem:$0x7FC]  }
0x24f: {  	v54 =	vmov s18;
	s18 =	sld [smem:$0x7F]  }
0x250: {  	v61 =	vld [tilespmem:$0x1FFF0];
	v11 =	vsel vm1, s23, v11;
	s23 =	rddreg [dreg:$0x19]  }
0x251: {  	v10 =	vsel vm13, s23, v10;
	s23 =	sld [smem:$0x7F9]  }
0x252: {  	v12 =	vsel vm0, s5, v54;
	s5 =	sld [smem:$0x70]  }
0x253: {  	v12 =	vsel vm1, s4, v12;
	s4 =	sld [smem:$0x71]  }
0x254: {  	v11 =	vsel vm2, s23, v11;
	s23 =	rddreg [dreg:$0x16]  }
0x255: {  	vm15 =	vnez.u8 v61;
	v10 =	vsel vm14, s23, v10;
	s23 =	sld [smem:$0x7FA]  }
0x256: {  	v3 =	vnsel vm15, $0x0, v3;
	v12 =	vsel vm2, s7, v12;
	s7 =	sld [smem:$0x72]  }
0x257: {  	v4 =	vperm.xlane v4, v1;
	v3 =	vperm.xlane v3, v2;
	v55 =	vmov s18;
	s18 =	rddreg [dreg:$0x1e]  }
0x258: {  	vm15 =	vcmask $0x30C;
	v11 =	vsel vm3, s23, v11;
	s23 =	sld [smem:$0x7FB]  }
0x259: {  	v3 =	vsel vm15, v3, v4;
	v13 =	vsel vm0, s5, v55;
	s5 =	sld [smem:$0x73]  }
0x25a: {  	v3 =	vperm.xlane v3, v2;
	v5 =	vperm.xlane v5, v1;
	v12 =	vsel vm3, s10, v12;
	s10 =	sld [smem:$0x76]  }
0x25b: {  	vm15 =	vcmask $0x70C;
	v11 =	vsel vm4, s23, v11;
	s23 =	sld [smem:$0x7FD]  }
0x25c: {  	v3 =	vsel vm15, v3, v5;
	v13 =	vsel vm1, s4, v13;
	s4 =	sld [smem:$0x74]  }
0x25d: {  	v12 =	vsel vm4, s11, v12;
	v13 =	vsel vm2, s7, v13;
	v11 =	vsel vm5, s21, v11;
	s21 =	sld [smem:$0x75]  }
0x25e: {  	s11 =	sld [smem:$0x77];
	v12 =	vsel vm5, s12, v12;
	v13 =	vsel vm3, s5, v13;
	v11 =	vsel vm6, s23, v11  }
0x25f: {  	v12 =	vsel vm6, s9, v12;
	v13 =	vsel vm4, s4, v13;
	s23 =	rddreg [dreg:$0x1b];
	v11 =	vsel vm7, s18, v11  }
0x260: {  	s12 =	sld [smem:$0x78];
	v12 =	vsel vm7, s13, v12;
	v13 =	vsel vm5, s21, v13;
	v11 =	vsel vm8, s23, v11  }
0x261: {  	s13 =	sld [smem:$0x79];
	v12 =	vsel vm8, s14, v12;
	v13 =	vsel vm6, s10, v13;
	v11 =	vsel vm9, s31, v11  }
0x262: {  	[tilespmem:$0x14080] =	vst v3;
	s14 =	sld [smem:$0x7A];
	v12 =	vsel vm9, s16, v12;
	v13 =	vsel vm7, s11, v13;
	v11 =	vsel vm10, s30, v11  }
0x263: {  	[tilespmem:$0x14000] =	vst v6;
	s16 =	sld [smem:$0x7B];
	v12 =	vsel vm10, s17, v12;
	v58 =	vsel vm8, s12, v13;
	v11 =	vsel vm11, s29, v11  }
0x264: {  	[tilespmem:$0x14010] =	vst v7;
	s17 =	sld [smem:$0x7C];
	v57 =	vsel vm11, s3, v12;
	v60 =	vsel vm9, s13, v58;
	v11 =	vsel vm12, s22, v11  }
0x265: {  	[tilespmem:$0x14020] =	vst v8;
	v59 =	vsel vm12, s6, v57;
	s18 =	sld [smem:$0x7D];
	v62 =	vsel vm10, s14, v60;
	v56 =	vsel vm13, s20, v11  }
0x266: {  	[tilespmem:$0x14030] =	vst v9;
	v7 =	vsel vm13, s0, v59;
	v8 =	vsel vm11, s16, v62;
	v6 =	vsel vm14, s19, v56;
	s19 =	sld [smem:$0x7E]  }
0x267: {  	[tilespmem:$0x14040] =	vst v10;
	v7 =	vsel vm14, s1, v7;
	v8 =	vsel vm12, s17, v8  }
0x268: {  	[tilespmem:$0x14060] =	vst v7;
	v63 =	vsel vm13, s18, v8  }
0x269: {  	s9 =	simm.s32 $0x0;
	[tilespmem:$0x14050] =	vst v6;
	v4 =	vsel vm14, s19, v63  }
0x26a: {  	s21 =	simm.s32 $0x14000;
	s22 =	simm.s32 $0x6;
	s20 =	rddreg [dreg:$0xb];
	[tilespmem:$0x14070] =	vst v4  }
0x26b: {  	[hbm4b:s20+s9] =	stream.linear.scatter [tilespmem:s21], [sflag:$0x6], $0x80, $0x38;
	[tilespmem:$0x14180] =	vst v63  }
0x26c: {  	_ =	swait.ge [sflag:s22], $0x80  }
0x26d: {  	[sflag:s22] =	ssyncset.done $0x0  }
0x26e: {  	s29 =	simm.s32 $0x14080;
	s23 =	rddreg [dreg:$0xc];
	[sflag:s22] =	ssyncadd.s32 $0xFFFFFF80  }
0x26f: {  	[hbm4b:s23+s9] =	stream.linear.scatter [tilespmem:s29], [sflag:$0x6], $0x10, $0x38;
	[tilespmem:$0x14180] =	vst v63  }
0x270: {  	_ =	swait.ge [sflag:s22], $0x10  }
0x271: {  	s30 =	rddreg [dreg:$0xe]  }
0x272: {  	s31 =	rddreg [dreg:$0xd];
	s3 =	sadd.s32 $0x1, s30  }
0x273: {  	p0 =	sne.s32 s3, s31  }
.Ltmp9:
0x274: {  	_ = 	snop;
	(pc) =	sbr.rel @p0 .LBB2_1-.Ltmp9, $3  }
0x275: {  	_ =	sdelay $0x1  }
0x276: {  	[sflag:s22] =	ssyncset.done $0x0  }
0x277: {  	s5 =	simm.s32 $0x400;
	s6 =	simm.s32 $0x6000;
	[sflag:s22] =	ssyncadd.s32 $0xFFFFFFF0  }
0x278: {  	_ =	sfence.sel $0x180000  }
0x279: {  	[bflag:$0x0] =	sbarrier.arrive $0xFFFF  }
0x27a: {  	_ =	strace $0x90000047  }
0x27b: {  	s0 =	stileid.u32;
	[bflag:$0x2] =	sbarrier.arrive $0xFFFF  }
0x27c: {  	p0 =	sne.s32 s0, $0x0;
	s0 =	rddreg [dreg:$0x3]  }
0x27d: {  	s0 =	sadd.s32 @!p0 $0x100000, s0  }
0x27e: {  	[sflag:s0] =	ssyncadd.tile.s32 @!p0 $0x1;
	_ =	shalt  }
.Lfunc_end2:
_tile_overlayer_lowered:
.L_overlay_start_2:
0x27f: {  	(tag) =	ssettag $0x2  }
0x280: {  	s0 =	rddreg [dreg:$0x0];
	s2 =	stileid.u32  }
0x281: {  	s1 =	rddreg [dreg:$0x1];
	p0 =	sne.s32 s2, $0x0  }
0x282: {  	s3 =	rddreg [dreg:$0x2];
	[bflag:$0x3] =	sbarrier.arrive $0xFFFF;
	s2 =	simm.s32 @!p0 $0x1C06  }
0x283: {  	[timem:s3], [sflag:s2] =	dma.local @!p0 [hbm:s0], s1  }
0x284: {  	s0 =	simm.s32 @!p0 $0x6  }
0x285: {  	_ =	swait.ge @!p0 [sflag:s0], s1  }
0x286: {  	s1 =	ssub.s32 @!p0 $0x0, s1;
	[sflag:s0] =	ssyncset.done @!p0 $0x0  }
0x287: {  	[sflag:s0] =	ssyncadd.s32 @!p0 s1  }
0x288: {  	[bflag:$0x3] =	sbarrier.arrive $0xFFFF  }
0x289: {  	_ =	shalt  }

</sc_bundles>
